<compile_context>
chip_gen: v7x
topology: tpu7x:2x2x1
jax: 0.10.2.dev20260603
libtpu: 0.0.44.dev20260713+nightly
codegen_flags: <defaults>
</compile_context>

<pallas_src>
import functools

import jax
import jax.numpy as jnp
from jax import lax
from jax.experimental import pallas as pl
from jax.experimental.pallas import tpu as pltpu
from jax.experimental.pallas import tpu_sc as plsc

N = 10000
E = 320000
D = 128
H = 8
DH = 16
TOPO = 64

XW = 144
BLK = 2000
GRID = N // BLK
CHUNK = 128
NCHUNK = E // CHUNK
NWORK = 32
KMAX = -(-NCHUNK // NWORK)
NP = 10240
RPT = NP // 16
WSL = 128


def _seg_mats():
    k = lax.broadcasted_iota(jnp.int32, (D, H), 0) // DH
    h = lax.broadcasted_iota(jnp.int32, (D, H), 1)
    S = (k == h).astype(jnp.float32)
    return S, S.T


def _alpha_tail(xp, asf, adf):
    S, _ = _seg_mats()
    a_s = jnp.dot(xp * asf, S, preferred_element_type=jnp.float32)
    a_d = jnp.dot(xp * adf, S, preferred_element_type=jnp.float32)
    xpa = jnp.concatenate([xp, a_s, jnp.zeros_like(a_s)], axis=-1)
    adt = jnp.concatenate([a_d, a_d], axis=-1)
    return xpa, adt


def _proj_body(nf_ref, win_ref, bin_ref, w_ref, b_ref, asf_ref, adf_ref,
               x_ref, xpa_ref, adt_ref):
    x = jnp.dot(nf_ref[...], win_ref[...], preferred_element_type=jnp.float32)
    x = jnp.maximum(x + bin_ref[...], 0.0)
    xp = jnp.dot(x, w_ref[...], preferred_element_type=jnp.float32) + b_ref[...]
    x_ref[...] = x
    xpa_ref[...], adt_ref[...] = _alpha_tail(xp, asf_ref[...], adf_ref[...])


def _combine_body(acc_ref, x_ref, w_ref, b_ref, asf_ref, adf_ref,
                  xn_ref, xpa_ref, adt_ref):
    _, ST = _seg_mats()
    acc = acc_ref[0] + acc_ref[1]
    msg = acc[:, :D]
    den = acc[:, D:D + H] + 1e-9
    xn = jnp.maximum(msg / jnp.dot(den, ST, preferred_element_type=jnp.float32)
                     + x_ref[...], 0.0)
    xp = jnp.dot(xn, w_ref[...], preferred_element_type=jnp.float32) + b_ref[...]
    xn_ref[...] = xn
    xpa_ref[...], adt_ref[...] = _alpha_tail(xp, asf_ref[...], adf_ref[...])


def _final_body(acc_ref, x_ref, w_ref, b_ref, sum_ref):
    i = pl.program_id(0)
    _, ST = _seg_mats()
    acc = acc_ref[0] + acc_ref[1]
    msg = acc[:, :D]
    den = acc[:, D:D + H] + 1e-9
    xn = jnp.maximum(msg / jnp.dot(den, ST, preferred_element_type=jnp.float32)
                     + x_ref[...], 0.0)
    y = jnp.dot(xn, w_ref[...], preferred_element_type=jnp.float32) + b_ref[...]
    part = jnp.sum(y, axis=0, keepdims=True)

    @pl.when(i == 0)
    def _():
        sum_ref[...] = part

    @pl.when(i > 0)
    def _():
        sum_ref[...] = sum_ref[...] + part


def _head_body(sum_ref, prev_ref, wt1_ref, bt1_ref, wt2r_ref, bt2_ref,
               wi_ref, wh_ref, bi_ref, bh_ref,
               cur_ref, mem_ref, cp_ref):
    cur = sum_ref[...] * (1.0 / N)
    prev = prev_ref[...]
    diff = cur - prev
    h1 = jnp.tanh(jnp.dot(diff, wt1_ref[...], preferred_element_type=jnp.float32)
                  + bt1_ref[...])
    logit = jnp.sum(h1 * wt2r_ref[...], axis=-1, keepdims=True) + bt2_ref[...]
    cp_ref[...] = jax.nn.sigmoid(logit)

    def gru(h, xt):
        gi = jnp.dot(xt, wi_ref[...], preferred_element_type=jnp.float32) + bi_ref[...]
        gh = jnp.dot(h, wh_ref[...], preferred_element_type=jnp.float32) + bh_ref[...]
        r = jax.nn.sigmoid(gi[:, :D] + gh[:, :D])
        z = jax.nn.sigmoid(gi[:, D:2 * D] + gh[:, D:2 * D])
        n = jnp.tanh(gi[:, 2 * D:] + r * gh[:, 2 * D:])
        return (1.0 - z) * n + z * h

    h = gru(jnp.zeros((1, D), jnp.float32), prev)
    h = gru(h, cur)
    cur_ref[...] = cur
    mem_ref[...] = h


_f32 = jnp.float32


def _row_spec(w):
    return pl.BlockSpec((BLK, w), lambda i: (i, 0))


def _full_spec(shape):
    return pl.BlockSpec(shape, lambda i: tuple(0 for _ in shape))


_proj = pl.pallas_call(
    _proj_body,
    grid=(GRID,),
    in_specs=[_row_spec(D), _full_spec((D, D)), _full_spec((1, D)),
              _full_spec((D, D)), _full_spec((1, D)),
              _full_spec((1, D)), _full_spec((1, D))],
    out_specs=[_row_spec(D), _row_spec(XW), _row_spec(2 * H)],
    out_shape=[jax.ShapeDtypeStruct((N, D), _f32),
               jax.ShapeDtypeStruct((N, XW), _f32),
               jax.ShapeDtypeStruct((N, 2 * H), _f32)],
)

_combine = pl.pallas_call(
    _combine_body,
    grid=(GRID,),
    in_specs=[pl.BlockSpec((2, BLK, XW), lambda i: (0, i, 0)), _row_spec(D),
              _full_spec((D, D)), _full_spec((1, D)),
              _full_spec((1, D)), _full_spec((1, D))],
    out_specs=[_row_spec(D), _row_spec(XW), _row_spec(2 * H)],
    out_shape=[jax.ShapeDtypeStruct((N, D), _f32),
               jax.ShapeDtypeStruct((N, XW), _f32),
               jax.ShapeDtypeStruct((N, 2 * H), _f32)],
)

_final = pl.pallas_call(
    _final_body,
    grid=(GRID,),
    in_specs=[pl.BlockSpec((2, BLK, XW), lambda i: (0, i, 0)), _row_spec(D),
              _full_spec((D, D)), _full_spec((1, D))],
    out_specs=pl.BlockSpec((1, D), lambda i: (0, 0)),
    out_shape=jax.ShapeDtypeStruct((1, D), _f32),
)

_head = pl.pallas_call(
    _head_body,
    grid=(1,),
    in_specs=[_full_spec((1, D)), _full_spec((1, D)),
              _full_spec((D, TOPO)), _full_spec((1, TOPO)),
              _full_spec((1, TOPO)), _full_spec((1, 1)),
              _full_spec((D, 3 * D)), _full_spec((D, 3 * D)),
              _full_spec((1, 3 * D)), _full_spec((1, 3 * D))],
    out_specs=[_full_spec((1, D)), _full_spec((1, D)), _full_spec((1, 1))],
    out_shape=[jax.ShapeDtypeStruct((1, D), _f32),
               jax.ShapeDtypeStruct((1, D), _f32),
               jax.ShapeDtypeStruct((1, 1), _f32)],
)



def _vgather(v, idx):
    dn = lax.GatherDimensionNumbers(offset_dims=(), collapsed_slice_dims=(0,),
                                    start_index_map=(0,))
    return lax.gather(v, idx[:, None], dn, (1,),
                      mode=lax.GatherScatterMode.PROMISE_IN_BOUNDS)


def _sc_edge_body(xpa_hbm, adt_hbm, src_hbm, dst_hbm, acc_out,
                  acc_sh, bufx, bufad, sidx, didx,
                  semx, sema):
    c = lax.axis_index("c")
    s = lax.axis_index("s")
    wid = s * 2 + c
    base = s * RPT

    def zbody(r, _):
        for j in range(XW // 16):
            bufx[r, pl.ds(j * 16, 16)] = jnp.zeros((16,), jnp.float32)
        return 0
    lax.fori_loop(0, WSL, zbody, 0)

    for j in range(5):
        pltpu.sync_copy(bufx, acc_sh.at[pl.ds(base + j * WSL, WSL)])
    plsc.subcore_barrier()

    def chunk(k, _):
        cid = k * NWORK + wid

        @pl.when(cid < NCHUNK)
        def _():
            ebase = cid * CHUNK
            pltpu.sync_copy(src_hbm.at[pl.ds(ebase, CHUNK)], sidx)
            pltpu.sync_copy(dst_hbm.at[pl.ds(ebase, CHUNK)], didx)
            cpx = pltpu.async_copy(xpa_hbm.at[sidx], bufx, semx)
            cpa = pltpu.async_copy(adt_hbm.at[didx], bufad, sema)
            cpa.wait()
            cpx.wait()

            def ebody(e, _):
                dp = pl.ds(D, 16)
                v = bufx[e, dp] + bufad[e, pl.ds(0, 16)]
                v = jnp.where(v >= 0.0, v, 0.2 * v)
                pv = jnp.exp(v)
                bufx[e, dp] = pv
                for h in range(H):
                    sc = _vgather(pv, jnp.full((16,), h, jnp.int32))
                    d0 = pl.ds(h * DH, DH)
                    bufx[e, d0] = bufx[e, d0] * sc
                return 0
            lax.fori_loop(0, CHUNK, ebody, 0)

            pltpu.sync_copy(bufx, acc_sh.at[didx], add=True)
        return 0
    lax.fori_loop(0, KMAX, chunk, 0)
    plsc.subcore_barrier()

    for j in range(5):
        pltpu.sync_copy(acc_sh.at[pl.ds(base + j * WSL, WSL)], bufx)
        pltpu.sync_copy(bufx, acc_out.at[c, pl.ds(base + j * WSL, WSL)])


@functools.cache
def _sc_edge_call():
    return pl.kernel(
        _sc_edge_body,
        out_type=jax.ShapeDtypeStruct((2, NP, XW), _f32),
        mesh=plsc.VectorSubcoreMesh(core_axis_name="c", subcore_axis_name="s"),
        compiler_params=pltpu.CompilerParams(use_tc_tiling_on_sc=False),
        scratch_types=[
            pltpu.VMEM_SHARED((NP, XW), _f32),
            pltpu.VMEM((CHUNK, XW), _f32),
            pltpu.VMEM((CHUNK, 2 * H), _f32),
            pltpu.VMEM((CHUNK,), jnp.int32),
            pltpu.VMEM((CHUNK,), jnp.int32),
            pltpu.SemaphoreType.DMA,
            pltpu.SemaphoreType.DMA,
        ],
    )


def kernel(node_features, edge_index, previous_embedding, params):
    p = params
    src = edge_index[0]
    dst = edge_index[1]

    def row(v):
        return v.reshape(1, -1)

    x, xpa, adt = _proj(node_features, p['W_in'], row(p['b_in']),
                        p['W_0'], row(p['b_0']),
                        row(p['asrc_0']), row(p['adst_0']))
    for l in range(3):
        acc = _sc_edge_call()(xpa, adt, src, dst)
        if l < 2:
            x, xpa, adt = _combine(acc, x, p[f'W_{l + 1}'], row(p[f'b_{l + 1}']),
                                   row(p[f'asrc_{l + 1}']), row(p[f'adst_{l + 1}']))
        else:
            colsum = _final(acc, x, p['W_out'], row(p['b_out']))

    cur, mem, cp = _head(colsum, row(previous_embedding),
                         p['Wt1'], row(p['bt1']), p['Wt2'].reshape(1, TOPO),
                         p['bt2'].reshape(1, 1),
                         p['Wi'], p['Wh'], row(p['bi']), row(p['bh']))
    return cur.reshape(D), mem.reshape(D), cp.reshape(1)

# --- scband reference (transcript-rebuilt; emitter-appended) ---
"""Pipeline reference for scband-dynamic-graph-encoder-28406913696397 (READ-ONLY COPY).

The authoritative reference and input builder live on the scoring server;
editing this copy changes nothing except your own understanding.
"""

import jax, jax.numpy as jnp
import numpy as np

N = 10000
E = 320000
D = 128
H = 8
DH = 16
TOPO = 64


def _init_params(key):
    ks = jax.random.split(key, 32)
    p = {}
    p['W_in'] = jax.random.normal(ks[0], (D, D), dtype=jnp.float32) * 0.05
    p['b_in'] = jnp.zeros((D,), dtype=jnp.float32)
    for l in range(3):
        p[f'W_{l}'] = jax.random.normal(ks[1 + l], (D, D), dtype=jnp.float32) * 0.05
        p[f'b_{l}'] = jnp.zeros((D,), dtype=jnp.float32)
        p[f'asrc_{l}'] = jax.random.normal(ks[4 + l], (H, DH), dtype=jnp.float32) * 0.05
        p[f'adst_{l}'] = jax.random.normal(ks[7 + l], (H, DH), dtype=jnp.float32) * 0.05
    p['W_out'] = jax.random.normal(ks[10], (D, D), dtype=jnp.float32) * 0.05
    p['b_out'] = jnp.zeros((D,), dtype=jnp.float32)
    p['Wt1'] = jax.random.normal(ks[11], (D, TOPO), dtype=jnp.float32) * 0.05
    p['bt1'] = jnp.zeros((TOPO,), dtype=jnp.float32)
    p['Wt2'] = jax.random.normal(ks[12], (TOPO, 1), dtype=jnp.float32) * 0.05
    p['bt2'] = jnp.zeros((1,), dtype=jnp.float32)
    p['Wi'] = jax.random.normal(ks[13], (D, 3 * D), dtype=jnp.float32) * 0.05
    p['Wh'] = jax.random.normal(ks[14], (D, 3 * D), dtype=jnp.float32) * 0.05
    p['bi'] = jnp.zeros((3 * D,), dtype=jnp.float32)
    p['bh'] = jnp.zeros((3 * D,), dtype=jnp.float32)
    return p


def setup_inputs(seed: int = 0):
    key = jax.random.key(seed)
    k1, k2, k3, k4 = jax.random.split(key, 4)
    node_features = jax.random.normal(k1, (N, D), dtype=jnp.float32)
    edge_index = jax.random.randint(k2, (2, E), 0, N)
    previous_embedding = jax.random.normal(k3, (D,), dtype=jnp.float32)
    params = _init_params(k4)
    return {'node_features': node_features, 'edge_index': edge_index,
            'previous_embedding': previous_embedding, 'params': params}


def _gat_layer(x, src, dst, W, b, a_src, a_dst):
    xp = (x @ W + b).reshape(N, H, DH)
    alpha_src = jnp.sum(xp * a_src[None], axis=-1)
    alpha_dst = jnp.sum(xp * a_dst[None], axis=-1)
    e = jax.nn.leaky_relu(alpha_src[src] + alpha_dst[dst], 0.2)
    emax = jax.ops.segment_max(e, dst, num_segments=N)
    emax = jnp.where(jnp.isfinite(emax), emax, 0.0)
    p = jnp.exp(e - emax[dst])
    denom = jax.ops.segment_sum(p, dst, num_segments=N)
    attn = p / (denom[dst] + 1e-9)
    msg = xp[src] * attn[:, :, None]
    out = jax.ops.segment_sum(msg, dst, num_segments=N).reshape(N, H * DH)
    return jax.nn.relu(out + x)


def _forward(node_features, previous_embedding, params, src, dst):
    # GraphAttentionNetwork: input proj + relu, 3 GAT layers, output proj
    x = jax.nn.relu(node_features @ params['W_in'] + params['b_in'])
    for l in range(3):
        x = _gat_layer(x, src, dst, params[f'W_{l}'], params[f'b_{l}'],
                       params[f'asrc_{l}'], params[f'adst_{l}'])
    x = x @ params['W_out'] + params['b_out']
    cur = jnp.mean(x, axis=0)
    # topology change detector
    diff = cur - previous_embedding
    h1 = jnp.tanh(diff @ params['Wt1'] + params['bt1'])
    change_prob = jax.nn.sigmoid(h1 @ params['Wt2'] + params['bt2'])
    # temporal GRU over [previous_embedding, cur]
    Wi, Wh, bi, bh = params['Wi'], params['Wh'], params['bi'], params['bh']
    def gru_step(h, xt):
        gi = xt @ Wi + bi
        gh = h @ Wh + bh
        i_r, i_z, i_n = jnp.split(gi, 3)
        h_r, h_z, h_n = jnp.split(gh, 3)
        r = jax.nn.sigmoid(i_r + h_r)
        z = jax.nn.sigmoid(i_z + h_z)
        n = jnp.tanh(i_n + r * h_n)
        h_new = (1.0 - z) * n + z * h
        return h_new, h_new
    seq = jnp.stack([previous_embedding, cur])
    _, outs = jax.lax.scan(gru_step, jnp.zeros((D,), dtype=cur.dtype), seq)
    updated_memory = outs[-1]
    return cur, updated_memory, change_prob


def reference(node_features, edge_index, previous_embedding, params):
    src = edge_index[0]
    dst = edge_index[1]
    return _forward(node_features, previous_embedding, params, src, dst)

if __name__ == "__main__":
    import jax
    _d = setup_inputs()
    print(jax.jit(kernel)(*tuple(_d.values())))

</pallas_src>

<mosaic_0001>
#map = affine_map<(d0, d1) -> (0, 0)>
#map1 = affine_map<(d0, d1) -> (0)>
#map2 = affine_map<(d0, d1) -> (0, 0, 0)>
module attributes {stable_mosaic.version = 14 : i64} {
  func.func @_sc_edge_body(%arg0: i32, %arg1: i32, %arg2: memref<10000x144xf32, #tpu.memory_space<hbm>>, %arg3: memref<10000x16xf32, #tpu.memory_space<hbm>>, %arg4: memref<320000xi32, #tpu.memory_space<hbm>>, %arg5: memref<320000xi32, #tpu.memory_space<hbm>>, %arg6: memref<2x10240x144xf32, #tpu.memory_space<hbm>>, %arg7: memref<10240x144xf32, #tpu.memory_space<vmem_shared>>, %arg8: memref<128x144xf32, #tpu.memory_space<vmem>>, %arg9: memref<128x16xf32, #tpu.memory_space<vmem>>, %arg10: memref<128xi32, #tpu.memory_space<vmem>>, %arg11: memref<128xi32, #tpu.memory_space<vmem>>, %arg12: memref<!tpu.dma_semaphore, #tpu.memory_space<semaphore_mem>>, %arg13: memref<!tpu.dma_semaphore, #tpu.memory_space<semaphore_mem>>) attributes {dimension_semantics = [#tpu.dimension_semantics<core_parallel>, #tpu.dimension_semantics<subcore_parallel>], iteration_bounds = array<i64: 2, 16>, scalar_prefetch = 0 : i64, scratch_operands = 7 : i64, tpu.core_type = #tpu.core_type<sc_vector_subcore>, window_params = [{transform_indices = #map}, {transform_indices = #map}, {transform_indices = #map1}, {transform_indices = #map1}, {transform_indices = #map2}]} {
    %mul3A = arith.constant 2 : i32
    %mul3A_0 = arith.muli %arg1, %mul3A : i32
    %add3A = arith.addi %mul3A_0, %arg0 : i32
    %mul3A_1 = arith.constant 640 : i32
    %mul3A_2 = arith.muli %arg1, %mul3A_1 : i32
    %scan3A = arith.constant 0 : i32
    %scan3A_3 = arith.constant 0 : i32
    %scan3A_4 = arith.constant 128 : i32
    %scan3A_5 = arith.addi %scan3A_3, %scan3A_4 : i32
    %scan3A_6 = arith.constant 1 : i32
    %scan3A_7 = scf.for %scan3A_47 = %scan3A_3 to %scan3A_5 step %scan3A_6 iter_args(%scan3A_48 = %scan3A) -> (i32)  : i32 {
      %broadcast_in_dim3A = arith.constant 0.000000e+00 : f32
      %broadcast_in_dim3A_49 = vector.broadcast %broadcast_in_dim3A : f32 to vector<16xf32>
      %swap3A = arith.index_cast %scan3A_47 : i32 to index
      %swap3A_50 = arith.constant 0 : index
      %swap3A_51 = tpu.vector_load %arg8[%swap3A, %swap3A_50] {strides = array<i32>} : memref<128x144xf32, #tpu.memory_space<vmem>>, vector<1x16xf32>,
      %swap3A_52 = vector.shape_cast %swap3A_51 : vector<1x16xf32> to vector<16xf32>
      %swap3A_53 = vector.shape_cast %broadcast_in_dim3A_49 : vector<16xf32> to vector<1x16xf32>
      tpu.vector_store %arg8[%swap3A, %swap3A_50], %swap3A_53 {strides = array<i32>} : memref<128x144xf32, #tpu.memory_space<vmem>>, vector<1x16xf32>,
      %broadcast_in_dim3A_54 = arith.constant 0.000000e+00 : f32
      %broadcast_in_dim3A_55 = vector.broadcast %broadcast_in_dim3A_54 : f32 to vector<16xf32>
      %swap3A_56 = arith.index_cast %scan3A_47 : i32 to index
      %swap3A_57 = arith.constant 16 : index
      %swap3A_58 = tpu.vector_load %arg8[%swap3A_56, %swap3A_57] {strides = array<i32>} : memref<128x144xf32, #tpu.memory_space<vmem>>, vector<1x16xf32>,
      %swap3A_59 = vector.shape_cast %swap3A_58 : vector<1x16xf32> to vector<16xf32>
      %swap3A_60 = vector.shape_cast %broadcast_in_dim3A_55 : vector<16xf32> to vector<1x16xf32>
      tpu.vector_store %arg8[%swap3A_56, %swap3A_57], %swap3A_60 {strides = array<i32>} : memref<128x144xf32, #tpu.memory_space<vmem>>, vector<1x16xf32>,
      %broadcast_in_dim3A_61 = arith.constant 0.000000e+00 : f32
      %broadcast_in_dim3A_62 = vector.broadcast %broadcast_in_dim3A_61 : f32 to vector<16xf32>
      %swap3A_63 = arith.index_cast %scan3A_47 : i32 to index
      %swap3A_64 = arith.constant 32 : index
      %swap3A_65 = tpu.vector_load %arg8[%swap3A_63, %swap3A_64] {strides = array<i32>} : memref<128x144xf32, #tpu.memory_space<vmem>>, vector<1x16xf32>,
      %swap3A_66 = vector.shape_cast %swap3A_65 : vector<1x16xf32> to vector<16xf32>
      %swap3A_67 = vector.shape_cast %broadcast_in_dim3A_62 : vector<16xf32> to vector<1x16xf32>
      tpu.vector_store %arg8[%swap3A_63, %swap3A_64], %swap3A_67 {strides = array<i32>} : memref<128x144xf32, #tpu.memory_space<vmem>>, vector<1x16xf32>,
      %broadcast_in_dim3A_68 = arith.constant 0.000000e+00 : f32
      %broadcast_in_dim3A_69 = vector.broadcast %broadcast_in_dim3A_68 : f32 to vector<16xf32>
      %swap3A_70 = arith.index_cast %scan3A_47 : i32 to index
      %swap3A_71 = arith.constant 48 : index
      %swap3A_72 = tpu.vector_load %arg8[%swap3A_70, %swap3A_71] {strides = array<i32>} : memref<128x144xf32, #tpu.memory_space<vmem>>, vector<1x16xf32>,
      %swap3A_73 = vector.shape_cast %swap3A_72 : vector<1x16xf32> to vector<16xf32>
      %swap3A_74 = vector.shape_cast %broadcast_in_dim3A_69 : vector<16xf32> to vector<1x16xf32>
      tpu.vector_store %arg8[%swap3A_70, %swap3A_71], %swap3A_74 {strides = array<i32>} : memref<128x144xf32, #tpu.memory_space<vmem>>, vector<1x16xf32>,
      %broadcast_in_dim3A_75 = arith.constant 0.000000e+00 : f32
      %broadcast_in_dim3A_76 = vector.broadcast %broadcast_in_dim3A_75 : f32 to vector<16xf32>
      %swap3A_77 = arith.index_cast %scan3A_47 : i32 to index
      %swap3A_78 = arith.constant 64 : index
      %swap3A_79 = tpu.vector_load %arg8[%swap3A_77, %swap3A_78] {strides = array<i32>} : memref<128x144xf32, #tpu.memory_space<vmem>>, vector<1x16xf32>,
      %swap3A_80 = vector.shape_cast %swap3A_79 : vector<1x16xf32> to vector<16xf32>
      %swap3A_81 = vector.shape_cast %broadcast_in_dim3A_76 : vector<16xf32> to vector<1x16xf32>
      tpu.vector_store %arg8[%swap3A_77, %swap3A_78], %swap3A_81 {strides = array<i32>} : memref<128x144xf32, #tpu.memory_space<vmem>>, vector<1x16xf32>,
      %broadcast_in_dim3A_82 = arith.constant 0.000000e+00 : f32
      %broadcast_in_dim3A_83 = vector.broadcast %broadcast_in_dim3A_82 : f32 to vector<16xf32>
      %swap3A_84 = arith.index_cast %scan3A_47 : i32 to index
      %swap3A_85 = arith.constant 80 : index
      %swap3A_86 = tpu.vector_load %arg8[%swap3A_84, %swap3A_85] {strides = array<i32>} : memref<128x144xf32, #tpu.memory_space<vmem>>, vector<1x16xf32>,
      %swap3A_87 = vector.shape_cast %swap3A_86 : vector<1x16xf32> to vector<16xf32>
      %swap3A_88 = vector.shape_cast %broadcast_in_dim3A_83 : vector<16xf32> to vector<1x16xf32>
      tpu.vector_store %arg8[%swap3A_84, %swap3A_85], %swap3A_88 {strides = array<i32>} : memref<128x144xf32, #tpu.memory_space<vmem>>, vector<1x16xf32>,
      %broadcast_in_dim3A_89 = arith.constant 0.000000e+00 : f32
      %broadcast_in_dim3A_90 = vector.broadcast %broadcast_in_dim3A_89 : f32 to vector<16xf32>
      %swap3A_91 = arith.index_cast %scan3A_47 : i32 to index
      %swap3A_92 = arith.constant 96 : index
      %swap3A_93 = tpu.vector_load %arg8[%swap3A_91, %swap3A_92] {strides = array<i32>} : memref<128x144xf32, #tpu.memory_space<vmem>>, vector<1x16xf32>,
      %swap3A_94 = vector.shape_cast %swap3A_93 : vector<1x16xf32> to vector<16xf32>
      %swap3A_95 = vector.shape_cast %broadcast_in_dim3A_90 : vector<16xf32> to vector<1x16xf32>
      tpu.vector_store %arg8[%swap3A_91, %swap3A_92], %swap3A_95 {strides = array<i32>} : memref<128x144xf32, #tpu.memory_space<vmem>>, vector<1x16xf32>,
      %broadcast_in_dim3A_96 = arith.constant 0.000000e+00 : f32
      %broadcast_in_dim3A_97 = vector.broadcast %broadcast_in_dim3A_96 : f32 to vector<16xf32>
      %swap3A_98 = arith.index_cast %scan3A_47 : i32 to index
      %swap3A_99 = arith.constant 112 : index
      %swap3A_100 = tpu.vector_load %arg8[%swap3A_98, %swap3A_99] {strides = array<i32>} : memref<128x144xf32, #tpu.memory_space<vmem>>, vector<1x16xf32>,
      %swap3A_101 = vector.shape_cast %swap3A_100 : vector<1x16xf32> to vector<16xf32>
      %swap3A_102 = vector.shape_cast %broadcast_in_dim3A_97 : vector<16xf32> to vector<1x16xf32>
      tpu.vector_store %arg8[%swap3A_98, %swap3A_99], %swap3A_102 {strides = array<i32>} : memref<128x144xf32, #tpu.memory_space<vmem>>, vector<1x16xf32>,
      %broadcast_in_dim3A_103 = arith.constant 0.000000e+00 : f32
      %broadcast_in_dim3A_104 = vector.broadcast %broadcast_in_dim3A_103 : f32 to vector<16xf32>
      %swap3A_105 = arith.index_cast %scan3A_47 : i32 to index
      %swap3A_106 = arith.constant 128 : index
      %swap3A_107 = tpu.vector_load %arg8[%swap3A_105, %swap3A_106] {strides = array<i32>} : memref<128x144xf32, #tpu.memory_space<vmem>>, vector<1x16xf32>,
      %swap3A_108 = vector.shape_cast %swap3A_107 : vector<1x16xf32> to vector<16xf32>
      %swap3A_109 = vector.shape_cast %broadcast_in_dim3A_104 : vector<16xf32> to vector<1x16xf32>
      tpu.vector_store %arg8[%swap3A_105, %swap3A_106], %swap3A_109 {strides = array<i32>} : memref<128x144xf32, #tpu.memory_space<vmem>>, vector<1x16xf32>,
      %scan3A_110 = arith.constant 0 : i32
      scf.yield %scan3A_110 : i32
    }
    %scan3A_8 = arith.constant 128 : i32
    %add3A_9 = arith.constant 0 : i32
    %add3A_10 = arith.addi %mul3A_2, %add3A_9 : i32
    "tpu.region"() ({
      %run_scoped3A = tpu.sem_alloc : memref<!tpu.dma_semaphore, #tpu.memory_space<semaphore_mem>>
      %dma_start3A = arith.constant 0 : i32
      %dma_start3A_47 = tpu.memref_slice %arg7[%add3A_10, %dma_start3A] : memref<10240x144xf32, #tpu.memory_space<vmem_shared>> -> memref<128x144xf32, #tpu.memory_space<vmem_shared>>
      %dma_start3A_48 = arith.constant 0 : i32
      %dma_start3A_49 = tpu.memref_slice %arg7[%add3A_10, %dma_start3A_48] : memref<10240x144xf32, #tpu.memory_space<vmem_shared>> -> memref<128x144xf32, #tpu.memory_space<vmem_shared>>
      tpu.enqueue_dma source(%arg8 : memref<128x144xf32, #tpu.memory_space<vmem>>) target(%dma_start3A_49 : memref<128x144xf32, #tpu.memory_space<vmem_shared>>) target_semaphore(%run_scoped3A : memref<!tpu.dma_semaphore, #tpu.memory_space<semaphore_mem>>)
      %dma_wait3A = arith.constant 0 : i32
      %dma_wait3A_50 = tpu.memref_slice %arg7[%add3A_10, %dma_wait3A] : memref<10240x144xf32, #tpu.memory_space<vmem_shared>> -> memref<128x144xf32, #tpu.memory_space<vmem_shared>>
      %dma_wait3A_51 = arith.constant 0 : i32
      %dma_wait3A_52 = tpu.memref_slice %arg7[%add3A_10, %dma_wait3A_51] : memref<10240x144xf32, #tpu.memory_space<vmem_shared>> -> memref<128x144xf32, #tpu.memory_space<vmem_shared>>
      tpu.wait_dma2 semaphore(%run_scoped3A : memref<!tpu.dma_semaphore, #tpu.memory_space<semaphore_mem>>) src(%arg8 : memref<128x144xf32, #tpu.memory_space<vmem>>) dst(%dma_wait3A_52 : memref<128x144xf32, #tpu.memory_space<vmem_shared>>)
      tpu.yield
    }) : () -> ()
    %add3A_11 = arith.constant 128 : i32
    %add3A_12 = arith.addi %mul3A_2, %add3A_11 : i32
    "tpu.region"() ({
      %run_scoped3A = tpu.sem_alloc : memref<!tpu.dma_semaphore, #tpu.memory_space<semaphore_mem>>
      %dma_start3A = arith.constant 0 : i32
      %dma_start3A_47 = tpu.memref_slice %arg7[%add3A_12, %dma_start3A] : memref<10240x144xf32, #tpu.memory_space<vmem_shared>> -> memref<128x144xf32, #tpu.memory_space<vmem_shared>>
      %dma_start3A_48 = arith.constant 0 : i32
      %dma_start3A_49 = tpu.memref_slice %arg7[%add3A_12, %dma_start3A_48] : memref<10240x144xf32, #tpu.memory_space<vmem_shared>> -> memref<128x144xf32, #tpu.memory_space<vmem_shared>>
      tpu.enqueue_dma source(%arg8 : memref<128x144xf32, #tpu.memory_space<vmem>>) target(%dma_start3A_49 : memref<128x144xf32, #tpu.memory_space<vmem_shared>>) target_semaphore(%run_scoped3A : memref<!tpu.dma_semaphore, #tpu.memory_space<semaphore_mem>>)
      %dma_wait3A = arith.constant 0 : i32
      %dma_wait3A_50 = tpu.memref_slice %arg7[%add3A_12, %dma_wait3A] : memref<10240x144xf32, #tpu.memory_space<vmem_shared>> -> memref<128x144xf32, #tpu.memory_space<vmem_shared>>
      %dma_wait3A_51 = arith.constant 0 : i32
      %dma_wait3A_52 = tpu.memref_slice %arg7[%add3A_12, %dma_wait3A_51] : memref<10240x144xf32, #tpu.memory_space<vmem_shared>> -> memref<128x144xf32, #tpu.memory_space<vmem_shared>>
      tpu.wait_dma2 semaphore(%run_scoped3A : memref<!tpu.dma_semaphore, #tpu.memory_space<semaphore_mem>>) src(%arg8 : memref<128x144xf32, #tpu.memory_space<vmem>>) dst(%dma_wait3A_52 : memref<128x144xf32, #tpu.memory_space<vmem_shared>>)
      tpu.yield
    }) : () -> ()
    %add3A_13 = arith.constant 256 : i32
    %add3A_14 = arith.addi %mul3A_2, %add3A_13 : i32
    "tpu.region"() ({
      %run_scoped3A = tpu.sem_alloc : memref<!tpu.dma_semaphore, #tpu.memory_space<semaphore_mem>>
      %dma_start3A = arith.constant 0 : i32
      %dma_start3A_47 = tpu.memref_slice %arg7[%add3A_14, %dma_start3A] : memref<10240x144xf32, #tpu.memory_space<vmem_shared>> -> memref<128x144xf32, #tpu.memory_space<vmem_shared>>
      %dma_start3A_48 = arith.constant 0 : i32
      %dma_start3A_49 = tpu.memref_slice %arg7[%add3A_14, %dma_start3A_48] : memref<10240x144xf32, #tpu.memory_space<vmem_shared>> -> memref<128x144xf32, #tpu.memory_space<vmem_shared>>
      tpu.enqueue_dma source(%arg8 : memref<128x144xf32, #tpu.memory_space<vmem>>) target(%dma_start3A_49 : memref<128x144xf32, #tpu.memory_space<vmem_shared>>) target_semaphore(%run_scoped3A : memref<!tpu.dma_semaphore, #tpu.memory_space<semaphore_mem>>)
      %dma_wait3A = arith.constant 0 : i32
      %dma_wait3A_50 = tpu.memref_slice %arg7[%add3A_14, %dma_wait3A] : memref<10240x144xf32, #tpu.memory_space<vmem_shared>> -> memref<128x144xf32, #tpu.memory_space<vmem_shared>>
      %dma_wait3A_51 = arith.constant 0 : i32
      %dma_wait3A_52 = tpu.memref_slice %arg7[%add3A_14, %dma_wait3A_51] : memref<10240x144xf32, #tpu.memory_space<vmem_shared>> -> memref<128x144xf32, #tpu.memory_space<vmem_shared>>
      tpu.wait_dma2 semaphore(%run_scoped3A : memref<!tpu.dma_semaphore, #tpu.memory_space<semaphore_mem>>) src(%arg8 : memref<128x144xf32, #tpu.memory_space<vmem>>) dst(%dma_wait3A_52 : memref<128x144xf32, #tpu.memory_space<vmem_shared>>)
      tpu.yield
    }) : () -> ()
    %add3A_15 = arith.constant 384 : i32
    %add3A_16 = arith.addi %mul3A_2, %add3A_15 : i32
    "tpu.region"() ({
      %run_scoped3A = tpu.sem_alloc : memref<!tpu.dma_semaphore, #tpu.memory_space<semaphore_mem>>
      %dma_start3A = arith.constant 0 : i32
      %dma_start3A_47 = tpu.memref_slice %arg7[%add3A_16, %dma_start3A] : memref<10240x144xf32, #tpu.memory_space<vmem_shared>> -> memref<128x144xf32, #tpu.memory_space<vmem_shared>>
      %dma_start3A_48 = arith.constant 0 : i32
      %dma_start3A_49 = tpu.memref_slice %arg7[%add3A_16, %dma_start3A_48] : memref<10240x144xf32, #tpu.memory_space<vmem_shared>> -> memref<128x144xf32, #tpu.memory_space<vmem_shared>>
      tpu.enqueue_dma source(%arg8 : memref<128x144xf32, #tpu.memory_space<vmem>>) target(%dma_start3A_49 : memref<128x144xf32, #tpu.memory_space<vmem_shared>>) target_semaphore(%run_scoped3A : memref<!tpu.dma_semaphore, #tpu.memory_space<semaphore_mem>>)
      %dma_wait3A = arith.constant 0 : i32
      %dma_wait3A_50 = tpu.memref_slice %arg7[%add3A_16, %dma_wait3A] : memref<10240x144xf32, #tpu.memory_space<vmem_shared>> -> memref<128x144xf32, #tpu.memory_space<vmem_shared>>
      %dma_wait3A_51 = arith.constant 0 : i32
      %dma_wait3A_52 = tpu.memref_slice %arg7[%add3A_16, %dma_wait3A_51] : memref<10240x144xf32, #tpu.memory_space<vmem_shared>> -> memref<128x144xf32, #tpu.memory_space<vmem_shared>>
      tpu.wait_dma2 semaphore(%run_scoped3A : memref<!tpu.dma_semaphore, #tpu.memory_space<semaphore_mem>>) src(%arg8 : memref<128x144xf32, #tpu.memory_space<vmem>>) dst(%dma_wait3A_52 : memref<128x144xf32, #tpu.memory_space<vmem_shared>>)
      tpu.yield
    }) : () -> ()
    %add3A_17 = arith.constant 512 : i32
    %add3A_18 = arith.addi %mul3A_2, %add3A_17 : i32
    "tpu.region"() ({
      %run_scoped3A = tpu.sem_alloc : memref<!tpu.dma_semaphore, #tpu.memory_space<semaphore_mem>>
      %dma_start3A = arith.constant 0 : i32
      %dma_start3A_47 = tpu.memref_slice %arg7[%add3A_18, %dma_start3A] : memref<10240x144xf32, #tpu.memory_space<vmem_shared>> -> memref<128x144xf32, #tpu.memory_space<vmem_shared>>
      %dma_start3A_48 = arith.constant 0 : i32
      %dma_start3A_49 = tpu.memref_slice %arg7[%add3A_18, %dma_start3A_48] : memref<10240x144xf32, #tpu.memory_space<vmem_shared>> -> memref<128x144xf32, #tpu.memory_space<vmem_shared>>
      tpu.enqueue_dma source(%arg8 : memref<128x144xf32, #tpu.memory_space<vmem>>) target(%dma_start3A_49 : memref<128x144xf32, #tpu.memory_space<vmem_shared>>) target_semaphore(%run_scoped3A : memref<!tpu.dma_semaphore, #tpu.memory_space<semaphore_mem>>)
      %dma_wait3A = arith.constant 0 : i32
      %dma_wait3A_50 = tpu.memref_slice %arg7[%add3A_18, %dma_wait3A] : memref<10240x144xf32, #tpu.memory_space<vmem_shared>> -> memref<128x144xf32, #tpu.memory_space<vmem_shared>>
      %dma_wait3A_51 = arith.constant 0 : i32
      %dma_wait3A_52 = tpu.memref_slice %arg7[%add3A_18, %dma_wait3A_51] : memref<10240x144xf32, #tpu.memory_space<vmem_shared>> -> memref<128x144xf32, #tpu.memory_space<vmem_shared>>
      tpu.wait_dma2 semaphore(%run_scoped3A : memref<!tpu.dma_semaphore, #tpu.memory_space<semaphore_mem>>) src(%arg8 : memref<128x144xf32, #tpu.memory_space<vmem>>) dst(%dma_wait3A_52 : memref<128x144xf32, #tpu.memory_space<vmem_shared>>)
      tpu.yield
    }) : () -> ()
    %barrier3A = arith.constant 0 : index
    tpu.barrier barrier_id(%barrier3A)
    %scan3A_19 = arith.constant 0 : i32
    %scan3A_20 = arith.constant 0 : i32
    %scan3A_21 = arith.constant 79 : i32
    %scan3A_22 = arith.addi %scan3A_20, %scan3A_21 : i32
    %scan3A_23 = arith.constant 1 : i32
    %scan3A_24 = scf.for %scan3A_47 = %scan3A_20 to %scan3A_22 step %scan3A_23 iter_args(%scan3A_48 = %scan3A_19) -> (i32)  : i32 {
      %mul3A_49 = arith.constant 32 : i32
      %mul3A_50 = arith.muli %scan3A_47, %mul3A_49 : i32
      %add3A_51 = arith.addi %mul3A_50, %add3A : i32
      %lt3A = arith.constant 2500 : i32
      %lt3A_52 = arith.cmpi slt, %add3A_51, %lt3A : i32
      %convert_element_type3A = arith.extui %lt3A_52 : i1 to i32
      %cond3A = arith.constant 0 : i32
      %cond3A_53 = arith.cmpi ne, %convert_element_type3A, %cond3A : i32
      scf.if %cond3A_53 {
        %mul3A_55 = arith.constant 128 : i32
        %mul3A_56 = arith.muli %add3A_51, %mul3A_55 : i32
        "tpu.region"() ({
          %run_scoped3A = tpu.sem_alloc : memref<!tpu.dma_semaphore, #tpu.memory_space<semaphore_mem>>
          %dma_start3A_74 = tpu.memref_slice %arg4[%mul3A_56] : memref<320000xi32, #tpu.memory_space<hbm>> -> memref<128xi32, #tpu.memory_space<hbm>>
          %dma_start3A_75 = tpu.memref_slice %arg4[%mul3A_56] : memref<320000xi32, #tpu.memory_space<hbm>> -> memref<128xi32, #tpu.memory_space<hbm>>
          tpu.enqueue_dma source(%dma_start3A_75 : memref<128xi32, #tpu.memory_space<hbm>>) target(%arg10 : memref<128xi32, #tpu.memory_space<vmem>>) target_semaphore(%run_scoped3A : memref<!tpu.dma_semaphore, #tpu.memory_space<semaphore_mem>>)
          %dma_wait3A_76 = tpu.memref_slice %arg4[%mul3A_56] : memref<320000xi32, #tpu.memory_space<hbm>> -> memref<128xi32, #tpu.memory_space<hbm>>
          %dma_wait3A_77 = tpu.memref_slice %arg4[%mul3A_56] : memref<320000xi32, #tpu.memory_space<hbm>> -> memref<128xi32, #tpu.memory_space<hbm>>
          tpu.wait_dma2 semaphore(%run_scoped3A : memref<!tpu.dma_semaphore, #tpu.memory_space<semaphore_mem>>) src(%dma_wait3A_77 : memref<128xi32, #tpu.memory_space<hbm>>) dst(%arg10 : memref<128xi32, #tpu.memory_space<vmem>>)
          tpu.yield
        }) : () -> ()
        "tpu.region"() ({
          %run_scoped3A = tpu.sem_alloc : memref<!tpu.dma_semaphore, #tpu.memory_space<semaphore_mem>>
          %dma_start3A_74 = tpu.memref_slice %arg5[%mul3A_56] : memref<320000xi32, #tpu.memory_space<hbm>> -> memref<128xi32, #tpu.memory_space<hbm>>
          %dma_start3A_75 = tpu.memref_slice %arg5[%mul3A_56] : memref<320000xi32, #tpu.memory_space<hbm>> -> memref<128xi32, #tpu.memory_space<hbm>>
          tpu.enqueue_dma source(%dma_start3A_75 : memref<128xi32, #tpu.memory_space<hbm>>) target(%arg11 : memref<128xi32, #tpu.memory_space<vmem>>) target_semaphore(%run_scoped3A : memref<!tpu.dma_semaphore, #tpu.memory_space<semaphore_mem>>)
          %dma_wait3A_76 = tpu.memref_slice %arg5[%mul3A_56] : memref<320000xi32, #tpu.memory_space<hbm>> -> memref<128xi32, #tpu.memory_space<hbm>>
          %dma_wait3A_77 = tpu.memref_slice %arg5[%mul3A_56] : memref<320000xi32, #tpu.memory_space<hbm>> -> memref<128xi32, #tpu.memory_space<hbm>>
          tpu.wait_dma2 semaphore(%run_scoped3A : memref<!tpu.dma_semaphore, #tpu.memory_space<semaphore_mem>>) src(%dma_wait3A_77 : memref<128xi32, #tpu.memory_space<hbm>>) dst(%arg11 : memref<128xi32, #tpu.memory_space<vmem>>)
          tpu.yield
        }) : () -> ()
        %dma_start3A = arith.constant 0 : i32
        %dma_start3A_57 = arith.constant 0 : i32
        %dma_start3A_58 = tpu.memref_slice %arg2[%dma_start3A, %dma_start3A_57] : memref<10000x144xf32, #tpu.memory_space<hbm>> -> memref<10000x144xf32, #tpu.memory_space<hbm>>
        tpu.enqueue_indirect_dma source(%dma_start3A_58 : memref<10000x144xf32, #tpu.memory_space<hbm>>) target(%arg8 : memref<128x144xf32, #tpu.memory_space<vmem>>) offsets(%arg10 : memref<128xi32, #tpu.memory_space<vmem>>) semaphore(%arg12 : memref<!tpu.dma_semaphore, #tpu.memory_space<semaphore_mem>>)
        %dma_start3A_59 = arith.constant 0 : i32
        %dma_start3A_60 = arith.constant 0 : i32
        %dma_start3A_61 = tpu.memref_slice %arg3[%dma_start3A_59, %dma_start3A_60] : memref<10000x16xf32, #tpu.memory_space<hbm>> -> memref<10000x16xf32, #tpu.memory_space<hbm>>
        tpu.enqueue_indirect_dma source(%dma_start3A_61 : memref<10000x16xf32, #tpu.memory_space<hbm>>) target(%arg9 : memref<128x16xf32, #tpu.memory_space<vmem>>) offsets(%arg11 : memref<128xi32, #tpu.memory_space<vmem>>) semaphore(%arg13 : memref<!tpu.dma_semaphore, #tpu.memory_space<semaphore_mem>>)
        %dma_wait3A = arith.constant 0 : i32
        %dma_wait3A_62 = arith.constant 0 : i32
        %dma_wait3A_63 = tpu.memref_slice %arg3[%dma_wait3A, %dma_wait3A_62] : memref<10000x16xf32, #tpu.memory_space<hbm>> -> memref<10000x16xf32, #tpu.memory_space<hbm>>
        tpu.wait_indirect_dma semaphore(%arg13 : memref<!tpu.dma_semaphore, #tpu.memory_space<semaphore_mem>>) src(%dma_wait3A_63 : memref<10000x16xf32, #tpu.memory_space<hbm>>) dst(%arg9 : memref<128x16xf32, #tpu.memory_space<vmem>>)
        %dma_wait3A_64 = arith.constant 0 : i32
        %dma_wait3A_65 = arith.constant 0 : i32
        %dma_wait3A_66 = tpu.memref_slice %arg2[%dma_wait3A_64, %dma_wait3A_65] : memref<10000x144xf32, #tpu.memory_space<hbm>> -> memref<10000x144xf32, #tpu.memory_space<hbm>>
        tpu.wait_indirect_dma semaphore(%arg12 : memref<!tpu.dma_semaphore, #tpu.memory_space<semaphore_mem>>) src(%dma_wait3A_66 : memref<10000x144xf32, #tpu.memory_space<hbm>>) dst(%arg8 : memref<128x144xf32, #tpu.memory_space<vmem>>)
        %scan3A_67 = arith.constant 0 : i32
        %scan3A_68 = arith.constant 0 : i32
        %scan3A_69 = arith.constant 128 : i32
        %scan3A_70 = arith.addi %scan3A_68, %scan3A_69 : i32
        %scan3A_71 = arith.constant 1 : i32
        %scan3A_72 = scf.for %scan3A_74 = %scan3A_68 to %scan3A_70 step %scan3A_71 iter_args(%scan3A_75 = %scan3A_67) -> (i32)  : i32 {
          %get3A = arith.index_cast %scan3A_74 : i32 to index
          %get3A_76 = arith.constant 128 : index
          %get3A_77 = tpu.vector_load %arg8[%get3A, %get3A_76] {strides = array<i32>} : memref<128x144xf32, #tpu.memory_space<vmem>>, vector<1x16xf32>,
          %get3A_78 = vector.shape_cast %get3A_77 : vector<1x16xf32> to vector<16xf32>
          %get3A_79 = arith.index_cast %scan3A_74 : i32 to index
          %get3A_80 = arith.constant 0 : index
          %get3A_81 = tpu.vector_load %arg9[%get3A_79, %get3A_80] {strides = array<i32>} : memref<128x16xf32, #tpu.memory_space<vmem>>, vector<1x16xf32>,
          %get3A_82 = vector.shape_cast %get3A_81 : vector<1x16xf32> to vector<16xf32>
          %add3A_83 = arith.addf %get3A_78, %get3A_82 : vector<16xf32>
          %ge3A = arith.constant 0.000000e+00 : f32
          %ge3A_84 = vector.broadcast %ge3A : f32 to vector<16xf32>
          %ge3A_85 = arith.cmpf oge, %add3A_83, %ge3A_84 : vector<16xf32>
          %mul3A_86 = arith.constant 2.000000e-01 : f32
          %mul3A_87 = vector.broadcast %mul3A_86 : f32 to vector<16xf32>
          %mul3A_88 = arith.mulf %mul3A_87, %add3A_83 : vector<16xf32>
          %select_n3A = arith.select %ge3A_85, %add3A_83, %mul3A_88 : vector<16xi1>, vector<16xf32>
          %exp3A = math.exp %select_n3A : vector<16xf32>
          %swap3A = arith.index_cast %scan3A_74 : i32 to index
          %swap3A_89 = arith.constant 128 : index
          %swap3A_90 = tpu.vector_load %arg8[%swap3A, %swap3A_89] {strides = array<i32>} : memref<128x144xf32, #tpu.memory_space<vmem>>, vector<1x16xf32>,
          %swap3A_91 = vector.shape_cast %swap3A_90 : vector<1x16xf32> to vector<16xf32>
          %swap3A_92 = vector.shape_cast %exp3A : vector<16xf32> to vector<1x16xf32>
          tpu.vector_store %arg8[%swap3A, %swap3A_89], %swap3A_92 {strides = array<i32>} : memref<128x144xf32, #tpu.memory_space<vmem>>, vector<1x16xf32>,
          %broadcast_in_dim3A = arith.constant 0 : i32
          %broadcast_in_dim3A_93 = vector.broadcast %broadcast_in_dim3A : i32 to vector<16xi32>
          %broadcast_in_dim3A_94 = vector.shape_cast %broadcast_in_dim3A_93 : vector<16xi32> to vector<16x1xi32>
          %gather3A = vector.shape_cast %broadcast_in_dim3A_94 : vector<16x1xi32> to vector<16xi32>
          %gather3A_95 = tpu.dynamic_gather %exp3A[%gather3A] in [0] : vector<16xf32>, vector<16xi32> -> vector<16xf32>
          %get3A_96 = arith.index_cast %scan3A_74 : i32 to index
          %get3A_97 = arith.constant 0 : index
          %get3A_98 = tpu.vector_load %arg8[%get3A_96, %get3A_97] {strides = array<i32>} : memref<128x144xf32, #tpu.memory_space<vmem>>, vector<1x16xf32>,
          %get3A_99 = vector.shape_cast %get3A_98 : vector<1x16xf32> to vector<16xf32>
          %mul3A_100 = arith.mulf %get3A_99, %gather3A_95 : vector<16xf32>
          %swap3A_101 = arith.index_cast %scan3A_74 : i32 to index
          %swap3A_102 = arith.constant 0 : index
          %swap3A_103 = tpu.vector_load %arg8[%swap3A_101, %swap3A_102] {strides = array<i32>} : memref<128x144xf32, #tpu.memory_space<vmem>>, vector<1x16xf32>,
          %swap3A_104 = vector.shape_cast %swap3A_103 : vector<1x16xf32> to vector<16xf32>
          %swap3A_105 = vector.shape_cast %mul3A_100 : vector<16xf32> to vector<1x16xf32>
          tpu.vector_store %arg8[%swap3A_101, %swap3A_102], %swap3A_105 {strides = array<i32>} : memref<128x144xf32, #tpu.memory_space<vmem>>, vector<1x16xf32>,
          %broadcast_in_dim3A_106 = arith.constant 1 : i32
          %broadcast_in_dim3A_107 = vector.broadcast %broadcast_in_dim3A_106 : i32 to vector<16xi32>
          %broadcast_in_dim3A_108 = vector.shape_cast %broadcast_in_dim3A_107 : vector<16xi32> to vector<16x1xi32>
          %gather3A_109 = vector.shape_cast %broadcast_in_dim3A_108 : vector<16x1xi32> to vector<16xi32>
          %gather3A_110 = tpu.dynamic_gather %exp3A[%gather3A_109] in [0] : vector<16xf32>, vector<16xi32> -> vector<16xf32>
          %get3A_111 = arith.index_cast %scan3A_74 : i32 to index
          %get3A_112 = arith.constant 16 : index
          %get3A_113 = tpu.vector_load %arg8[%get3A_111, %get3A_112] {strides = array<i32>} : memref<128x144xf32, #tpu.memory_space<vmem>>, vector<1x16xf32>,
          %get3A_114 = vector.shape_cast %get3A_113 : vector<1x16xf32> to vector<16xf32>
          %mul3A_115 = arith.mulf %get3A_114, %gather3A_110 : vector<16xf32>
          %swap3A_116 = arith.index_cast %scan3A_74 : i32 to index
          %swap3A_117 = arith.constant 16 : index
          %swap3A_118 = tpu.vector_load %arg8[%swap3A_116, %swap3A_117] {strides = array<i32>} : memref<128x144xf32, #tpu.memory_space<vmem>>, vector<1x16xf32>,
          %swap3A_119 = vector.shape_cast %swap3A_118 : vector<1x16xf32> to vector<16xf32>
          %swap3A_120 = vector.shape_cast %mul3A_115 : vector<16xf32> to vector<1x16xf32>
          tpu.vector_store %arg8[%swap3A_116, %swap3A_117], %swap3A_120 {strides = array<i32>} : memref<128x144xf32, #tpu.memory_space<vmem>>, vector<1x16xf32>,
          %broadcast_in_dim3A_121 = arith.constant 2 : i32
          %broadcast_in_dim3A_122 = vector.broadcast %broadcast_in_dim3A_121 : i32 to vector<16xi32>
          %broadcast_in_dim3A_123 = vector.shape_cast %broadcast_in_dim3A_122 : vector<16xi32> to vector<16x1xi32>
          %gather3A_124 = vector.shape_cast %broadcast_in_dim3A_123 : vector<16x1xi32> to vector<16xi32>
          %gather3A_125 = tpu.dynamic_gather %exp3A[%gather3A_124] in [0] : vector<16xf32>, vector<16xi32> -> vector<16xf32>
          %get3A_126 = arith.index_cast %scan3A_74 : i32 to index
          %get3A_127 = arith.constant 32 : index
          %get3A_128 = tpu.vector_load %arg8[%get3A_126, %get3A_127] {strides = array<i32>} : memref<128x144xf32, #tpu.memory_space<vmem>>, vector<1x16xf32>,
          %get3A_129 = vector.shape_cast %get3A_128 : vector<1x16xf32> to vector<16xf32>
          %mul3A_130 = arith.mulf %get3A_129, %gather3A_125 : vector<16xf32>
          %swap3A_131 = arith.index_cast %scan3A_74 : i32 to index
          %swap3A_132 = arith.constant 32 : index
          %swap3A_133 = tpu.vector_load %arg8[%swap3A_131, %swap3A_132] {strides = array<i32>} : memref<128x144xf32, #tpu.memory_space<vmem>>, vector<1x16xf32>,
          %swap3A_134 = vector.shape_cast %swap3A_133 : vector<1x16xf32> to vector<16xf32>
          %swap3A_135 = vector.shape_cast %mul3A_130 : vector<16xf32> to vector<1x16xf32>
          tpu.vector_store %arg8[%swap3A_131, %swap3A_132], %swap3A_135 {strides = array<i32>} : memref<128x144xf32, #tpu.memory_space<vmem>>, vector<1x16xf32>,
          %broadcast_in_dim3A_136 = arith.constant 3 : i32
          %broadcast_in_dim3A_137 = vector.broadcast %broadcast_in_dim3A_136 : i32 to vector<16xi32>
          %broadcast_in_dim3A_138 = vector.shape_cast %broadcast_in_dim3A_137 : vector<16xi32> to vector<16x1xi32>
          %gather3A_139 = vector.shape_cast %broadcast_in_dim3A_138 : vector<16x1xi32> to vector<16xi32>
          %gather3A_140 = tpu.dynamic_gather %exp3A[%gather3A_139] in [0] : vector<16xf32>, vector<16xi32> -> vector<16xf32>
          %get3A_141 = arith.index_cast %scan3A_74 : i32 to index
          %get3A_142 = arith.constant 48 : index
          %get3A_143 = tpu.vector_load %arg8[%get3A_141, %get3A_142] {strides = array<i32>} : memref<128x144xf32, #tpu.memory_space<vmem>>, vector<1x16xf32>,
          %get3A_144 = vector.shape_cast %get3A_143 : vector<1x16xf32> to vector<16xf32>
          %mul3A_145 = arith.mulf %get3A_144, %gather3A_140 : vector<16xf32>
          %swap3A_146 = arith.index_cast %scan3A_74 : i32 to index
          %swap3A_147 = arith.constant 48 : index
          %swap3A_148 = tpu.vector_load %arg8[%swap3A_146, %swap3A_147] {strides = array<i32>} : memref<128x144xf32, #tpu.memory_space<vmem>>, vector<1x16xf32>,
          %swap3A_149 = vector.shape_cast %swap3A_148 : vector<1x16xf32> to vector<16xf32>
          %swap3A_150 = vector.shape_cast %mul3A_145 : vector<16xf32> to vector<1x16xf32>
          tpu.vector_store %arg8[%swap3A_146, %swap3A_147], %swap3A_150 {strides = array<i32>} : memref<128x144xf32, #tpu.memory_space<vmem>>, vector<1x16xf32>,
          %broadcast_in_dim3A_151 = arith.constant 4 : i32
          %broadcast_in_dim3A_152 = vector.broadcast %broadcast_in_dim3A_151 : i32 to vector<16xi32>
          %broadcast_in_dim3A_153 = vector.shape_cast %broadcast_in_dim3A_152 : vector<16xi32> to vector<16x1xi32>
          %gather3A_154 = vector.shape_cast %broadcast_in_dim3A_153 : vector<16x1xi32> to vector<16xi32>
          %gather3A_155 = tpu.dynamic_gather %exp3A[%gather3A_154] in [0] : vector<16xf32>, vector<16xi32> -> vector<16xf32>
          %get3A_156 = arith.index_cast %scan3A_74 : i32 to index
          %get3A_157 = arith.constant 64 : index
          %get3A_158 = tpu.vector_load %arg8[%get3A_156, %get3A_157] {strides = array<i32>} : memref<128x144xf32, #tpu.memory_space<vmem>>, vector<1x16xf32>,
          %get3A_159 = vector.shape_cast %get3A_158 : vector<1x16xf32> to vector<16xf32>
          %mul3A_160 = arith.mulf %get3A_159, %gather3A_155 : vector<16xf32>
          %swap3A_161 = arith.index_cast %scan3A_74 : i32 to index
          %swap3A_162 = arith.constant 64 : index
          %swap3A_163 = tpu.vector_load %arg8[%swap3A_161, %swap3A_162] {strides = array<i32>} : memref<128x144xf32, #tpu.memory_space<vmem>>, vector<1x16xf32>,
          %swap3A_164 = vector.shape_cast %swap3A_163 : vector<1x16xf32> to vector<16xf32>
          %swap3A_165 = vector.shape_cast %mul3A_160 : vector<16xf32> to vector<1x16xf32>
          tpu.vector_store %arg8[%swap3A_161, %swap3A_162], %swap3A_165 {strides = array<i32>} : memref<128x144xf32, #tpu.memory_space<vmem>>, vector<1x16xf32>,
          %broadcast_in_dim3A_166 = arith.constant 5 : i32
          %broadcast_in_dim3A_167 = vector.broadcast %broadcast_in_dim3A_166 : i32 to vector<16xi32>
          %broadcast_in_dim3A_168 = vector.shape_cast %broadcast_in_dim3A_167 : vector<16xi32> to vector<16x1xi32>
          %gather3A_169 = vector.shape_cast %broadcast_in_dim3A_168 : vector<16x1xi32> to vector<16xi32>
          %gather3A_170 = tpu.dynamic_gather %exp3A[%gather3A_169] in [0] : vector<16xf32>, vector<16xi32> -> vector<16xf32>
          %get3A_171 = arith.index_cast %scan3A_74 : i32 to index
          %get3A_172 = arith.constant 80 : index
          %get3A_173 = tpu.vector_load %arg8[%get3A_171, %get3A_172] {strides = array<i32>} : memref<128x144xf32, #tpu.memory_space<vmem>>, vector<1x16xf32>,
          %get3A_174 = vector.shape_cast %get3A_173 : vector<1x16xf32> to vector<16xf32>
          %mul3A_175 = arith.mulf %get3A_174, %gather3A_170 : vector<16xf32>
          %swap3A_176 = arith.index_cast %scan3A_74 : i32 to index
          %swap3A_177 = arith.constant 80 : index
          %swap3A_178 = tpu.vector_load %arg8[%swap3A_176, %swap3A_177] {strides = array<i32>} : memref<128x144xf32, #tpu.memory_space<vmem>>, vector<1x16xf32>,
          %swap3A_179 = vector.shape_cast %swap3A_178 : vector<1x16xf32> to vector<16xf32>
          %swap3A_180 = vector.shape_cast %mul3A_175 : vector<16xf32> to vector<1x16xf32>
          tpu.vector_store %arg8[%swap3A_176, %swap3A_177], %swap3A_180 {strides = array<i32>} : memref<128x144xf32, #tpu.memory_space<vmem>>, vector<1x16xf32>,
          %broadcast_in_dim3A_181 = arith.constant 6 : i32
          %broadcast_in_dim3A_182 = vector.broadcast %broadcast_in_dim3A_181 : i32 to vector<16xi32>
          %broadcast_in_dim3A_183 = vector.shape_cast %broadcast_in_dim3A_182 : vector<16xi32> to vector<16x1xi32>
          %gather3A_184 = vector.shape_cast %broadcast_in_dim3A_183 : vector<16x1xi32> to vector<16xi32>
          %gather3A_185 = tpu.dynamic_gather %exp3A[%gather3A_184] in [0] : vector<16xf32>, vector<16xi32> -> vector<16xf32>
          %get3A_186 = arith.index_cast %scan3A_74 : i32 to index
          %get3A_187 = arith.constant 96 : index
          %get3A_188 = tpu.vector_load %arg8[%get3A_186, %get3A_187] {strides = array<i32>} : memref<128x144xf32, #tpu.memory_space<vmem>>, vector<1x16xf32>,
          %get3A_189 = vector.shape_cast %get3A_188 : vector<1x16xf32> to vector<16xf32>
          %mul3A_190 = arith.mulf %get3A_189, %gather3A_185 : vector<16xf32>
          %swap3A_191 = arith.index_cast %scan3A_74 : i32 to index
          %swap3A_192 = arith.constant 96 : index
          %swap3A_193 = tpu.vector_load %arg8[%swap3A_191, %swap3A_192] {strides = array<i32>} : memref<128x144xf32, #tpu.memory_space<vmem>>, vector<1x16xf32>,
          %swap3A_194 = vector.shape_cast %swap3A_193 : vector<1x16xf32> to vector<16xf32>
          %swap3A_195 = vector.shape_cast %mul3A_190 : vector<16xf32> to vector<1x16xf32>
          tpu.vector_store %arg8[%swap3A_191, %swap3A_192], %swap3A_195 {strides = array<i32>} : memref<128x144xf32, #tpu.memory_space<vmem>>, vector<1x16xf32>,
          %broadcast_in_dim3A_196 = arith.constant 7 : i32
          %broadcast_in_dim3A_197 = vector.broadcast %broadcast_in_dim3A_196 : i32 to vector<16xi32>
          %broadcast_in_dim3A_198 = vector.shape_cast %broadcast_in_dim3A_197 : vector<16xi32> to vector<16x1xi32>
          %gather3A_199 = vector.shape_cast %broadcast_in_dim3A_198 : vector<16x1xi32> to vector<16xi32>
          %gather3A_200 = tpu.dynamic_gather %exp3A[%gather3A_199] in [0] : vector<16xf32>, vector<16xi32> -> vector<16xf32>
          %get3A_201 = arith.index_cast %scan3A_74 : i32 to index
          %get3A_202 = arith.constant 112 : index
          %get3A_203 = tpu.vector_load %arg8[%get3A_201, %get3A_202] {strides = array<i32>} : memref<128x144xf32, #tpu.memory_space<vmem>>, vector<1x16xf32>,
          %get3A_204 = vector.shape_cast %get3A_203 : vector<1x16xf32> to vector<16xf32>
          %mul3A_205 = arith.mulf %get3A_204, %gather3A_200 : vector<16xf32>
          %swap3A_206 = arith.index_cast %scan3A_74 : i32 to index
          %swap3A_207 = arith.constant 112 : index
          %swap3A_208 = tpu.vector_load %arg8[%swap3A_206, %swap3A_207] {strides = array<i32>} : memref<128x144xf32, #tpu.memory_space<vmem>>, vector<1x16xf32>,
          %swap3A_209 = vector.shape_cast %swap3A_208 : vector<1x16xf32> to vector<16xf32>
          %swap3A_210 = vector.shape_cast %mul3A_205 : vector<16xf32> to vector<1x16xf32>
          tpu.vector_store %arg8[%swap3A_206, %swap3A_207], %swap3A_210 {strides = array<i32>} : memref<128x144xf32, #tpu.memory_space<vmem>>, vector<1x16xf32>,
          %scan3A_211 = arith.constant 0 : i32
          scf.yield %scan3A_211 : i32
        }
        %scan3A_73 = arith.constant 128 : i32
        "tpu.region"() ({
          %run_scoped3A = tpu.sem_alloc : memref<!tpu.dma_semaphore, #tpu.memory_space<semaphore_mem>>
          %dma_start3A_74 = arith.constant 0 : i32
          %dma_start3A_75 = arith.constant 0 : i32
          %dma_start3A_76 = tpu.memref_slice %arg7[%dma_start3A_74, %dma_start3A_75] : memref<10240x144xf32, #tpu.memory_space<vmem_shared>> -> memref<10240x144xf32, #tpu.memory_space<vmem_shared>>
          tpu.enqueue_indirect_dma source(%arg8 : memref<128x144xf32, #tpu.memory_space<vmem>>) target(%dma_start3A_76 : memref<10240x144xf32, #tpu.memory_space<vmem_shared>>) offsets(%arg11 : memref<128xi32, #tpu.memory_space<vmem>>) semaphore(%run_scoped3A : memref<!tpu.dma_semaphore, #tpu.memory_space<semaphore_mem>>) {add = true}
          %dma_wait3A_77 = arith.constant 0 : i32
          %dma_wait3A_78 = arith.constant 0 : i32
          %dma_wait3A_79 = tpu.memref_slice %arg7[%dma_wait3A_77, %dma_wait3A_78] : memref<10240x144xf32, #tpu.memory_space<vmem_shared>> -> memref<10240x144xf32, #tpu.memory_space<vmem_shared>>
          tpu.wait_indirect_dma semaphore(%run_scoped3A : memref<!tpu.dma_semaphore, #tpu.memory_space<semaphore_mem>>) src(%arg8 : memref<128x144xf32, #tpu.memory_space<vmem>>) dst(%dma_wait3A_79 : memref<10240x144xf32, #tpu.memory_space<vmem_shared>>)
          tpu.yield
        }) : () -> ()
      } else {
      }
      %scan3A_54 = arith.constant 0 : i32
      scf.yield %scan3A_54 : i32
    }
    %scan3A_25 = arith.constant 79 : i32
    %barrier3A_26 = arith.constant 0 : index
    tpu.barrier barrier_id(%barrier3A_26)
    %add3A_27 = arith.constant 0 : i32
    %add3A_28 = arith.addi %mul3A_2, %add3A_27 : i32
    "tpu.region"() ({
      %run_scoped3A = tpu.sem_alloc : memref<!tpu.dma_semaphore, #tpu.memory_space<semaphore_mem>>
      %dma_start3A = arith.constant 0 : i32
      %dma_start3A_47 = tpu.memref_slice %arg7[%add3A_28, %dma_start3A] : memref<10240x144xf32, #tpu.memory_space<vmem_shared>> -> memref<128x144xf32, #tpu.memory_space<vmem_shared>>
      %dma_start3A_48 = arith.constant 0 : i32
      %dma_start3A_49 = tpu.memref_slice %arg7[%add3A_28, %dma_start3A_48] : memref<10240x144xf32, #tpu.memory_space<vmem_shared>> -> memref<128x144xf32, #tpu.memory_space<vmem_shared>>
      tpu.enqueue_dma source(%dma_start3A_49 : memref<128x144xf32, #tpu.memory_space<vmem_shared>>) target(%arg8 : memref<128x144xf32, #tpu.memory_space<vmem>>) target_semaphore(%run_scoped3A : memref<!tpu.dma_semaphore, #tpu.memory_space<semaphore_mem>>)
      %dma_wait3A = arith.constant 0 : i32
      %dma_wait3A_50 = tpu.memref_slice %arg7[%add3A_28, %dma_wait3A] : memref<10240x144xf32, #tpu.memory_space<vmem_shared>> -> memref<128x144xf32, #tpu.memory_space<vmem_shared>>
      %dma_wait3A_51 = arith.constant 0 : i32
      %dma_wait3A_52 = tpu.memref_slice %arg7[%add3A_28, %dma_wait3A_51] : memref<10240x144xf32, #tpu.memory_space<vmem_shared>> -> memref<128x144xf32, #tpu.memory_space<vmem_shared>>
      tpu.wait_dma2 semaphore(%run_scoped3A : memref<!tpu.dma_semaphore, #tpu.memory_space<semaphore_mem>>) src(%dma_wait3A_52 : memref<128x144xf32, #tpu.memory_space<vmem_shared>>) dst(%arg8 : memref<128x144xf32, #tpu.memory_space<vmem>>)
      tpu.yield
    }) : () -> ()
    %add3A_29 = arith.constant 0 : i32
    %add3A_30 = arith.addi %mul3A_2, %add3A_29 : i32
    "tpu.region"() ({
      %run_scoped3A = tpu.sem_alloc : memref<!tpu.dma_semaphore, #tpu.memory_space<semaphore_mem>>
      %dma_start3A = arith.constant 0 : i32
      %dma_start3A_47 = tpu.memref_slice %arg6[%arg0, %add3A_30, %dma_start3A] : memref<2x10240x144xf32, #tpu.memory_space<hbm>> -> memref<1x128x144xf32, #tpu.memory_space<hbm>>
      %dma_start3A_48 = tpu.memref_squeeze %dma_start3A_47 : memref<1x128x144xf32, #tpu.memory_space<hbm>> -> memref<128x144xf32, #tpu.memory_space<hbm>>
      %dma_start3A_49 = arith.constant 0 : i32
      %dma_start3A_50 = tpu.memref_slice %arg6[%arg0, %add3A_30, %dma_start3A_49] : memref<2x10240x144xf32, #tpu.memory_space<hbm>> -> memref<1x128x144xf32, #tpu.memory_space<hbm>>
      %dma_start3A_51 = tpu.memref_squeeze %dma_start3A_50 : memref<1x128x144xf32, #tpu.memory_space<hbm>> -> memref<128x144xf32, #tpu.memory_space<hbm>>
      tpu.enqueue_dma source(%arg8 : memref<128x144xf32, #tpu.memory_space<vmem>>) target(%dma_start3A_51 : memref<128x144xf32, #tpu.memory_space<hbm>>) target_semaphore(%run_scoped3A : memref<!tpu.dma_semaphore, #tpu.memory_space<semaphore_mem>>)
      %dma_wait3A = arith.constant 0 : i32
      %dma_wait3A_52 = tpu.memref_slice %arg6[%arg0, %add3A_30, %dma_wait3A] : memref<2x10240x144xf32, #tpu.memory_space<hbm>> -> memref<1x128x144xf32, #tpu.memory_space<hbm>>
      %dma_wait3A_53 = tpu.memref_squeeze %dma_wait3A_52 : memref<1x128x144xf32, #tpu.memory_space<hbm>> -> memref<128x144xf32, #tpu.memory_space<hbm>>
      %dma_wait3A_54 = arith.constant 0 : i32
      %dma_wait3A_55 = tpu.memref_slice %arg6[%arg0, %add3A_30, %dma_wait3A_54] : memref<2x10240x144xf32, #tpu.memory_space<hbm>> -> memref<1x128x144xf32, #tpu.memory_space<hbm>>
      %dma_wait3A_56 = tpu.memref_squeeze %dma_wait3A_55 : memref<1x128x144xf32, #tpu.memory_space<hbm>> -> memref<128x144xf32, #tpu.memory_space<hbm>>
      tpu.wait_dma2 semaphore(%run_scoped3A : memref<!tpu.dma_semaphore, #tpu.memory_space<semaphore_mem>>) src(%arg8 : memref<128x144xf32, #tpu.memory_space<vmem>>) dst(%dma_wait3A_56 : memref<128x144xf32, #tpu.memory_space<hbm>>)
      tpu.yield
    }) : () -> ()
    %add3A_31 = arith.constant 128 : i32
    %add3A_32 = arith.addi %mul3A_2, %add3A_31 : i32
    "tpu.region"() ({
      %run_scoped3A = tpu.sem_alloc : memref<!tpu.dma_semaphore, #tpu.memory_space<semaphore_mem>>
      %dma_start3A = arith.constant 0 : i32
      %dma_start3A_47 = tpu.memref_slice %arg7[%add3A_32, %dma_start3A] : memref<10240x144xf32, #tpu.memory_space<vmem_shared>> -> memref<128x144xf32, #tpu.memory_space<vmem_shared>>
      %dma_start3A_48 = arith.constant 0 : i32
      %dma_start3A_49 = tpu.memref_slice %arg7[%add3A_32, %dma_start3A_48] : memref<10240x144xf32, #tpu.memory_space<vmem_shared>> -> memref<128x144xf32, #tpu.memory_space<vmem_shared>>
      tpu.enqueue_dma source(%dma_start3A_49 : memref<128x144xf32, #tpu.memory_space<vmem_shared>>) target(%arg8 : memref<128x144xf32, #tpu.memory_space<vmem>>) target_semaphore(%run_scoped3A : memref<!tpu.dma_semaphore, #tpu.memory_space<semaphore_mem>>)
      %dma_wait3A = arith.constant 0 : i32
      %dma_wait3A_50 = tpu.memref_slice %arg7[%add3A_32, %dma_wait3A] : memref<10240x144xf32, #tpu.memory_space<vmem_shared>> -> memref<128x144xf32, #tpu.memory_space<vmem_shared>>
      %dma_wait3A_51 = arith.constant 0 : i32
      %dma_wait3A_52 = tpu.memref_slice %arg7[%add3A_32, %dma_wait3A_51] : memref<10240x144xf32, #tpu.memory_space<vmem_shared>> -> memref<128x144xf32, #tpu.memory_space<vmem_shared>>
      tpu.wait_dma2 semaphore(%run_scoped3A : memref<!tpu.dma_semaphore, #tpu.memory_space<semaphore_mem>>) src(%dma_wait3A_52 : memref<128x144xf32, #tpu.memory_space<vmem_shared>>) dst(%arg8 : memref<128x144xf32, #tpu.memory_space<vmem>>)
      tpu.yield
    }) : () -> ()
    %add3A_33 = arith.constant 128 : i32
    %add3A_34 = arith.addi %mul3A_2, %add3A_33 : i32
    "tpu.region"() ({
      %run_scoped3A = tpu.sem_alloc : memref<!tpu.dma_semaphore, #tpu.memory_space<semaphore_mem>>
      %dma_start3A = arith.constant 0 : i32
      %dma_start3A_47 = tpu.memref_slice %arg6[%arg0, %add3A_34, %dma_start3A] : memref<2x10240x144xf32, #tpu.memory_space<hbm>> -> memref<1x128x144xf32, #tpu.memory_space<hbm>>
      %dma_start3A_48 = tpu.memref_squeeze %dma_start3A_47 : memref<1x128x144xf32, #tpu.memory_space<hbm>> -> memref<128x144xf32, #tpu.memory_space<hbm>>
      %dma_start3A_49 = arith.constant 0 : i32
      %dma_start3A_50 = tpu.memref_slice %arg6[%arg0, %add3A_34, %dma_start3A_49] : memref<2x10240x144xf32, #tpu.memory_space<hbm>> -> memref<1x128x144xf32, #tpu.memory_space<hbm>>
      %dma_start3A_51 = tpu.memref_squeeze %dma_start3A_50 : memref<1x128x144xf32, #tpu.memory_space<hbm>> -> memref<128x144xf32, #tpu.memory_space<hbm>>
      tpu.enqueue_dma source(%arg8 : memref<128x144xf32, #tpu.memory_space<vmem>>) target(%dma_start3A_51 : memref<128x144xf32, #tpu.memory_space<hbm>>) target_semaphore(%run_scoped3A : memref<!tpu.dma_semaphore, #tpu.memory_space<semaphore_mem>>)
      %dma_wait3A = arith.constant 0 : i32
      %dma_wait3A_52 = tpu.memref_slice %arg6[%arg0, %add3A_34, %dma_wait3A] : memref<2x10240x144xf32, #tpu.memory_space<hbm>> -> memref<1x128x144xf32, #tpu.memory_space<hbm>>
      %dma_wait3A_53 = tpu.memref_squeeze %dma_wait3A_52 : memref<1x128x144xf32, #tpu.memory_space<hbm>> -> memref<128x144xf32, #tpu.memory_space<hbm>>
      %dma_wait3A_54 = arith.constant 0 : i32
      %dma_wait3A_55 = tpu.memref_slice %arg6[%arg0, %add3A_34, %dma_wait3A_54] : memref<2x10240x144xf32, #tpu.memory_space<hbm>> -> memref<1x128x144xf32, #tpu.memory_space<hbm>>
      %dma_wait3A_56 = tpu.memref_squeeze %dma_wait3A_55 : memref<1x128x144xf32, #tpu.memory_space<hbm>> -> memref<128x144xf32, #tpu.memory_space<hbm>>
      tpu.wait_dma2 semaphore(%run_scoped3A : memref<!tpu.dma_semaphore, #tpu.memory_space<semaphore_mem>>) src(%arg8 : memref<128x144xf32, #tpu.memory_space<vmem>>) dst(%dma_wait3A_56 : memref<128x144xf32, #tpu.memory_space<hbm>>)
      tpu.yield
    }) : () -> ()
    %add3A_35 = arith.constant 256 : i32
    %add3A_36 = arith.addi %mul3A_2, %add3A_35 : i32
    "tpu.region"() ({
      %run_scoped3A = tpu.sem_alloc : memref<!tpu.dma_semaphore, #tpu.memory_space<semaphore_mem>>
      %dma_start3A = arith.constant 0 : i32
      %dma_start3A_47 = tpu.memref_slice %arg7[%add3A_36, %dma_start3A] : memref<10240x144xf32, #tpu.memory_space<vmem_shared>> -> memref<128x144xf32, #tpu.memory_space<vmem_shared>>
      %dma_start3A_48 = arith.constant 0 : i32
      %dma_start3A_49 = tpu.memref_slice %arg7[%add3A_36, %dma_start3A_48] : memref<10240x144xf32, #tpu.memory_space<vmem_shared>> -> memref<128x144xf32, #tpu.memory_space<vmem_shared>>
      tpu.enqueue_dma source(%dma_start3A_49 : memref<128x144xf32, #tpu.memory_space<vmem_shared>>) target(%arg8 : memref<128x144xf32, #tpu.memory_space<vmem>>) target_semaphore(%run_scoped3A : memref<!tpu.dma_semaphore, #tpu.memory_space<semaphore_mem>>)
      %dma_wait3A = arith.constant 0 : i32
      %dma_wait3A_50 = tpu.memref_slice %arg7[%add3A_36, %dma_wait3A] : memref<10240x144xf32, #tpu.memory_space<vmem_shared>> -> memref<128x144xf32, #tpu.memory_space<vmem_shared>>
      %dma_wait3A_51 = arith.constant 0 : i32
      %dma_wait3A_52 = tpu.memref_slice %arg7[%add3A_36, %dma_wait3A_51] : memref<10240x144xf32, #tpu.memory_space<vmem_shared>> -> memref<128x144xf32, #tpu.memory_space<vmem_shared>>
      tpu.wait_dma2 semaphore(%run_scoped3A : memref<!tpu.dma_semaphore, #tpu.memory_space<semaphore_mem>>) src(%dma_wait3A_52 : memref<128x144xf32, #tpu.memory_space<vmem_shared>>) dst(%arg8 : memref<128x144xf32, #tpu.memory_space<vmem>>)
      tpu.yield
    }) : () -> ()
    %add3A_37 = arith.constant 256 : i32
    %add3A_38 = arith.addi %mul3A_2, %add3A_37 : i32
    "tpu.region"() ({
      %run_scoped3A = tpu.sem_alloc : memref<!tpu.dma_semaphore, #tpu.memory_space<semaphore_mem>>
      %dma_start3A = arith.constant 0 : i32
      %dma_start3A_47 = tpu.memref_slice %arg6[%arg0, %add3A_38, %dma_start3A] : memref<2x10240x144xf32, #tpu.memory_space<hbm>> -> memref<1x128x144xf32, #tpu.memory_space<hbm>>
      %dma_start3A_48 = tpu.memref_squeeze %dma_start3A_47 : memref<1x128x144xf32, #tpu.memory_space<hbm>> -> memref<128x144xf32, #tpu.memory_space<hbm>>
      %dma_start3A_49 = arith.constant 0 : i32
      %dma_start3A_50 = tpu.memref_slice %arg6[%arg0, %add3A_38, %dma_start3A_49] : memref<2x10240x144xf32, #tpu.memory_space<hbm>> -> memref<1x128x144xf32, #tpu.memory_space<hbm>>
      %dma_start3A_51 = tpu.memref_squeeze %dma_start3A_50 : memref<1x128x144xf32, #tpu.memory_space<hbm>> -> memref<128x144xf32, #tpu.memory_space<hbm>>
      tpu.enqueue_dma source(%arg8 : memref<128x144xf32, #tpu.memory_space<vmem>>) target(%dma_start3A_51 : memref<128x144xf32, #tpu.memory_space<hbm>>) target_semaphore(%run_scoped3A : memref<!tpu.dma_semaphore, #tpu.memory_space<semaphore_mem>>)
      %dma_wait3A = arith.constant 0 : i32
      %dma_wait3A_52 = tpu.memref_slice %arg6[%arg0, %add3A_38, %dma_wait3A] : memref<2x10240x144xf32, #tpu.memory_space<hbm>> -> memref<1x128x144xf32, #tpu.memory_space<hbm>>
      %dma_wait3A_53 = tpu.memref_squeeze %dma_wait3A_52 : memref<1x128x144xf32, #tpu.memory_space<hbm>> -> memref<128x144xf32, #tpu.memory_space<hbm>>
      %dma_wait3A_54 = arith.constant 0 : i32
      %dma_wait3A_55 = tpu.memref_slice %arg6[%arg0, %add3A_38, %dma_wait3A_54] : memref<2x10240x144xf32, #tpu.memory_space<hbm>> -> memref<1x128x144xf32, #tpu.memory_space<hbm>>
      %dma_wait3A_56 = tpu.memref_squeeze %dma_wait3A_55 : memref<1x128x144xf32, #tpu.memory_space<hbm>> -> memref<128x144xf32, #tpu.memory_space<hbm>>
      tpu.wait_dma2 semaphore(%run_scoped3A : memref<!tpu.dma_semaphore, #tpu.memory_space<semaphore_mem>>) src(%arg8 : memref<128x144xf32, #tpu.memory_space<vmem>>) dst(%dma_wait3A_56 : memref<128x144xf32, #tpu.memory_space<hbm>>)
      tpu.yield
    }) : () -> ()
    %add3A_39 = arith.constant 384 : i32
    %add3A_40 = arith.addi %mul3A_2, %add3A_39 : i32
    "tpu.region"() ({
      %run_scoped3A = tpu.sem_alloc : memref<!tpu.dma_semaphore, #tpu.memory_space<semaphore_mem>>
      %dma_start3A = arith.constant 0 : i32
      %dma_start3A_47 = tpu.memref_slice %arg7[%add3A_40, %dma_start3A] : memref<10240x144xf32, #tpu.memory_space<vmem_shared>> -> memref<128x144xf32, #tpu.memory_space<vmem_shared>>
      %dma_start3A_48 = arith.constant 0 : i32
      %dma_start3A_49 = tpu.memref_slice %arg7[%add3A_40, %dma_start3A_48] : memref<10240x144xf32, #tpu.memory_space<vmem_shared>> -> memref<128x144xf32, #tpu.memory_space<vmem_shared>>
      tpu.enqueue_dma source(%dma_start3A_49 : memref<128x144xf32, #tpu.memory_space<vmem_shared>>) target(%arg8 : memref<128x144xf32, #tpu.memory_space<vmem>>) target_semaphore(%run_scoped3A : memref<!tpu.dma_semaphore, #tpu.memory_space<semaphore_mem>>)
      %dma_wait3A = arith.constant 0 : i32
      %dma_wait3A_50 = tpu.memref_slice %arg7[%add3A_40, %dma_wait3A] : memref<10240x144xf32, #tpu.memory_space<vmem_shared>> -> memref<128x144xf32, #tpu.memory_space<vmem_shared>>
      %dma_wait3A_51 = arith.constant 0 : i32
      %dma_wait3A_52 = tpu.memref_slice %arg7[%add3A_40, %dma_wait3A_51] : memref<10240x144xf32, #tpu.memory_space<vmem_shared>> -> memref<128x144xf32, #tpu.memory_space<vmem_shared>>
      tpu.wait_dma2 semaphore(%run_scoped3A : memref<!tpu.dma_semaphore, #tpu.memory_space<semaphore_mem>>) src(%dma_wait3A_52 : memref<128x144xf32, #tpu.memory_space<vmem_shared>>) dst(%arg8 : memref<128x144xf32, #tpu.memory_space<vmem>>)
      tpu.yield
    }) : () -> ()
    %add3A_41 = arith.constant 384 : i32
    %add3A_42 = arith.addi %mul3A_2, %add3A_41 : i32
    "tpu.region"() ({
      %run_scoped3A = tpu.sem_alloc : memref<!tpu.dma_semaphore, #tpu.memory_space<semaphore_mem>>
      %dma_start3A = arith.constant 0 : i32
      %dma_start3A_47 = tpu.memref_slice %arg6[%arg0, %add3A_42, %dma_start3A] : memref<2x10240x144xf32, #tpu.memory_space<hbm>> -> memref<1x128x144xf32, #tpu.memory_space<hbm>>
      %dma_start3A_48 = tpu.memref_squeeze %dma_start3A_47 : memref<1x128x144xf32, #tpu.memory_space<hbm>> -> memref<128x144xf32, #tpu.memory_space<hbm>>
      %dma_start3A_49 = arith.constant 0 : i32
      %dma_start3A_50 = tpu.memref_slice %arg6[%arg0, %add3A_42, %dma_start3A_49] : memref<2x10240x144xf32, #tpu.memory_space<hbm>> -> memref<1x128x144xf32, #tpu.memory_space<hbm>>
      %dma_start3A_51 = tpu.memref_squeeze %dma_start3A_50 : memref<1x128x144xf32, #tpu.memory_space<hbm>> -> memref<128x144xf32, #tpu.memory_space<hbm>>
      tpu.enqueue_dma source(%arg8 : memref<128x144xf32, #tpu.memory_space<vmem>>) target(%dma_start3A_51 : memref<128x144xf32, #tpu.memory_space<hbm>>) target_semaphore(%run_scoped3A : memref<!tpu.dma_semaphore, #tpu.memory_space<semaphore_mem>>)
      %dma_wait3A = arith.constant 0 : i32
      %dma_wait3A_52 = tpu.memref_slice %arg6[%arg0, %add3A_42, %dma_wait3A] : memref<2x10240x144xf32, #tpu.memory_space<hbm>> -> memref<1x128x144xf32, #tpu.memory_space<hbm>>
      %dma_wait3A_53 = tpu.memref_squeeze %dma_wait3A_52 : memref<1x128x144xf32, #tpu.memory_space<hbm>> -> memref<128x144xf32, #tpu.memory_space<hbm>>
      %dma_wait3A_54 = arith.constant 0 : i32
      %dma_wait3A_55 = tpu.memref_slice %arg6[%arg0, %add3A_42, %dma_wait3A_54] : memref<2x10240x144xf32, #tpu.memory_space<hbm>> -> memref<1x128x144xf32, #tpu.memory_space<hbm>>
      %dma_wait3A_56 = tpu.memref_squeeze %dma_wait3A_55 : memref<1x128x144xf32, #tpu.memory_space<hbm>> -> memref<128x144xf32, #tpu.memory_space<hbm>>
      tpu.wait_dma2 semaphore(%run_scoped3A : memref<!tpu.dma_semaphore, #tpu.memory_space<semaphore_mem>>) src(%arg8 : memref<128x144xf32, #tpu.memory_space<vmem>>) dst(%dma_wait3A_56 : memref<128x144xf32, #tpu.memory_space<hbm>>)
      tpu.yield
    }) : () -> ()
    %add3A_43 = arith.constant 512 : i32
    %add3A_44 = arith.addi %mul3A_2, %add3A_43 : i32
    "tpu.region"() ({
      %run_scoped3A = tpu.sem_alloc : memref<!tpu.dma_semaphore, #tpu.memory_space<semaphore_mem>>
      %dma_start3A = arith.constant 0 : i32
      %dma_start3A_47 = tpu.memref_slice %arg7[%add3A_44, %dma_start3A] : memref<10240x144xf32, #tpu.memory_space<vmem_shared>> -> memref<128x144xf32, #tpu.memory_space<vmem_shared>>
      %dma_start3A_48 = arith.constant 0 : i32
      %dma_start3A_49 = tpu.memref_slice %arg7[%add3A_44, %dma_start3A_48] : memref<10240x144xf32, #tpu.memory_space<vmem_shared>> -> memref<128x144xf32, #tpu.memory_space<vmem_shared>>
      tpu.enqueue_dma source(%dma_start3A_49 : memref<128x144xf32, #tpu.memory_space<vmem_shared>>) target(%arg8 : memref<128x144xf32, #tpu.memory_space<vmem>>) target_semaphore(%run_scoped3A : memref<!tpu.dma_semaphore, #tpu.memory_space<semaphore_mem>>)
      %dma_wait3A = arith.constant 0 : i32
      %dma_wait3A_50 = tpu.memref_slice %arg7[%add3A_44, %dma_wait3A] : memref<10240x144xf32, #tpu.memory_space<vmem_shared>> -> memref<128x144xf32, #tpu.memory_space<vmem_shared>>
      %dma_wait3A_51 = arith.constant 0 : i32
      %dma_wait3A_52 = tpu.memref_slice %arg7[%add3A_44, %dma_wait3A_51] : memref<10240x144xf32, #tpu.memory_space<vmem_shared>> -> memref<128x144xf32, #tpu.memory_space<vmem_shared>>
      tpu.wait_dma2 semaphore(%run_scoped3A : memref<!tpu.dma_semaphore, #tpu.memory_space<semaphore_mem>>) src(%dma_wait3A_52 : memref<128x144xf32, #tpu.memory_space<vmem_shared>>) dst(%arg8 : memref<128x144xf32, #tpu.memory_space<vmem>>)
      tpu.yield
    }) : () -> ()
    %add3A_45 = arith.constant 512 : i32
    %add3A_46 = arith.addi %mul3A_2, %add3A_45 : i32
    "tpu.region"() ({
      %run_scoped3A = tpu.sem_alloc : memref<!tpu.dma_semaphore, #tpu.memory_space<semaphore_mem>>
      %dma_start3A = arith.constant 0 : i32
      %dma_start3A_47 = tpu.memref_slice %arg6[%arg0, %add3A_46, %dma_start3A] : memref<2x10240x144xf32, #tpu.memory_space<hbm>> -> memref<1x128x144xf32, #tpu.memory_space<hbm>>
      %dma_start3A_48 = tpu.memref_squeeze %dma_start3A_47 : memref<1x128x144xf32, #tpu.memory_space<hbm>> -> memref<128x144xf32, #tpu.memory_space<hbm>>
      %dma_start3A_49 = arith.constant 0 : i32
      %dma_start3A_50 = tpu.memref_slice %arg6[%arg0, %add3A_46, %dma_start3A_49] : memref<2x10240x144xf32, #tpu.memory_space<hbm>> -> memref<1x128x144xf32, #tpu.memory_space<hbm>>
      %dma_start3A_51 = tpu.memref_squeeze %dma_start3A_50 : memref<1x128x144xf32, #tpu.memory_space<hbm>> -> memref<128x144xf32, #tpu.memory_space<hbm>>
      tpu.enqueue_dma source(%arg8 : memref<128x144xf32, #tpu.memory_space<vmem>>) target(%dma_start3A_51 : memref<128x144xf32, #tpu.memory_space<hbm>>) target_semaphore(%run_scoped3A : memref<!tpu.dma_semaphore, #tpu.memory_space<semaphore_mem>>)
      %dma_wait3A = arith.constant 0 : i32
      %dma_wait3A_52 = tpu.memref_slice %arg6[%arg0, %add3A_46, %dma_wait3A] : memref<2x10240x144xf32, #tpu.memory_space<hbm>> -> memref<1x128x144xf32, #tpu.memory_space<hbm>>
      %dma_wait3A_53 = tpu.memref_squeeze %dma_wait3A_52 : memref<1x128x144xf32, #tpu.memory_space<hbm>> -> memref<128x144xf32, #tpu.memory_space<hbm>>
      %dma_wait3A_54 = arith.constant 0 : i32
      %dma_wait3A_55 = tpu.memref_slice %arg6[%arg0, %add3A_46, %dma_wait3A_54] : memref<2x10240x144xf32, #tpu.memory_space<hbm>> -> memref<1x128x144xf32, #tpu.memory_space<hbm>>
      %dma_wait3A_56 = tpu.memref_squeeze %dma_wait3A_55 : memref<1x128x144xf32, #tpu.memory_space<hbm>> -> memref<128x144xf32, #tpu.memory_space<hbm>>
      tpu.wait_dma2 semaphore(%run_scoped3A : memref<!tpu.dma_semaphore, #tpu.memory_space<semaphore_mem>>) src(%arg8 : memref<128x144xf32, #tpu.memory_space<vmem>>) dst(%dma_wait3A_56 : memref<128x144xf32, #tpu.memory_space<hbm>>)
      tpu.yield
    }) : () -> ()
    return
  }
}

#map = affine_map<(d0, d1) -> (0, 0)>
#map1 = affine_map<(d0, d1) -> (0)>
#map2 = affine_map<(d0, d1) -> (0, 0, 0)>
module attributes {stable_mosaic.version = 14 : i64} {
  func.func @_sc_edge_body(%arg0: i32, %arg1: i32, %arg2: memref<10000x144xf32, #tpu.memory_space<hbm>>, %arg3: memref<10000x16xf32, #tpu.memory_space<hbm>>, %arg4: memref<320000xi32, #tpu.memory_space<hbm>>, %arg5: memref<320000xi32, #tpu.memory_space<hbm>>, %arg6: memref<2x10240x144xf32, #tpu.memory_space<hbm>>, %arg7: memref<10240x144xf32, #tpu.memory_space<vmem_shared>>, %arg8: memref<128x144xf32, #tpu.memory_space<vmem>>, %arg9: memref<128x16xf32, #tpu.memory_space<vmem>>, %arg10: memref<128xi32, #tpu.memory_space<vmem>>, %arg11: memref<128xi32, #tpu.memory_space<vmem>>, %arg12: memref<!tpu.dma_semaphore, #tpu.memory_space<semaphore_mem>>, %arg13: memref<!tpu.dma_semaphore, #tpu.memory_space<semaphore_mem>>) attributes {dimension_semantics = [#tpu.dimension_semantics<core_parallel>, #tpu.dimension_semantics<subcore_parallel>], iteration_bounds = array<i64: 2, 16>, scalar_prefetch = 0 : i64, scratch_operands = 7 : i64, tpu.core_type = #tpu.core_type<sc_vector_subcore>, window_params = [{transform_indices = #map}, {transform_indices = #map}, {transform_indices = #map1}, {transform_indices = #map1}, {transform_indices = #map2}]} {
    %mul3A = arith.constant 2 : i32
    %mul3A_0 = arith.muli %arg1, %mul3A : i32
    %add3A = arith.addi %mul3A_0, %arg0 : i32
    %mul3A_1 = arith.constant 640 : i32
    %mul3A_2 = arith.muli %arg1, %mul3A_1 : i32
    %scan3A = arith.constant 0 : i32
    %scan3A_3 = arith.constant 0 : i32
    %scan3A_4 = arith.constant 128 : i32
    %scan3A_5 = arith.addi %scan3A_3, %scan3A_4 : i32
    %scan3A_6 = arith.constant 1 : i32
    %scan3A_7 = scf.for %scan3A_47 = %scan3A_3 to %scan3A_5 step %scan3A_6 iter_args(%scan3A_48 = %scan3A) -> (i32)  : i32 {
      %broadcast_in_dim3A = arith.constant 0.000000e+00 : f32
      %broadcast_in_dim3A_49 = vector.broadcast %broadcast_in_dim3A : f32 to vector<16xf32>
      %swap3A = arith.index_cast %scan3A_47 : i32 to index
      %swap3A_50 = arith.constant 0 : index
      %swap3A_51 = tpu.vector_load %arg8[%swap3A, %swap3A_50] {strides = array<i32>} : memref<128x144xf32, #tpu.memory_space<vmem>>, vector<1x16xf32>,
      %swap3A_52 = vector.shape_cast %swap3A_51 : vector<1x16xf32> to vector<16xf32>
      %swap3A_53 = vector.shape_cast %broadcast_in_dim3A_49 : vector<16xf32> to vector<1x16xf32>
      tpu.vector_store %arg8[%swap3A, %swap3A_50], %swap3A_53 {strides = array<i32>} : memref<128x144xf32, #tpu.memory_space<vmem>>, vector<1x16xf32>,
      %broadcast_in_dim3A_54 = arith.constant 0.000000e+00 : f32
      %broadcast_in_dim3A_55 = vector.broadcast %broadcast_in_dim3A_54 : f32 to vector<16xf32>
      %swap3A_56 = arith.index_cast %scan3A_47 : i32 to index
      %swap3A_57 = arith.constant 16 : index
      %swap3A_58 = tpu.vector_load %arg8[%swap3A_56, %swap3A_57] {strides = array<i32>} : memref<128x144xf32, #tpu.memory_space<vmem>>, vector<1x16xf32>,
      %swap3A_59 = vector.shape_cast %swap3A_58 : vector<1x16xf32> to vector<16xf32>
      %swap3A_60 = vector.shape_cast %broadcast_in_dim3A_55 : vector<16xf32> to vector<1x16xf32>
      tpu.vector_store %arg8[%swap3A_56, %swap3A_57], %swap3A_60 {strides = array<i32>} : memref<128x144xf32, #tpu.memory_space<vmem>>, vector<1x16xf32>,
      %broadcast_in_dim3A_61 = arith.constant 0.000000e+00 : f32
      %broadcast_in_dim3A_62 = vector.broadcast %broadcast_in_dim3A_61 : f32 to vector<16xf32>
      %swap3A_63 = arith.index_cast %scan3A_47 : i32 to index
      %swap3A_64 = arith.constant 32 : index
      %swap3A_65 = tpu.vector_load %arg8[%swap3A_63, %swap3A_64] {strides = array<i32>} : memref<128x144xf32, #tpu.memory_space<vmem>>, vector<1x16xf32>,
      %swap3A_66 = vector.shape_cast %swap3A_65 : vector<1x16xf32> to vector<16xf32>
      %swap3A_67 = vector.shape_cast %broadcast_in_dim3A_62 : vector<16xf32> to vector<1x16xf32>
      tpu.vector_store %arg8[%swap3A_63, %swap3A_64], %swap3A_67 {strides = array<i32>} : memref<128x144xf32, #tpu.memory_space<vmem>>, vector<1x16xf32>,
      %broadcast_in_dim3A_68 = arith.constant 0.000000e+00 : f32
      %broadcast_in_dim3A_69 = vector.broadcast %broadcast_in_dim3A_68 : f32 to vector<16xf32>
      %swap3A_70 = arith.index_cast %scan3A_47 : i32 to index
      %swap3A_71 = arith.constant 48 : index
      %swap3A_72 = tpu.vector_load %arg8[%swap3A_70, %swap3A_71] {strides = array<i32>} : memref<128x144xf32, #tpu.memory_space<vmem>>, vector<1x16xf32>,
      %swap3A_73 = vector.shape_cast %swap3A_72 : vector<1x16xf32> to vector<16xf32>
      %swap3A_74 = vector.shape_cast %broadcast_in_dim3A_69 : vector<16xf32> to vector<1x16xf32>
      tpu.vector_store %arg8[%swap3A_70, %swap3A_71], %swap3A_74 {strides = array<i32>} : memref<128x144xf32, #tpu.memory_space<vmem>>, vector<1x16xf32>,
      %broadcast_in_dim3A_75 = arith.constant 0.000000e+00 : f32
      %broadcast_in_dim3A_76 = vector.broadcast %broadcast_in_dim3A_75 : f32 to vector<16xf32>
      %swap3A_77 = arith.index_cast %scan3A_47 : i32 to index
      %swap3A_78 = arith.constant 64 : index
      %swap3A_79 = tpu.vector_load %arg8[%swap3A_77, %swap3A_78] {strides = array<i32>} : memref<128x144xf32, #tpu.memory_space<vmem>>, vector<1x16xf32>,
      %swap3A_80 = vector.shape_cast %swap3A_79 : vector<1x16xf32> to vector<16xf32>
      %swap3A_81 = vector.shape_cast %broadcast_in_dim3A_76 : vector<16xf32> to vector<1x16xf32>
      tpu.vector_store %arg8[%swap3A_77, %swap3A_78], %swap3A_81 {strides = array<i32>} : memref<128x144xf32, #tpu.memory_space<vmem>>, vector<1x16xf32>,
      %broadcast_in_dim3A_82 = arith.constant 0.000000e+00 : f32
      %broadcast_in_dim3A_83 = vector.broadcast %broadcast_in_dim3A_82 : f32 to vector<16xf32>
      %swap3A_84 = arith.index_cast %scan3A_47 : i32 to index
      %swap3A_85 = arith.constant 80 : index
      %swap3A_86 = tpu.vector_load %arg8[%swap3A_84, %swap3A_85] {strides = array<i32>} : memref<128x144xf32, #tpu.memory_space<vmem>>, vector<1x16xf32>,
      %swap3A_87 = vector.shape_cast %swap3A_86 : vector<1x16xf32> to vector<16xf32>
      %swap3A_88 = vector.shape_cast %broadcast_in_dim3A_83 : vector<16xf32> to vector<1x16xf32>
      tpu.vector_store %arg8[%swap3A_84, %swap3A_85], %swap3A_88 {strides = array<i32>} : memref<128x144xf32, #tpu.memory_space<vmem>>, vector<1x16xf32>,
      %broadcast_in_dim3A_89 = arith.constant 0.000000e+00 : f32
      %broadcast_in_dim3A_90 = vector.broadcast %broadcast_in_dim3A_89 : f32 to vector<16xf32>
      %swap3A_91 = arith.index_cast %scan3A_47 : i32 to index
      %swap3A_92 = arith.constant 96 : index
      %swap3A_93 = tpu.vector_load %arg8[%swap3A_91, %swap3A_92] {strides = array<i32>} : memref<128x144xf32, #tpu.memory_space<vmem>>, vector<1x16xf32>,
      %swap3A_94 = vector.shape_cast %swap3A_93 : vector<1x16xf32> to vector<16xf32>
      %swap3A_95 = vector.shape_cast %broadcast_in_dim3A_90 : vector<16xf32> to vector<1x16xf32>
      tpu.vector_store %arg8[%swap3A_91, %swap3A_92], %swap3A_95 {strides = array<i32>} : memref<128x144xf32, #tpu.memory_space<vmem>>, vector<1x16xf32>,
      %broadcast_in_dim3A_96 = arith.constant 0.000000e+00 : f32
      %broadcast_in_dim3A_97 = vector.broadcast %broadcast_in_dim3A_96 : f32 to vector<16xf32>
      %swap3A_98 = arith.index_cast %scan3A_47 : i32 to index
      %swap3A_99 = arith.constant 112 : index
      %swap3A_100 = tpu.vector_load %arg8[%swap3A_98, %swap3A_99] {strides = array<i32>} : memref<128x144xf32, #tpu.memory_space<vmem>>, vector<1x16xf32>,
      %swap3A_101 = vector.shape_cast %swap3A_100 : vector<1x16xf32> to vector<16xf32>
      %swap3A_102 = vector.shape_cast %broadcast_in_dim3A_97 : vector<16xf32> to vector<1x16xf32>
      tpu.vector_store %arg8[%swap3A_98, %swap3A_99], %swap3A_102 {strides = array<i32>} : memref<128x144xf32, #tpu.memory_space<vmem>>, vector<1x16xf32>,
      %broadcast_in_dim3A_103 = arith.constant 0.000000e+00 : f32
      %broadcast_in_dim3A_104 = vector.broadcast %broadcast_in_dim3A_103 : f32 to vector<16xf32>
      %swap3A_105 = arith.index_cast %scan3A_47 : i32 to index
      %swap3A_106 = arith.constant 128 : index
      %swap3A_107 = tpu.vector_load %arg8[%swap3A_105, %swap3A_106] {strides = array<i32>} : memref<128x144xf32, #tpu.memory_space<vmem>>, vector<1x16xf32>,
      %swap3A_108 = vector.shape_cast %swap3A_107 : vector<1x16xf32> to vector<16xf32>
      %swap3A_109 = vector.shape_cast %broadcast_in_dim3A_104 : vector<16xf32> to vector<1x16xf32>
      tpu.vector_store %arg8[%swap3A_105, %swap3A_106], %swap3A_109 {strides = array<i32>} : memref<128x144xf32, #tpu.memory_space<vmem>>, vector<1x16xf32>,
      %scan3A_110 = arith.constant 0 : i32
      scf.yield %scan3A_110 : i32
    }
    %scan3A_8 = arith.constant 128 : i32
    %add3A_9 = arith.constant 0 : i32
    %add3A_10 = arith.addi %mul3A_2, %add3A_9 : i32
    "tpu.region"() ({
      %run_scoped3A = tpu.sem_alloc : memref<!tpu.dma_semaphore, #tpu.memory_space<semaphore_mem>>
      %dma_start3A = arith.constant 0 : i32
      %dma_start3A_47 = tpu.memref_slice %arg7[%add3A_10, %dma_start3A] : memref<10240x144xf32, #tpu.memory_space<vmem_shared>> -> memref<128x144xf32, #tpu.memory_space<vmem_shared>>
      %dma_start3A_48 = arith.constant 0 : i32
      %dma_start3A_49 = tpu.memref_slice %arg7[%add3A_10, %dma_start3A_48] : memref<10240x144xf32, #tpu.memory_space<vmem_shared>> -> memref<128x144xf32, #tpu.memory_space<vmem_shared>>
      tpu.enqueue_dma source(%arg8 : memref<128x144xf32, #tpu.memory_space<vmem>>) target(%dma_start3A_49 : memref<128x144xf32, #tpu.memory_space<vmem_shared>>) target_semaphore(%run_scoped3A : memref<!tpu.dma_semaphore, #tpu.memory_space<semaphore_mem>>)
      %dma_wait3A = arith.constant 0 : i32
      %dma_wait3A_50 = tpu.memref_slice %arg7[%add3A_10, %dma_wait3A] : memref<10240x144xf32, #tpu.memory_space<vmem_shared>> -> memref<128x144xf32, #tpu.memory_space<vmem_shared>>
      %dma_wait3A_51 = arith.constant 0 : i32
      %dma_wait3A_52 = tpu.memref_slice %arg7[%add3A_10, %dma_wait3A_51] : memref<10240x144xf32, #tpu.memory_space<vmem_shared>> -> memref<128x144xf32, #tpu.memory_space<vmem_shared>>
      tpu.wait_dma2 semaphore(%run_scoped3A : memref<!tpu.dma_semaphore, #tpu.memory_space<semaphore_mem>>) src(%arg8 : memref<128x144xf32, #tpu.memory_space<vmem>>) dst(%dma_wait3A_52 : memref<128x144xf32, #tpu.memory_space<vmem_shared>>)
      tpu.yield
    }) : () -> ()
    %add3A_11 = arith.constant 128 : i32
    %add3A_12 = arith.addi %mul3A_2, %add3A_11 : i32
    "tpu.region"() ({
      %run_scoped3A = tpu.sem_alloc : memref<!tpu.dma_semaphore, #tpu.memory_space<semaphore_mem>>
      %dma_start3A = arith.constant 0 : i32
      %dma_start3A_47 = tpu.memref_slice %arg7[%add3A_12, %dma_start3A] : memref<10240x144xf32, #tpu.memory_space<vmem_shared>> -> memref<128x144xf32, #tpu.memory_space<vmem_shared>>
      %dma_start3A_48 = arith.constant 0 : i32
      %dma_start3A_49 = tpu.memref_slice %arg7[%add3A_12, %dma_start3A_48] : memref<10240x144xf32, #tpu.memory_space<vmem_shared>> -> memref<128x144xf32, #tpu.memory_space<vmem_shared>>
      tpu.enqueue_dma source(%arg8 : memref<128x144xf32, #tpu.memory_space<vmem>>) target(%dma_start3A_49 : memref<128x144xf32, #tpu.memory_space<vmem_shared>>) target_semaphore(%run_scoped3A : memref<!tpu.dma_semaphore, #tpu.memory_space<semaphore_mem>>)
      %dma_wait3A = arith.constant 0 : i32
      %dma_wait3A_50 = tpu.memref_slice %arg7[%add3A_12, %dma_wait3A] : memref<10240x144xf32, #tpu.memory_space<vmem_shared>> -> memref<128x144xf32, #tpu.memory_space<vmem_shared>>
      %dma_wait3A_51 = arith.constant 0 : i32
      %dma_wait3A_52 = tpu.memref_slice %arg7[%add3A_12, %dma_wait3A_51] : memref<10240x144xf32, #tpu.memory_space<vmem_shared>> -> memref<128x144xf32, #tpu.memory_space<vmem_shared>>
      tpu.wait_dma2 semaphore(%run_scoped3A : memref<!tpu.dma_semaphore, #tpu.memory_space<semaphore_mem>>) src(%arg8 : memref<128x144xf32, #tpu.memory_space<vmem>>) dst(%dma_wait3A_52 : memref<128x144xf32, #tpu.memory_space<vmem_shared>>)
      tpu.yield
    }) : () -> ()
    %add3A_13 = arith.constant 256 : i32
    %add3A_14 = arith.addi %mul3A_2, %add3A_13 : i32
    "tpu.region"() ({
      %run_scoped3A = tpu.sem_alloc : memref<!tpu.dma_semaphore, #tpu.memory_space<semaphore_mem>>
      %dma_start3A = arith.constant 0 : i32
      %dma_start3A_47 = tpu.memref_slice %arg7[%add3A_14, %dma_start3A] : memref<10240x144xf32, #tpu.memory_space<vmem_shared>> -> memref<128x144xf32, #tpu.memory_space<vmem_shared>>
      %dma_start3A_48 = arith.constant 0 : i32
      %dma_start3A_49 = tpu.memref_slice %arg7[%add3A_14, %dma_start3A_48] : memref<10240x144xf32, #tpu.memory_space<vmem_shared>> -> memref<128x144xf32, #tpu.memory_space<vmem_shared>>
      tpu.enqueue_dma source(%arg8 : memref<128x144xf32, #tpu.memory_space<vmem>>) target(%dma_start3A_49 : memref<128x144xf32, #tpu.memory_space<vmem_shared>>) target_semaphore(%run_scoped3A : memref<!tpu.dma_semaphore, #tpu.memory_space<semaphore_mem>>)
      %dma_wait3A = arith.constant 0 : i32
      %dma_wait3A_50 = tpu.memref_slice %arg7[%add3A_14, %dma_wait3A] : memref<10240x144xf32, #tpu.memory_space<vmem_shared>> -> memref<128x144xf32, #tpu.memory_space<vmem_shared>>
      %dma_wait3A_51 = arith.constant 0 : i32
      %dma_wait3A_52 = tpu.memref_slice %arg7[%add3A_14, %dma_wait3A_51] : memref<10240x144xf32, #tpu.memory_space<vmem_shared>> -> memref<128x144xf32, #tpu.memory_space<vmem_shared>>
      tpu.wait_dma2 semaphore(%run_scoped3A : memref<!tpu.dma_semaphore, #tpu.memory_space<semaphore_mem>>) src(%arg8 : memref<128x144xf32, #tpu.memory_space<vmem>>) dst(%dma_wait3A_52 : memref<128x144xf32, #tpu.memory_space<vmem_shared>>)
      tpu.yield
    }) : () -> ()
    %add3A_15 = arith.constant 384 : i32
    %add3A_16 = arith.addi %mul3A_2, %add3A_15 : i32
    "tpu.region"() ({
      %run_scoped3A = tpu.sem_alloc : memref<!tpu.dma_semaphore, #tpu.memory_space<semaphore_mem>>
      %dma_start3A = arith.constant 0 : i32
      %dma_start3A_47 = tpu.memref_slice %arg7[%add3A_16, %dma_start3A] : memref<10240x144xf32, #tpu.memory_space<vmem_shared>> -> memref<128x144xf32, #tpu.memory_space<vmem_shared>>
      %dma_start3A_48 = arith.constant 0 : i32
      %dma_start3A_49 = tpu.memref_slice %arg7[%add3A_16, %dma_start3A_48] : memref<10240x144xf32, #tpu.memory_space<vmem_shared>> -> memref<128x144xf32, #tpu.memory_space<vmem_shared>>
      tpu.enqueue_dma source(%arg8 : memref<128x144xf32, #tpu.memory_space<vmem>>) target(%dma_start3A_49 : memref<128x144xf32, #tpu.memory_space<vmem_shared>>) target_semaphore(%run_scoped3A : memref<!tpu.dma_semaphore, #tpu.memory_space<semaphore_mem>>)
      %dma_wait3A = arith.constant 0 : i32
      %dma_wait3A_50 = tpu.memref_slice %arg7[%add3A_16, %dma_wait3A] : memref<10240x144xf32, #tpu.memory_space<vmem_shared>> -> memref<128x144xf32, #tpu.memory_space<vmem_shared>>
      %dma_wait3A_51 = arith.constant 0 : i32
      %dma_wait3A_52 = tpu.memref_slice %arg7[%add3A_16, %dma_wait3A_51] : memref<10240x144xf32, #tpu.memory_space<vmem_shared>> -> memref<128x144xf32, #tpu.memory_space<vmem_shared>>
      tpu.wait_dma2 semaphore(%run_scoped3A : memref<!tpu.dma_semaphore, #tpu.memory_space<semaphore_mem>>) src(%arg8 : memref<128x144xf32, #tpu.memory_space<vmem>>) dst(%dma_wait3A_52 : memref<128x144xf32, #tpu.memory_space<vmem_shared>>)
      tpu.yield
    }) : () -> ()
    %add3A_17 = arith.constant 512 : i32
    %add3A_18 = arith.addi %mul3A_2, %add3A_17 : i32
    "tpu.region"() ({
      %run_scoped3A = tpu.sem_alloc : memref<!tpu.dma_semaphore, #tpu.memory_space<semaphore_mem>>
      %dma_start3A = arith.constant 0 : i32
      %dma_start3A_47 = tpu.memref_slice %arg7[%add3A_18, %dma_start3A] : memref<10240x144xf32, #tpu.memory_space<vmem_shared>> -> memref<128x144xf32, #tpu.memory_space<vmem_shared>>
      %dma_start3A_48 = arith.constant 0 : i32
      %dma_start3A_49 = tpu.memref_slice %arg7[%add3A_18, %dma_start3A_48] : memref<10240x144xf32, #tpu.memory_space<vmem_shared>> -> memref<128x144xf32, #tpu.memory_space<vmem_shared>>
      tpu.enqueue_dma source(%arg8 : memref<128x144xf32, #tpu.memory_space<vmem>>) target(%dma_start3A_49 : memref<128x144xf32, #tpu.memory_space<vmem_shared>>) target_semaphore(%run_scoped3A : memref<!tpu.dma_semaphore, #tpu.memory_space<semaphore_mem>>)
      %dma_wait3A = arith.constant 0 : i32
      %dma_wait3A_50 = tpu.memref_slice %arg7[%add3A_18, %dma_wait3A] : memref<10240x144xf32, #tpu.memory_space<vmem_shared>> -> memref<128x144xf32, #tpu.memory_space<vmem_shared>>
      %dma_wait3A_51 = arith.constant 0 : i32
      %dma_wait3A_52 = tpu.memref_slice %arg7[%add3A_18, %dma_wait3A_51] : memref<10240x144xf32, #tpu.memory_space<vmem_shared>> -> memref<128x144xf32, #tpu.memory_space<vmem_shared>>
      tpu.wait_dma2 semaphore(%run_scoped3A : memref<!tpu.dma_semaphore, #tpu.memory_space<semaphore_mem>>) src(%arg8 : memref<128x144xf32, #tpu.memory_space<vmem>>) dst(%dma_wait3A_52 : memref<128x144xf32, #tpu.memory_space<vmem_shared>>)
      tpu.yield
    }) : () -> ()
    %barrier3A = arith.constant 0 : index
    tpu.barrier barrier_id(%barrier3A)
    %scan3A_19 = arith.constant 0 : i32
    %scan3A_20 = arith.constant 0 : i32
    %scan3A_21 = arith.constant 79 : i32
    %scan3A_22 = arith.addi %scan3A_20, %scan3A_21 : i32
    %scan3A_23 = arith.constant 1 : i32
    %scan3A_24 = scf.for %scan3A_47 = %scan3A_20 to %scan3A_22 step %scan3A_23 iter_args(%scan3A_48 = %scan3A_19) -> (i32)  : i32 {
      %mul3A_49 = arith.constant 32 : i32
      %mul3A_50 = arith.muli %scan3A_47, %mul3A_49 : i32
      %add3A_51 = arith.addi %mul3A_50, %add3A : i32
      %lt3A = arith.constant 2500 : i32
      %lt3A_52 = arith.cmpi slt, %add3A_51, %lt3A : i32
      %convert_element_type3A = arith.extui %lt3A_52 : i1 to i32
      %cond3A = arith.constant 0 : i32
      %cond3A_53 = arith.cmpi ne, %convert_element_type3A, %cond3A : i32
      scf.if %cond3A_53 {
        %mul3A_55 = arith.constant 128 : i32
        %mul3A_56 = arith.muli %add3A_51, %mul3A_55 : i32
        "tpu.region"() ({
          %run_scoped3A = tpu.sem_alloc : memref<!tpu.dma_semaphore, #tpu.memory_space<semaphore_mem>>
          %dma_start3A_74 = tpu.memref_slice %arg4[%mul3A_56] : memref<320000xi32, #tpu.memory_space<hbm>> -> memref<128xi32, #tpu.memory_space<hbm>>
          %dma_start3A_75 = tpu.memref_slice %arg4[%mul3A_56] : memref<320000xi32, #tpu.memory_space<hbm>> -> memref<128xi32, #tpu.memory_space<hbm>>
          tpu.enqueue_dma source(%dma_start3A_75 : memref<128xi32, #tpu.memory_space<hbm>>) target(%arg10 : memref<128xi32, #tpu.memory_space<vmem>>) target_semaphore(%run_scoped3A : memref<!tpu.dma_semaphore, #tpu.memory_space<semaphore_mem>>)
          %dma_wait3A_76 = tpu.memref_slice %arg4[%mul3A_56] : memref<320000xi32, #tpu.memory_space<hbm>> -> memref<128xi32, #tpu.memory_space<hbm>>
          %dma_wait3A_77 = tpu.memref_slice %arg4[%mul3A_56] : memref<320000xi32, #tpu.memory_space<hbm>> -> memref<128xi32, #tpu.memory_space<hbm>>
          tpu.wait_dma2 semaphore(%run_scoped3A : memref<!tpu.dma_semaphore, #tpu.memory_space<semaphore_mem>>) src(%dma_wait3A_77 : memref<128xi32, #tpu.memory_space<hbm>>) dst(%arg10 : memref<128xi32, #tpu.memory_space<vmem>>)
          tpu.yield
        }) : () -> ()
        "tpu.region"() ({
          %run_scoped3A = tpu.sem_alloc : memref<!tpu.dma_semaphore, #tpu.memory_space<semaphore_mem>>
          %dma_start3A_74 = tpu.memref_slice %arg5[%mul3A_56] : memref<320000xi32, #tpu.memory_space<hbm>> -> memref<128xi32, #tpu.memory_space<hbm>>
          %dma_start3A_75 = tpu.memref_slice %arg5[%mul3A_56] : memref<320000xi32, #tpu.memory_space<hbm>> -> memref<128xi32, #tpu.memory_space<hbm>>
          tpu.enqueue_dma source(%dma_start3A_75 : memref<128xi32, #tpu.memory_space<hbm>>) target(%arg11 : memref<128xi32, #tpu.memory_space<vmem>>) target_semaphore(%run_scoped3A : memref<!tpu.dma_semaphore, #tpu.memory_space<semaphore_mem>>)
          %dma_wait3A_76 = tpu.memref_slice %arg5[%mul3A_56] : memref<320000xi32, #tpu.memory_space<hbm>> -> memref<128xi32, #tpu.memory_space<hbm>>
          %dma_wait3A_77 = tpu.memref_slice %arg5[%mul3A_56] : memref<320000xi32, #tpu.memory_space<hbm>> -> memref<128xi32, #tpu.memory_space<hbm>>
          tpu.wait_dma2 semaphore(%run_scoped3A : memref<!tpu.dma_semaphore, #tpu.memory_space<semaphore_mem>>) src(%dma_wait3A_77 : memref<128xi32, #tpu.memory_space<hbm>>) dst(%arg11 : memref<128xi32, #tpu.memory_space<vmem>>)
          tpu.yield
        }) : () -> ()
        %dma_start3A = arith.constant 0 : i32
        %dma_start3A_57 = arith.constant 0 : i32
        %dma_start3A_58 = tpu.memref_slice %arg2[%dma_start3A, %dma_start3A_57] : memref<10000x144xf32, #tpu.memory_space<hbm>> -> memref<10000x144xf32, #tpu.memory_space<hbm>>
        tpu.enqueue_indirect_dma source(%dma_start3A_58 : memref<10000x144xf32, #tpu.memory_space<hbm>>) target(%arg8 : memref<128x144xf32, #tpu.memory_space<vmem>>) offsets(%arg10 : memref<128xi32, #tpu.memory_space<vmem>>) semaphore(%arg12 : memref<!tpu.dma_semaphore, #tpu.memory_space<semaphore_mem>>)
        %dma_start3A_59 = arith.constant 0 : i32
        %dma_start3A_60 = arith.constant 0 : i32
        %dma_start3A_61 = tpu.memref_slice %arg3[%dma_start3A_59, %dma_start3A_60] : memref<10000x16xf32, #tpu.memory_space<hbm>> -> memref<10000x16xf32, #tpu.memory_space<hbm>>
        tpu.enqueue_indirect_dma source(%dma_start3A_61 : memref<10000x16xf32, #tpu.memory_space<hbm>>) target(%arg9 : memref<128x16xf32, #tpu.memory_space<vmem>>) offsets(%arg11 : memref<128xi32, #tpu.memory_space<vmem>>) semaphore(%arg13 : memref<!tpu.dma_semaphore, #tpu.memory_space<semaphore_mem>>)
        %dma_wait3A = arith.constant 0 : i32
        %dma_wait3A_62 = arith.constant 0 : i32
        %dma_wait3A_63 = tpu.memref_slice %arg3[%dma_wait3A, %dma_wait3A_62] : memref<10000x16xf32, #tpu.memory_space<hbm>> -> memref<10000x16xf32, #tpu.memory_space<hbm>>
        tpu.wait_indirect_dma semaphore(%arg13 : memref<!tpu.dma_semaphore, #tpu.memory_space<semaphore_mem>>) src(%dma_wait3A_63 : memref<10000x16xf32, #tpu.memory_space<hbm>>) dst(%arg9 : memref<128x16xf32, #tpu.memory_space<vmem>>)
        %dma_wait3A_64 = arith.constant 0 : i32
        %dma_wait3A_65 = arith.constant 0 : i32
        %dma_wait3A_66 = tpu.memref_slice %arg2[%dma_wait3A_64, %dma_wait3A_65] : memref<10000x144xf32, #tpu.memory_space<hbm>> -> memref<10000x144xf32, #tpu.memory_space<hbm>>
        tpu.wait_indirect_dma semaphore(%arg12 : memref<!tpu.dma_semaphore, #tpu.memory_space<semaphore_mem>>) src(%dma_wait3A_66 : memref<10000x144xf32, #tpu.memory_space<hbm>>) dst(%arg8 : memref<128x144xf32, #tpu.memory_space<vmem>>)
        %scan3A_67 = arith.constant 0 : i32
        %scan3A_68 = arith.constant 0 : i32
        %scan3A_69 = arith.constant 128 : i32
        %scan3A_70 = arith.addi %scan3A_68, %scan3A_69 : i32
        %scan3A_71 = arith.constant 1 : i32
        %scan3A_72 = scf.for %scan3A_74 = %scan3A_68 to %scan3A_70 step %scan3A_71 iter_args(%scan3A_75 = %scan3A_67) -> (i32)  : i32 {
          %get3A = arith.index_cast %scan3A_74 : i32 to index
          %get3A_76 = arith.constant 128 : index
          %get3A_77 = tpu.vector_load %arg8[%get3A, %get3A_76] {strides = array<i32>} : memref<128x144xf32, #tpu.memory_space<vmem>>, vector<1x16xf32>,
          %get3A_78 = vector.shape_cast %get3A_77 : vector<1x16xf32> to vector<16xf32>
          %get3A_79 = arith.index_cast %scan3A_74 : i32 to index
          %get3A_80 = arith.constant 0 : index
          %get3A_81 = tpu.vector_load %arg9[%get3A_79, %get3A_80] {strides = array<i32>} : memref<128x16xf32, #tpu.memory_space<vmem>>, vector<1x16xf32>,
          %get3A_82 = vector.shape_cast %get3A_81 : vector<1x16xf32> to vector<16xf32>
          %add3A_83 = arith.addf %get3A_78, %get3A_82 : vector<16xf32>
          %ge3A = arith.constant 0.000000e+00 : f32
          %ge3A_84 = vector.broadcast %ge3A : f32 to vector<16xf32>
          %ge3A_85 = arith.cmpf oge, %add3A_83, %ge3A_84 : vector<16xf32>
          %mul3A_86 = arith.constant 2.000000e-01 : f32
          %mul3A_87 = vector.broadcast %mul3A_86 : f32 to vector<16xf32>
          %mul3A_88 = arith.mulf %mul3A_87, %add3A_83 : vector<16xf32>
          %select_n3A = arith.select %ge3A_85, %add3A_83, %mul3A_88 : vector<16xi1>, vector<16xf32>
          %exp3A = math.exp %select_n3A : vector<16xf32>
          %swap3A = arith.index_cast %scan3A_74 : i32 to index
          %swap3A_89 = arith.constant 128 : index
          %swap3A_90 = tpu.vector_load %arg8[%swap3A, %swap3A_89] {strides = array<i32>} : memref<128x144xf32, #tpu.memory_space<vmem>>, vector<1x16xf32>,
          %swap3A_91 = vector.shape_cast %swap3A_90 : vector<1x16xf32> to vector<16xf32>
          %swap3A_92 = vector.shape_cast %exp3A : vector<16xf32> to vector<1x16xf32>
          tpu.vector_store %arg8[%swap3A, %swap3A_89], %swap3A_92 {strides = array<i32>} : memref<128x144xf32, #tpu.memory_space<vmem>>, vector<1x16xf32>,
          %broadcast_in_dim3A = arith.constant 0 : i32
          %broadcast_in_dim3A_93 = vector.broadcast %broadcast_in_dim3A : i32 to vector<16xi32>
          %broadcast_in_dim3A_94 = vector.shape_cast %broadcast_in_dim3A_93 : vector<16xi32> to vector<16x1xi32>
          %gather3A = vector.shape_cast %broadcast_in_dim3A_94 : vector<16x1xi32> to vector<16xi32>
          %gather3A_95 = tpu.dynamic_gather %exp3A[%gather3A] in [0] : vector<16xf32>, vector<16xi32> -> vector<16xf32>
          %get3A_96 = arith.index_cast %scan3A_74 : i32 to index
          %get3A_97 = arith.constant 0 : index
          %get3A_98 = tpu.vector_load %arg8[%get3A_96, %get3A_97] {strides = array<i32>} : memref<128x144xf32, #tpu.memory_space<vmem>>, vector<1x16xf32>,
          %get3A_99 = vector.shape_cast %get3A_98 : vector<1x16xf32> to vector<16xf32>
          %mul3A_100 = arith.mulf %get3A_99, %gather3A_95 : vector<16xf32>
          %swap3A_101 = arith.index_cast %scan3A_74 : i32 to index
          %swap3A_102 = arith.constant 0 : index
          %swap3A_103 = tpu.vector_load %arg8[%swap3A_101, %swap3A_102] {strides = array<i32>} : memref<128x144xf32, #tpu.memory_space<vmem>>, vector<1x16xf32>,
          %swap3A_104 = vector.shape_cast %swap3A_103 : vector<1x16xf32> to vector<16xf32>
          %swap3A_105 = vector.shape_cast %mul3A_100 : vector<16xf32> to vector<1x16xf32>
          tpu.vector_store %arg8[%swap3A_101, %swap3A_102], %swap3A_105 {strides = array<i32>} : memref<128x144xf32, #tpu.memory_space<vmem>>, vector<1x16xf32>,
          %broadcast_in_dim3A_106 = arith.constant 1 : i32
          %broadcast_in_dim3A_107 = vector.broadcast %broadcast_in_dim3A_106 : i32 to vector<16xi32>
          %broadcast_in_dim3A_108 = vector.shape_cast %broadcast_in_dim3A_107 : vector<16xi32> to vector<16x1xi32>
          %gather3A_109 = vector.shape_cast %broadcast_in_dim3A_108 : vector<16x1xi32> to vector<16xi32>
          %gather3A_110 = tpu.dynamic_gather %exp3A[%gather3A_109] in [0] : vector<16xf32>, vector<16xi32> -> vector<16xf32>
          %get3A_111 = arith.index_cast %scan3A_74 : i32 to index
          %get3A_112 = arith.constant 16 : index
          %get3A_113 = tpu.vector_load %arg8[%get3A_111, %get3A_112] {strides = array<i32>} : memref<128x144xf32, #tpu.memory_space<vmem>>, vector<1x16xf32>,
          %get3A_114 = vector.shape_cast %get3A_113 : vector<1x16xf32> to vector<16xf32>
          %mul3A_115 = arith.mulf %get3A_114, %gather3A_110 : vector<16xf32>
          %swap3A_116 = arith.index_cast %scan3A_74 : i32 to index
          %swap3A_117 = arith.constant 16 : index
          %swap3A_118 = tpu.vector_load %arg8[%swap3A_116, %swap3A_117] {strides = array<i32>} : memref<128x144xf32, #tpu.memory_space<vmem>>, vector<1x16xf32>,
          %swap3A_119 = vector.shape_cast %swap3A_118 : vector<1x16xf32> to vector<16xf32>
          %swap3A_120 = vector.shape_cast %mul3A_115 : vector<16xf32> to vector<1x16xf32>
          tpu.vector_store %arg8[%swap3A_116, %swap3A_117], %swap3A_120 {strides = array<i32>} : memref<128x144xf32, #tpu.memory_space<vmem>>, vector<1x16xf32>,
          %broadcast_in_dim3A_121 = arith.constant 2 : i32
          %broadcast_in_dim3A_122 = vector.broadcast %broadcast_in_dim3A_121 : i32 to vector<16xi32>
          %broadcast_in_dim3A_123 = vector.shape_cast %broadcast_in_dim3A_122 : vector<16xi32> to vector<16x1xi32>
          %gather3A_124 = vector.shape_cast %broadcast_in_dim3A_123 : vector<16x1xi32> to vector<16xi32>
          %gather3A_125 = tpu.dynamic_gather %exp3A[%gather3A_124] in [0] : vector<16xf32>, vector<16xi32> -> vector<16xf32>
          %get3A_126 = arith.index_cast %scan3A_74 : i32 to index
          %get3A_127 = arith.constant 32 : index
          %get3A_128 = tpu.vector_load %arg8[%get3A_126, %get3A_127] {strides = array<i32>} : memref<128x144xf32, #tpu.memory_space<vmem>>, vector<1x16xf32>,
          %get3A_129 = vector.shape_cast %get3A_128 : vector<1x16xf32> to vector<16xf32>
          %mul3A_130 = arith.mulf %get3A_129, %gather3A_125 : vector<16xf32>
          %swap3A_131 = arith.index_cast %scan3A_74 : i32 to index
          %swap3A_132 = arith.constant 32 : index
          %swap3A_133 = tpu.vector_load %arg8[%swap3A_131, %swap3A_132] {strides = array<i32>} : memref<128x144xf32, #tpu.memory_space<vmem>>, vector<1x16xf32>,
          %swap3A_134 = vector.shape_cast %swap3A_133 : vector<1x16xf32> to vector<16xf32>
          %swap3A_135 = vector.shape_cast %mul3A_130 : vector<16xf32> to vector<1x16xf32>
          tpu.vector_store %arg8[%swap3A_131, %swap3A_132], %swap3A_135 {strides = array<i32>} : memref<128x144xf32, #tpu.memory_space<vmem>>, vector<1x16xf32>,
          %broadcast_in_dim3A_136 = arith.constant 3 : i32
          %broadcast_in_dim3A_137 = vector.broadcast %broadcast_in_dim3A_136 : i32 to vector<16xi32>
          %broadcast_in_dim3A_138 = vector.shape_cast %broadcast_in_dim3A_137 : vector<16xi32> to vector<16x1xi32>
          %gather3A_139 = vector.shape_cast %broadcast_in_dim3A_138 : vector<16x1xi32> to vector<16xi32>
          %gather3A_140 = tpu.dynamic_gather %exp3A[%gather3A_139] in [0] : vector<16xf32>, vector<16xi32> -> vector<16xf32>
          %get3A_141 = arith.index_cast %scan3A_74 : i32 to index
          %get3A_142 = arith.constant 48 : index
          %get3A_143 = tpu.vector_load %arg8[%get3A_141, %get3A_142] {strides = array<i32>} : memref<128x144xf32, #tpu.memory_space<vmem>>, vector<1x16xf32>,
          %get3A_144 = vector.shape_cast %get3A_143 : vector<1x16xf32> to vector<16xf32>
          %mul3A_145 = arith.mulf %get3A_144, %gather3A_140 : vector<16xf32>
          %swap3A_146 = arith.index_cast %scan3A_74 : i32 to index
          %swap3A_147 = arith.constant 48 : index
          %swap3A_148 = tpu.vector_load %arg8[%swap3A_146, %swap3A_147] {strides = array<i32>} : memref<128x144xf32, #tpu.memory_space<vmem>>, vector<1x16xf32>,
          %swap3A_149 = vector.shape_cast %swap3A_148 : vector<1x16xf32> to vector<16xf32>
          %swap3A_150 = vector.shape_cast %mul3A_145 : vector<16xf32> to vector<1x16xf32>
          tpu.vector_store %arg8[%swap3A_146, %swap3A_147], %swap3A_150 {strides = array<i32>} : memref<128x144xf32, #tpu.memory_space<vmem>>, vector<1x16xf32>,
          %broadcast_in_dim3A_151 = arith.constant 4 : i32
          %broadcast_in_dim3A_152 = vector.broadcast %broadcast_in_dim3A_151 : i32 to vector<16xi32>
          %broadcast_in_dim3A_153 = vector.shape_cast %broadcast_in_dim3A_152 : vector<16xi32> to vector<16x1xi32>
          %gather3A_154 = vector.shape_cast %broadcast_in_dim3A_153 : vector<16x1xi32> to vector<16xi32>
          %gather3A_155 = tpu.dynamic_gather %exp3A[%gather3A_154] in [0] : vector<16xf32>, vector<16xi32> -> vector<16xf32>
          %get3A_156 = arith.index_cast %scan3A_74 : i32 to index
          %get3A_157 = arith.constant 64 : index
          %get3A_158 = tpu.vector_load %arg8[%get3A_156, %get3A_157] {strides = array<i32>} : memref<128x144xf32, #tpu.memory_space<vmem>>, vector<1x16xf32>,
          %get3A_159 = vector.shape_cast %get3A_158 : vector<1x16xf32> to vector<16xf32>
          %mul3A_160 = arith.mulf %get3A_159, %gather3A_155 : vector<16xf32>
          %swap3A_161 = arith.index_cast %scan3A_74 : i32 to index
          %swap3A_162 = arith.constant 64 : index
          %swap3A_163 = tpu.vector_load %arg8[%swap3A_161, %swap3A_162] {strides = array<i32>} : memref<128x144xf32, #tpu.memory_space<vmem>>, vector<1x16xf32>,
          %swap3A_164 = vector.shape_cast %swap3A_163 : vector<1x16xf32> to vector<16xf32>
          %swap3A_165 = vector.shape_cast %mul3A_160 : vector<16xf32> to vector<1x16xf32>
          tpu.vector_store %arg8[%swap3A_161, %swap3A_162], %swap3A_165 {strides = array<i32>} : memref<128x144xf32, #tpu.memory_space<vmem>>, vector<1x16xf32>,
          %broadcast_in_dim3A_166 = arith.constant 5 : i32
          %broadcast_in_dim3A_167 = vector.broadcast %broadcast_in_dim3A_166 : i32 to vector<16xi32>
          %broadcast_in_dim3A_168 = vector.shape_cast %broadcast_in_dim3A_167 : vector<16xi32> to vector<16x1xi32>
          %gather3A_169 = vector.shape_cast %broadcast_in_dim3A_168 : vector<16x1xi32> to vector<16xi32>
          %gather3A_170 = tpu.dynamic_gather %exp3A[%gather3A_169] in [0] : vector<16xf32>, vector<16xi32> -> vector<16xf32>
          %get3A_171 = arith.index_cast %scan3A_74 : i32 to index
          %get3A_172 = arith.constant 80 : index
          %get3A_173 = tpu.vector_load %arg8[%get3A_171, %get3A_172] {strides = array<i32>} : memref<128x144xf32, #tpu.memory_space<vmem>>, vector<1x16xf32>,
          %get3A_174 = vector.shape_cast %get3A_173 : vector<1x16xf32> to vector<16xf32>
          %mul3A_175 = arith.mulf %get3A_174, %gather3A_170 : vector<16xf32>
          %swap3A_176 = arith.index_cast %scan3A_74 : i32 to index
          %swap3A_177 = arith.constant 80 : index
          %swap3A_178 = tpu.vector_load %arg8[%swap3A_176, %swap3A_177] {strides = array<i32>} : memref<128x144xf32, #tpu.memory_space<vmem>>, vector<1x16xf32>,
          %swap3A_179 = vector.shape_cast %swap3A_178 : vector<1x16xf32> to vector<16xf32>
          %swap3A_180 = vector.shape_cast %mul3A_175 : vector<16xf32> to vector<1x16xf32>
          tpu.vector_store %arg8[%swap3A_176, %swap3A_177], %swap3A_180 {strides = array<i32>} : memref<128x144xf32, #tpu.memory_space<vmem>>, vector<1x16xf32>,
          %broadcast_in_dim3A_181 = arith.constant 6 : i32
          %broadcast_in_dim3A_182 = vector.broadcast %broadcast_in_dim3A_181 : i32 to vector<16xi32>
          %broadcast_in_dim3A_183 = vector.shape_cast %broadcast_in_dim3A_182 : vector<16xi32> to vector<16x1xi32>
          %gather3A_184 = vector.shape_cast %broadcast_in_dim3A_183 : vector<16x1xi32> to vector<16xi32>
          %gather3A_185 = tpu.dynamic_gather %exp3A[%gather3A_184] in [0] : vector<16xf32>, vector<16xi32> -> vector<16xf32>
          %get3A_186 = arith.index_cast %scan3A_74 : i32 to index
          %get3A_187 = arith.constant 96 : index
          %get3A_188 = tpu.vector_load %arg8[%get3A_186, %get3A_187] {strides = array<i32>} : memref<128x144xf32, #tpu.memory_space<vmem>>, vector<1x16xf32>,
          %get3A_189 = vector.shape_cast %get3A_188 : vector<1x16xf32> to vector<16xf32>
          %mul3A_190 = arith.mulf %get3A_189, %gather3A_185 : vector<16xf32>
          %swap3A_191 = arith.index_cast %scan3A_74 : i32 to index
          %swap3A_192 = arith.constant 96 : index
          %swap3A_193 = tpu.vector_load %arg8[%swap3A_191, %swap3A_192] {strides = array<i32>} : memref<128x144xf32, #tpu.memory_space<vmem>>, vector<1x16xf32>,
          %swap3A_194 = vector.shape_cast %swap3A_193 : vector<1x16xf32> to vector<16xf32>
          %swap3A_195 = vector.shape_cast %mul3A_190 : vector<16xf32> to vector<1x16xf32>
          tpu.vector_store %arg8[%swap3A_191, %swap3A_192], %swap3A_195 {strides = array<i32>} : memref<128x144xf32, #tpu.memory_space<vmem>>, vector<1x16xf32>,
          %broadcast_in_dim3A_196 = arith.constant 7 : i32
          %broadcast_in_dim3A_197 = vector.broadcast %broadcast_in_dim3A_196 : i32 to vector<16xi32>
          %broadcast_in_dim3A_198 = vector.shape_cast %broadcast_in_dim3A_197 : vector<16xi32> to vector<16x1xi32>
          %gather3A_199 = vector.shape_cast %broadcast_in_dim3A_198 : vector<16x1xi32> to vector<16xi32>
          %gather3A_200 = tpu.dynamic_gather %exp3A[%gather3A_199] in [0] : vector<16xf32>, vector<16xi32> -> vector<16xf32>
          %get3A_201 = arith.index_cast %scan3A_74 : i32 to index
          %get3A_202 = arith.constant 112 : index
          %get3A_203 = tpu.vector_load %arg8[%get3A_201, %get3A_202] {strides = array<i32>} : memref<128x144xf32, #tpu.memory_space<vmem>>, vector<1x16xf32>,
          %get3A_204 = vector.shape_cast %get3A_203 : vector<1x16xf32> to vector<16xf32>
          %mul3A_205 = arith.mulf %get3A_204, %gather3A_200 : vector<16xf32>
          %swap3A_206 = arith.index_cast %scan3A_74 : i32 to index
          %swap3A_207 = arith.constant 112 : index
          %swap3A_208 = tpu.vector_load %arg8[%swap3A_206, %swap3A_207] {strides = array<i32>} : memref<128x144xf32, #tpu.memory_space<vmem>>, vector<1x16xf32>,
          %swap3A_209 = vector.shape_cast %swap3A_208 : vector<1x16xf32> to vector<16xf32>
          %swap3A_210 = vector.shape_cast %mul3A_205 : vector<16xf32> to vector<1x16xf32>
          tpu.vector_store %arg8[%swap3A_206, %swap3A_207], %swap3A_210 {strides = array<i32>} : memref<128x144xf32, #tpu.memory_space<vmem>>, vector<1x16xf32>,
          %scan3A_211 = arith.constant 0 : i32
          scf.yield %scan3A_211 : i32
        }
        %scan3A_73 = arith.constant 128 : i32
        "tpu.region"() ({
          %run_scoped3A = tpu.sem_alloc : memref<!tpu.dma_semaphore, #tpu.memory_space<semaphore_mem>>
          %dma_start3A_74 = arith.constant 0 : i32
          %dma_start3A_75 = arith.constant 0 : i32
          %dma_start3A_76 = tpu.memref_slice %arg7[%dma_start3A_74, %dma_start3A_75] : memref<10240x144xf32, #tpu.memory_space<vmem_shared>> -> memref<10240x144xf32, #tpu.memory_space<vmem_shared>>
          tpu.enqueue_indirect_dma source(%arg8 : memref<128x144xf32, #tpu.memory_space<vmem>>) target(%dma_start3A_76 : memref<10240x144xf32, #tpu.memory_space<vmem_shared>>) offsets(%arg11 : memref<128xi32, #tpu.memory_space<vmem>>) semaphore(%run_scoped3A : memref<!tpu.dma_semaphore, #tpu.memory_space<semaphore_mem>>) {add = true}
          %dma_wait3A_77 = arith.constant 0 : i32
          %dma_wait3A_78 = arith.constant 0 : i32
          %dma_wait3A_79 = tpu.memref_slice %arg7[%dma_wait3A_77, %dma_wait3A_78] : memref<10240x144xf32, #tpu.memory_space<vmem_shared>> -> memref<10240x144xf32, #tpu.memory_space<vmem_shared>>
          tpu.wait_indirect_dma semaphore(%run_scoped3A : memref<!tpu.dma_semaphore, #tpu.memory_space<semaphore_mem>>) src(%arg8 : memref<128x144xf32, #tpu.memory_space<vmem>>) dst(%dma_wait3A_79 : memref<10240x144xf32, #tpu.memory_space<vmem_shared>>)
          tpu.yield
        }) : () -> ()
      } else {
      }
      %scan3A_54 = arith.constant 0 : i32
      scf.yield %scan3A_54 : i32
    }
    %scan3A_25 = arith.constant 79 : i32
    %barrier3A_26 = arith.constant 0 : index
    tpu.barrier barrier_id(%barrier3A_26)
    %add3A_27 = arith.constant 0 : i32
    %add3A_28 = arith.addi %mul3A_2, %add3A_27 : i32
    "tpu.region"() ({
      %run_scoped3A = tpu.sem_alloc : memref<!tpu.dma_semaphore, #tpu.memory_space<semaphore_mem>>
      %dma_start3A = arith.constant 0 : i32
      %dma_start3A_47 = tpu.memref_slice %arg7[%add3A_28, %dma_start3A] : memref<10240x144xf32, #tpu.memory_space<vmem_shared>> -> memref<128x144xf32, #tpu.memory_space<vmem_shared>>
      %dma_start3A_48 = arith.constant 0 : i32
      %dma_start3A_49 = tpu.memref_slice %arg7[%add3A_28, %dma_start3A_48] : memref<10240x144xf32, #tpu.memory_space<vmem_shared>> -> memref<128x144xf32, #tpu.memory_space<vmem_shared>>
      tpu.enqueue_dma source(%dma_start3A_49 : memref<128x144xf32, #tpu.memory_space<vmem_shared>>) target(%arg8 : memref<128x144xf32, #tpu.memory_space<vmem>>) target_semaphore(%run_scoped3A : memref<!tpu.dma_semaphore, #tpu.memory_space<semaphore_mem>>)
      %dma_wait3A = arith.constant 0 : i32
      %dma_wait3A_50 = tpu.memref_slice %arg7[%add3A_28, %dma_wait3A] : memref<10240x144xf32, #tpu.memory_space<vmem_shared>> -> memref<128x144xf32, #tpu.memory_space<vmem_shared>>
      %dma_wait3A_51 = arith.constant 0 : i32
      %dma_wait3A_52 = tpu.memref_slice %arg7[%add3A_28, %dma_wait3A_51] : memref<10240x144xf32, #tpu.memory_space<vmem_shared>> -> memref<128x144xf32, #tpu.memory_space<vmem_shared>>
      tpu.wait_dma2 semaphore(%run_scoped3A : memref<!tpu.dma_semaphore, #tpu.memory_space<semaphore_mem>>) src(%dma_wait3A_52 : memref<128x144xf32, #tpu.memory_space<vmem_shared>>) dst(%arg8 : memref<128x144xf32, #tpu.memory_space<vmem>>)
      tpu.yield
    }) : () -> ()
    %add3A_29 = arith.constant 0 : i32
    %add3A_30 = arith.addi %mul3A_2, %add3A_29 : i32
    "tpu.region"() ({
      %run_scoped3A = tpu.sem_alloc : memref<!tpu.dma_semaphore, #tpu.memory_space<semaphore_mem>>
      %dma_start3A = arith.constant 0 : i32
      %dma_start3A_47 = tpu.memref_slice %arg6[%arg0, %add3A_30, %dma_start3A] : memref<2x10240x144xf32, #tpu.memory_space<hbm>> -> memref<1x128x144xf32, #tpu.memory_space<hbm>>
      %dma_start3A_48 = tpu.memref_squeeze %dma_start3A_47 : memref<1x128x144xf32, #tpu.memory_space<hbm>> -> memref<128x144xf32, #tpu.memory_space<hbm>>
      %dma_start3A_49 = arith.constant 0 : i32
      %dma_start3A_50 = tpu.memref_slice %arg6[%arg0, %add3A_30, %dma_start3A_49] : memref<2x10240x144xf32, #tpu.memory_space<hbm>> -> memref<1x128x144xf32, #tpu.memory_space<hbm>>
      %dma_start3A_51 = tpu.memref_squeeze %dma_start3A_50 : memref<1x128x144xf32, #tpu.memory_space<hbm>> -> memref<128x144xf32, #tpu.memory_space<hbm>>
      tpu.enqueue_dma source(%arg8 : memref<128x144xf32, #tpu.memory_space<vmem>>) target(%dma_start3A_51 : memref<128x144xf32, #tpu.memory_space<hbm>>) target_semaphore(%run_scoped3A : memref<!tpu.dma_semaphore, #tpu.memory_space<semaphore_mem>>)
      %dma_wait3A = arith.constant 0 : i32
      %dma_wait3A_52 = tpu.memref_slice %arg6[%arg0, %add3A_30, %dma_wait3A] : memref<2x10240x144xf32, #tpu.memory_space<hbm>> -> memref<1x128x144xf32, #tpu.memory_space<hbm>>
      %dma_wait3A_53 = tpu.memref_squeeze %dma_wait3A_52 : memref<1x128x144xf32, #tpu.memory_space<hbm>> -> memref<128x144xf32, #tpu.memory_space<hbm>>
      %dma_wait3A_54 = arith.constant 0 : i32
      %dma_wait3A_55 = tpu.memref_slice %arg6[%arg0, %add3A_30, %dma_wait3A_54] : memref<2x10240x144xf32, #tpu.memory_space<hbm>> -> memref<1x128x144xf32, #tpu.memory_space<hbm>>
      %dma_wait3A_56 = tpu.memref_squeeze %dma_wait3A_55 : memref<1x128x144xf32, #tpu.memory_space<hbm>> -> memref<128x144xf32, #tpu.memory_space<hbm>>
      tpu.wait_dma2 semaphore(%run_scoped3A : memref<!tpu.dma_semaphore, #tpu.memory_space<semaphore_mem>>) src(%arg8 : memref<128x144xf32, #tpu.memory_space<vmem>>) dst(%dma_wait3A_56 : memref<128x144xf32, #tpu.memory_space<hbm>>)
      tpu.yield
    }) : () -> ()
    %add3A_31 = arith.constant 128 : i32
    %add3A_32 = arith.addi %mul3A_2, %add3A_31 : i32
    "tpu.region"() ({
      %run_scoped3A = tpu.sem_alloc : memref<!tpu.dma_semaphore, #tpu.memory_space<semaphore_mem>>
      %dma_start3A = arith.constant 0 : i32
      %dma_start3A_47 = tpu.memref_slice %arg7[%add3A_32, %dma_start3A] : memref<10240x144xf32, #tpu.memory_space<vmem_shared>> -> memref<128x144xf32, #tpu.memory_space<vmem_shared>>
      %dma_start3A_48 = arith.constant 0 : i32
      %dma_start3A_49 = tpu.memref_slice %arg7[%add3A_32, %dma_start3A_48] : memref<10240x144xf32, #tpu.memory_space<vmem_shared>> -> memref<128x144xf32, #tpu.memory_space<vmem_shared>>
      tpu.enqueue_dma source(%dma_start3A_49 : memref<128x144xf32, #tpu.memory_space<vmem_shared>>) target(%arg8 : memref<128x144xf32, #tpu.memory_space<vmem>>) target_semaphore(%run_scoped3A : memref<!tpu.dma_semaphore, #tpu.memory_space<semaphore_mem>>)
      %dma_wait3A = arith.constant 0 : i32
      %dma_wait3A_50 = tpu.memref_slice %arg7[%add3A_32, %dma_wait3A] : memref<10240x144xf32, #tpu.memory_space<vmem_shared>> -> memref<128x144xf32, #tpu.memory_space<vmem_shared>>
      %dma_wait3A_51 = arith.constant 0 : i32
      %dma_wait3A_52 = tpu.memref_slice %arg7[%add3A_32, %dma_wait3A_51] : memref<10240x144xf32, #tpu.memory_space<vmem_shared>> -> memref<128x144xf32, #tpu.memory_space<vmem_shared>>
      tpu.wait_dma2 semaphore(%run_scoped3A : memref<!tpu.dma_semaphore, #tpu.memory_space<semaphore_mem>>) src(%dma_wait3A_52 : memref<128x144xf32, #tpu.memory_space<vmem_shared>>) dst(%arg8 : memref<128x144xf32, #tpu.memory_space<vmem>>)
      tpu.yield
    }) : () -> ()
    %add3A_33 = arith.constant 128 : i32
    %add3A_34 = arith.addi %mul3A_2, %add3A_33 : i32
    "tpu.region"() ({
      %run_scoped3A = tpu.sem_alloc : memref<!tpu.dma_semaphore, #tpu.memory_space<semaphore_mem>>
      %dma_start3A = arith.constant 0 : i32
      %dma_start3A_47 = tpu.memref_slice %arg6[%arg0, %add3A_34, %dma_start3A] : memref<2x10240x144xf32, #tpu.memory_space<hbm>> -> memref<1x128x144xf32, #tpu.memory_space<hbm>>
      %dma_start3A_48 = tpu.memref_squeeze %dma_start3A_47 : memref<1x128x144xf32, #tpu.memory_space<hbm>> -> memref<128x144xf32, #tpu.memory_space<hbm>>
      %dma_start3A_49 = arith.constant 0 : i32
      %dma_start3A_50 = tpu.memref_slice %arg6[%arg0, %add3A_34, %dma_start3A_49] : memref<2x10240x144xf32, #tpu.memory_space<hbm>> -> memref<1x128x144xf32, #tpu.memory_space<hbm>>
      %dma_start3A_51 = tpu.memref_squeeze %dma_start3A_50 : memref<1x128x144xf32, #tpu.memory_space<hbm>> -> memref<128x144xf32, #tpu.memory_space<hbm>>
      tpu.enqueue_dma source(%arg8 : memref<128x144xf32, #tpu.memory_space<vmem>>) target(%dma_start3A_51 : memref<128x144xf32, #tpu.memory_space<hbm>>) target_semaphore(%run_scoped3A : memref<!tpu.dma_semaphore, #tpu.memory_space<semaphore_mem>>)
      %dma_wait3A = arith.constant 0 : i32
      %dma_wait3A_52 = tpu.memref_slice %arg6[%arg0, %add3A_34, %dma_wait3A] : memref<2x10240x144xf32, #tpu.memory_space<hbm>> -> memref<1x128x144xf32, #tpu.memory_space<hbm>>
      %dma_wait3A_53 = tpu.memref_squeeze %dma_wait3A_52 : memref<1x128x144xf32, #tpu.memory_space<hbm>> -> memref<128x144xf32, #tpu.memory_space<hbm>>
      %dma_wait3A_54 = arith.constant 0 : i32
      %dma_wait3A_55 = tpu.memref_slice %arg6[%arg0, %add3A_34, %dma_wait3A_54] : memref<2x10240x144xf32, #tpu.memory_space<hbm>> -> memref<1x128x144xf32, #tpu.memory_space<hbm>>
      %dma_wait3A_56 = tpu.memref_squeeze %dma_wait3A_55 : memref<1x128x144xf32, #tpu.memory_space<hbm>> -> memref<128x144xf32, #tpu.memory_space<hbm>>
      tpu.wait_dma2 semaphore(%run_scoped3A : memref<!tpu.dma_semaphore, #tpu.memory_space<semaphore_mem>>) src(%arg8 : memref<128x144xf32, #tpu.memory_space<vmem>>) dst(%dma_wait3A_56 : memref<128x144xf32, #tpu.memory_space<hbm>>)
      tpu.yield
    }) : () -> ()
    %add3A_35 = arith.constant 256 : i32
    %add3A_36 = arith.addi %mul3A_2, %add3A_35 : i32
    "tpu.region"() ({
      %run_scoped3A = tpu.sem_alloc : memref<!tpu.dma_semaphore, #tpu.memory_space<semaphore_mem>>
      %dma_start3A = arith.constant 0 : i32
      %dma_start3A_47 = tpu.memref_slice %arg7[%add3A_36, %dma_start3A] : memref<10240x144xf32, #tpu.memory_space<vmem_shared>> -> memref<128x144xf32, #tpu.memory_space<vmem_shared>>
      %dma_start3A_48 = arith.constant 0 : i32
      %dma_start3A_49 = tpu.memref_slice %arg7[%add3A_36, %dma_start3A_48] : memref<10240x144xf32, #tpu.memory_space<vmem_shared>> -> memref<128x144xf32, #tpu.memory_space<vmem_shared>>
      tpu.enqueue_dma source(%dma_start3A_49 : memref<128x144xf32, #tpu.memory_space<vmem_shared>>) target(%arg8 : memref<128x144xf32, #tpu.memory_space<vmem>>) target_semaphore(%run_scoped3A : memref<!tpu.dma_semaphore, #tpu.memory_space<semaphore_mem>>)
      %dma_wait3A = arith.constant 0 : i32
      %dma_wait3A_50 = tpu.memref_slice %arg7[%add3A_36, %dma_wait3A] : memref<10240x144xf32, #tpu.memory_space<vmem_shared>> -> memref<128x144xf32, #tpu.memory_space<vmem_shared>>
      %dma_wait3A_51 = arith.constant 0 : i32
      %dma_wait3A_52 = tpu.memref_slice %arg7[%add3A_36, %dma_wait3A_51] : memref<10240x144xf32, #tpu.memory_space<vmem_shared>> -> memref<128x144xf32, #tpu.memory_space<vmem_shared>>
      tpu.wait_dma2 semaphore(%run_scoped3A : memref<!tpu.dma_semaphore, #tpu.memory_space<semaphore_mem>>) src(%dma_wait3A_52 : memref<128x144xf32, #tpu.memory_space<vmem_shared>>) dst(%arg8 : memref<128x144xf32, #tpu.memory_space<vmem>>)
      tpu.yield
    }) : () -> ()
    %add3A_37 = arith.constant 256 : i32
    %add3A_38 = arith.addi %mul3A_2, %add3A_37 : i32
    "tpu.region"() ({
      %run_scoped3A = tpu.sem_alloc : memref<!tpu.dma_semaphore, #tpu.memory_space<semaphore_mem>>
      %dma_start3A = arith.constant 0 : i32
      %dma_start3A_47 = tpu.memref_slice %arg6[%arg0, %add3A_38, %dma_start3A] : memref<2x10240x144xf32, #tpu.memory_space<hbm>> -> memref<1x128x144xf32, #tpu.memory_space<hbm>>
      %dma_start3A_48 = tpu.memref_squeeze %dma_start3A_47 : memref<1x128x144xf32, #tpu.memory_space<hbm>> -> memref<128x144xf32, #tpu.memory_space<hbm>>
      %dma_start3A_49 = arith.constant 0 : i32
      %dma_start3A_50 = tpu.memref_slice %arg6[%arg0, %add3A_38, %dma_start3A_49] : memref<2x10240x144xf32, #tpu.memory_space<hbm>> -> memref<1x128x144xf32, #tpu.memory_space<hbm>>
      %dma_start3A_51 = tpu.memref_squeeze %dma_start3A_50 : memref<1x128x144xf32, #tpu.memory_space<hbm>> -> memref<128x144xf32, #tpu.memory_space<hbm>>
      tpu.enqueue_dma source(%arg8 : memref<128x144xf32, #tpu.memory_space<vmem>>) target(%dma_start3A_51 : memref<128x144xf32, #tpu.memory_space<hbm>>) target_semaphore(%run_scoped3A : memref<!tpu.dma_semaphore, #tpu.memory_space<semaphore_mem>>)
      %dma_wait3A = arith.constant 0 : i32
      %dma_wait3A_52 = tpu.memref_slice %arg6[%arg0, %add3A_38, %dma_wait3A] : memref<2x10240x144xf32, #tpu.memory_space<hbm>> -> memref<1x128x144xf32, #tpu.memory_space<hbm>>
      %dma_wait3A_53 = tpu.memref_squeeze %dma_wait3A_52 : memref<1x128x144xf32, #tpu.memory_space<hbm>> -> memref<128x144xf32, #tpu.memory_space<hbm>>
      %dma_wait3A_54 = arith.constant 0 : i32
      %dma_wait3A_55 = tpu.memref_slice %arg6[%arg0, %add3A_38, %dma_wait3A_54] : memref<2x10240x144xf32, #tpu.memory_space<hbm>> -> memref<1x128x144xf32, #tpu.memory_space<hbm>>
      %dma_wait3A_56 = tpu.memref_squeeze %dma_wait3A_55 : memref<1x128x144xf32, #tpu.memory_space<hbm>> -> memref<128x144xf32, #tpu.memory_space<hbm>>
      tpu.wait_dma2 semaphore(%run_scoped3A : memref<!tpu.dma_semaphore, #tpu.memory_space<semaphore_mem>>) src(%arg8 : memref<128x144xf32, #tpu.memory_space<vmem>>) dst(%dma_wait3A_56 : memref<128x144xf32, #tpu.memory_space<hbm>>)
      tpu.yield
    }) : () -> ()
    %add3A_39 = arith.constant 384 : i32
    %add3A_40 = arith.addi %mul3A_2, %add3A_39 : i32
    "tpu.region"() ({
      %run_scoped3A = tpu.sem_alloc : memref<!tpu.dma_semaphore, #tpu.memory_space<semaphore_mem>>
      %dma_start3A = arith.constant 0 : i32
      %dma_start3A_47 = tpu.memref_slice %arg7[%add3A_40, %dma_start3A] : memref<10240x144xf32, #tpu.memory_space<vmem_shared>> -> memref<128x144xf32, #tpu.memory_space<vmem_shared>>
      %dma_start3A_48 = arith.constant 0 : i32
      %dma_start3A_49 = tpu.memref_slice %arg7[%add3A_40, %dma_start3A_48] : memref<10240x144xf32, #tpu.memory_space<vmem_shared>> -> memref<128x144xf32, #tpu.memory_space<vmem_shared>>
      tpu.enqueue_dma source(%dma_start3A_49 : memref<128x144xf32, #tpu.memory_space<vmem_shared>>) target(%arg8 : memref<128x144xf32, #tpu.memory_space<vmem>>) target_semaphore(%run_scoped3A : memref<!tpu.dma_semaphore, #tpu.memory_space<semaphore_mem>>)
      %dma_wait3A = arith.constant 0 : i32
      %dma_wait3A_50 = tpu.memref_slice %arg7[%add3A_40, %dma_wait3A] : memref<10240x144xf32, #tpu.memory_space<vmem_shared>> -> memref<128x144xf32, #tpu.memory_space<vmem_shared>>
      %dma_wait3A_51 = arith.constant 0 : i32
      %dma_wait3A_52 = tpu.memref_slice %arg7[%add3A_40, %dma_wait3A_51] : memref<10240x144xf32, #tpu.memory_space<vmem_shared>> -> memref<128x144xf32, #tpu.memory_space<vmem_shared>>
      tpu.wait_dma2 semaphore(%run_scoped3A : memref<!tpu.dma_semaphore, #tpu.memory_space<semaphore_mem>>) src(%dma_wait3A_52 : memref<128x144xf32, #tpu.memory_space<vmem_shared>>) dst(%arg8 : memref<128x144xf32, #tpu.memory_space<vmem>>)
      tpu.yield
    }) : () -> ()
    %add3A_41 = arith.constant 384 : i32
    %add3A_42 = arith.addi %mul3A_2, %add3A_41 : i32
    "tpu.region"() ({
      %run_scoped3A = tpu.sem_alloc : memref<!tpu.dma_semaphore, #tpu.memory_space<semaphore_mem>>
      %dma_start3A = arith.constant 0 : i32
      %dma_start3A_47 = tpu.memref_slice %arg6[%arg0, %add3A_42, %dma_start3A] : memref<2x10240x144xf32, #tpu.memory_space<hbm>> -> memref<1x128x144xf32, #tpu.memory_space<hbm>>
      %dma_start3A_48 = tpu.memref_squeeze %dma_start3A_47 : memref<1x128x144xf32, #tpu.memory_space<hbm>> -> memref<128x144xf32, #tpu.memory_space<hbm>>
      %dma_start3A_49 = arith.constant 0 : i32
      %dma_start3A_50 = tpu.memref_slice %arg6[%arg0, %add3A_42, %dma_start3A_49] : memref<2x10240x144xf32, #tpu.memory_space<hbm>> -> memref<1x128x144xf32, #tpu.memory_space<hbm>>
      %dma_start3A_51 = tpu.memref_squeeze %dma_start3A_50 : memref<1x128x144xf32, #tpu.memory_space<hbm>> -> memref<128x144xf32, #tpu.memory_space<hbm>>
      tpu.enqueue_dma source(%arg8 : memref<128x144xf32, #tpu.memory_space<vmem>>) target(%dma_start3A_51 : memref<128x144xf32, #tpu.memory_space<hbm>>) target_semaphore(%run_scoped3A : memref<!tpu.dma_semaphore, #tpu.memory_space<semaphore_mem>>)
      %dma_wait3A = arith.constant 0 : i32
      %dma_wait3A_52 = tpu.memref_slice %arg6[%arg0, %add3A_42, %dma_wait3A] : memref<2x10240x144xf32, #tpu.memory_space<hbm>> -> memref<1x128x144xf32, #tpu.memory_space<hbm>>
      %dma_wait3A_53 = tpu.memref_squeeze %dma_wait3A_52 : memref<1x128x144xf32, #tpu.memory_space<hbm>> -> memref<128x144xf32, #tpu.memory_space<hbm>>
      %dma_wait3A_54 = arith.constant 0 : i32
      %dma_wait3A_55 = tpu.memref_slice %arg6[%arg0, %add3A_42, %dma_wait3A_54] : memref<2x10240x144xf32, #tpu.memory_space<hbm>> -> memref<1x128x144xf32, #tpu.memory_space<hbm>>
      %dma_wait3A_56 = tpu.memref_squeeze %dma_wait3A_55 : memref<1x128x144xf32, #tpu.memory_space<hbm>> -> memref<128x144xf32, #tpu.memory_space<hbm>>
      tpu.wait_dma2 semaphore(%run_scoped3A : memref<!tpu.dma_semaphore, #tpu.memory_space<semaphore_mem>>) src(%arg8 : memref<128x144xf32, #tpu.memory_space<vmem>>) dst(%dma_wait3A_56 : memref<128x144xf32, #tpu.memory_space<hbm>>)
      tpu.yield
    }) : () -> ()
    %add3A_43 = arith.constant 512 : i32
    %add3A_44 = arith.addi %mul3A_2, %add3A_43 : i32
    "tpu.region"() ({
      %run_scoped3A = tpu.sem_alloc : memref<!tpu.dma_semaphore, #tpu.memory_space<semaphore_mem>>
      %dma_start3A = arith.constant 0 : i32
      %dma_start3A_47 = tpu.memref_slice %arg7[%add3A_44, %dma_start3A] : memref<10240x144xf32, #tpu.memory_space<vmem_shared>> -> memref<128x144xf32, #tpu.memory_space<vmem_shared>>
      %dma_start3A_48 = arith.constant 0 : i32
      %dma_start3A_49 = tpu.memref_slice %arg7[%add3A_44, %dma_start3A_48] : memref<10240x144xf32, #tpu.memory_space<vmem_shared>> -> memref<128x144xf32, #tpu.memory_space<vmem_shared>>
      tpu.enqueue_dma source(%dma_start3A_49 : memref<128x144xf32, #tpu.memory_space<vmem_shared>>) target(%arg8 : memref<128x144xf32, #tpu.memory_space<vmem>>) target_semaphore(%run_scoped3A : memref<!tpu.dma_semaphore, #tpu.memory_space<semaphore_mem>>)
      %dma_wait3A = arith.constant 0 : i32
      %dma_wait3A_50 = tpu.memref_slice %arg7[%add3A_44, %dma_wait3A] : memref<10240x144xf32, #tpu.memory_space<vmem_shared>> -> memref<128x144xf32, #tpu.memory_space<vmem_shared>>
      %dma_wait3A_51 = arith.constant 0 : i32
      %dma_wait3A_52 = tpu.memref_slice %arg7[%add3A_44, %dma_wait3A_51] : memref<10240x144xf32, #tpu.memory_space<vmem_shared>> -> memref<128x144xf32, #tpu.memory_space<vmem_shared>>
      tpu.wait_dma2 semaphore(%run_scoped3A : memref<!tpu.dma_semaphore, #tpu.memory_space<semaphore_mem>>) src(%dma_wait3A_52 : memref<128x144xf32, #tpu.memory_space<vmem_shared>>) dst(%arg8 : memref<128x144xf32, #tpu.memory_space<vmem>>)
      tpu.yield
    }) : () -> ()
    %add3A_45 = arith.constant 512 : i32
    %add3A_46 = arith.addi %mul3A_2, %add3A_45 : i32
    "tpu.region"() ({
      %run_scoped3A = tpu.sem_alloc : memref<!tpu.dma_semaphore, #tpu.memory_space<semaphore_mem>>
      %dma_start3A = arith.constant 0 : i32
      %dma_start3A_47 = tpu.memref_slice %arg6[%arg0, %add3A_46, %dma_start3A] : memref<2x10240x144xf32, #tpu.memory_space<hbm>> -> memref<1x128x144xf32, #tpu.memory_space<hbm>>
      %dma_start3A_48 = tpu.memref_squeeze %dma_start3A_47 : memref<1x128x144xf32, #tpu.memory_space<hbm>> -> memref<128x144xf32, #tpu.memory_space<hbm>>
      %dma_start3A_49 = arith.constant 0 : i32
      %dma_start3A_50 = tpu.memref_slice %arg6[%arg0, %add3A_46, %dma_start3A_49] : memref<2x10240x144xf32, #tpu.memory_space<hbm>> -> memref<1x128x144xf32, #tpu.memory_space<hbm>>
      %dma_start3A_51 = tpu.memref_squeeze %dma_start3A_50 : memref<1x128x144xf32, #tpu.memory_space<hbm>> -> memref<128x144xf32, #tpu.memory_space<hbm>>
      tpu.enqueue_dma source(%arg8 : memref<128x144xf32, #tpu.memory_space<vmem>>) target(%dma_start3A_51 : memref<128x144xf32, #tpu.memory_space<hbm>>) target_semaphore(%run_scoped3A : memref<!tpu.dma_semaphore, #tpu.memory_space<semaphore_mem>>)
      %dma_wait3A = arith.constant 0 : i32
      %dma_wait3A_52 = tpu.memref_slice %arg6[%arg0, %add3A_46, %dma_wait3A] : memref<2x10240x144xf32, #tpu.memory_space<hbm>> -> memref<1x128x144xf32, #tpu.memory_space<hbm>>
      %dma_wait3A_53 = tpu.memref_squeeze %dma_wait3A_52 : memref<1x128x144xf32, #tpu.memory_space<hbm>> -> memref<128x144xf32, #tpu.memory_space<hbm>>
      %dma_wait3A_54 = arith.constant 0 : i32
      %dma_wait3A_55 = tpu.memref_slice %arg6[%arg0, %add3A_46, %dma_wait3A_54] : memref<2x10240x144xf32, #tpu.memory_space<hbm>> -> memref<1x128x144xf32, #tpu.memory_space<hbm>>
      %dma_wait3A_56 = tpu.memref_squeeze %dma_wait3A_55 : memref<1x128x144xf32, #tpu.memory_space<hbm>> -> memref<128x144xf32, #tpu.memory_space<hbm>>
      tpu.wait_dma2 semaphore(%run_scoped3A : memref<!tpu.dma_semaphore, #tpu.memory_space<semaphore_mem>>) src(%arg8 : memref<128x144xf32, #tpu.memory_space<vmem>>) dst(%dma_wait3A_56 : memref<128x144xf32, #tpu.memory_space<hbm>>)
      tpu.yield
    }) : () -> ()
    return
  }
}

#map = affine_map<(d0, d1) -> (0, 0)>
#map1 = affine_map<(d0, d1) -> (0)>
#map2 = affine_map<(d0, d1) -> (0, 0, 0)>
module attributes {stable_mosaic.version = 14 : i64} {
  func.func @_sc_edge_body(%arg0: i32, %arg1: i32, %arg2: memref<10000x144xf32, #tpu.memory_space<hbm>>, %arg3: memref<10000x16xf32, #tpu.memory_space<hbm>>, %arg4: memref<320000xi32, #tpu.memory_space<hbm>>, %arg5: memref<320000xi32, #tpu.memory_space<hbm>>, %arg6: memref<2x10240x144xf32, #tpu.memory_space<hbm>>, %arg7: memref<10240x144xf32, #tpu.memory_space<vmem_shared>>, %arg8: memref<128x144xf32, #tpu.memory_space<vmem>>, %arg9: memref<128x16xf32, #tpu.memory_space<vmem>>, %arg10: memref<128xi32, #tpu.memory_space<vmem>>, %arg11: memref<128xi32, #tpu.memory_space<vmem>>, %arg12: memref<!tpu.dma_semaphore, #tpu.memory_space<semaphore_mem>>, %arg13: memref<!tpu.dma_semaphore, #tpu.memory_space<semaphore_mem>>) attributes {dimension_semantics = [#tpu.dimension_semantics<core_parallel>, #tpu.dimension_semantics<subcore_parallel>], iteration_bounds = array<i64: 2, 16>, scalar_prefetch = 0 : i64, scratch_operands = 7 : i64, tpu.core_type = #tpu.core_type<sc_vector_subcore>, window_params = [{transform_indices = #map}, {transform_indices = #map}, {transform_indices = #map1}, {transform_indices = #map1}, {transform_indices = #map2}]} {
    %mul3A = arith.constant 2 : i32
    %mul3A_0 = arith.muli %arg1, %mul3A : i32
    %add3A = arith.addi %mul3A_0, %arg0 : i32
    %mul3A_1 = arith.constant 640 : i32
    %mul3A_2 = arith.muli %arg1, %mul3A_1 : i32
    %scan3A = arith.constant 0 : i32
    %scan3A_3 = arith.constant 0 : i32
    %scan3A_4 = arith.constant 128 : i32
    %scan3A_5 = arith.addi %scan3A_3, %scan3A_4 : i32
    %scan3A_6 = arith.constant 1 : i32
    %scan3A_7 = scf.for %scan3A_47 = %scan3A_3 to %scan3A_5 step %scan3A_6 iter_args(%scan3A_48 = %scan3A) -> (i32)  : i32 {
      %broadcast_in_dim3A = arith.constant 0.000000e+00 : f32
      %broadcast_in_dim3A_49 = vector.broadcast %broadcast_in_dim3A : f32 to vector<16xf32>
      %swap3A = arith.index_cast %scan3A_47 : i32 to index
      %swap3A_50 = arith.constant 0 : index
      %swap3A_51 = tpu.vector_load %arg8[%swap3A, %swap3A_50] {strides = array<i32>} : memref<128x144xf32, #tpu.memory_space<vmem>>, vector<1x16xf32>,
      %swap3A_52 = vector.shape_cast %swap3A_51 : vector<1x16xf32> to vector<16xf32>
      %swap3A_53 = vector.shape_cast %broadcast_in_dim3A_49 : vector<16xf32> to vector<1x16xf32>
      tpu.vector_store %arg8[%swap3A, %swap3A_50], %swap3A_53 {strides = array<i32>} : memref<128x144xf32, #tpu.memory_space<vmem>>, vector<1x16xf32>,
      %broadcast_in_dim3A_54 = arith.constant 0.000000e+00 : f32
      %broadcast_in_dim3A_55 = vector.broadcast %broadcast_in_dim3A_54 : f32 to vector<16xf32>
      %swap3A_56 = arith.index_cast %scan3A_47 : i32 to index
      %swap3A_57 = arith.constant 16 : index
      %swap3A_58 = tpu.vector_load %arg8[%swap3A_56, %swap3A_57] {strides = array<i32>} : memref<128x144xf32, #tpu.memory_space<vmem>>, vector<1x16xf32>,
      %swap3A_59 = vector.shape_cast %swap3A_58 : vector<1x16xf32> to vector<16xf32>
      %swap3A_60 = vector.shape_cast %broadcast_in_dim3A_55 : vector<16xf32> to vector<1x16xf32>
      tpu.vector_store %arg8[%swap3A_56, %swap3A_57], %swap3A_60 {strides = array<i32>} : memref<128x144xf32, #tpu.memory_space<vmem>>, vector<1x16xf32>,
      %broadcast_in_dim3A_61 = arith.constant 0.000000e+00 : f32
      %broadcast_in_dim3A_62 = vector.broadcast %broadcast_in_dim3A_61 : f32 to vector<16xf32>
      %swap3A_63 = arith.index_cast %scan3A_47 : i32 to index
      %swap3A_64 = arith.constant 32 : index
      %swap3A_65 = tpu.vector_load %arg8[%swap3A_63, %swap3A_64] {strides = array<i32>} : memref<128x144xf32, #tpu.memory_space<vmem>>, vector<1x16xf32>,
      %swap3A_66 = vector.shape_cast %swap3A_65 : vector<1x16xf32> to vector<16xf32>
      %swap3A_67 = vector.shape_cast %broadcast_in_dim3A_62 : vector<16xf32> to vector<1x16xf32>
      tpu.vector_store %arg8[%swap3A_63, %swap3A_64], %swap3A_67 {strides = array<i32>} : memref<128x144xf32, #tpu.memory_space<vmem>>, vector<1x16xf32>,
      %broadcast_in_dim3A_68 = arith.constant 0.000000e+00 : f32
      %broadcast_in_dim3A_69 = vector.broadcast %broadcast_in_dim3A_68 : f32 to vector<16xf32>
      %swap3A_70 = arith.index_cast %scan3A_47 : i32 to index
      %swap3A_71 = arith.constant 48 : index
      %swap3A_72 = tpu.vector_load %arg8[%swap3A_70, %swap3A_71] {strides = array<i32>} : memref<128x144xf32, #tpu.memory_space<vmem>>, vector<1x16xf32>,
      %swap3A_73 = vector.shape_cast %swap3A_72 : vector<1x16xf32> to vector<16xf32>
      %swap3A_74 = vector.shape_cast %broadcast_in_dim3A_69 : vector<16xf32> to vector<1x16xf32>
      tpu.vector_store %arg8[%swap3A_70, %swap3A_71], %swap3A_74 {strides = array<i32>} : memref<128x144xf32, #tpu.memory_space<vmem>>, vector<1x16xf32>,
      %broadcast_in_dim3A_75 = arith.constant 0.000000e+00 : f32
      %broadcast_in_dim3A_76 = vector.broadcast %broadcast_in_dim3A_75 : f32 to vector<16xf32>
      %swap3A_77 = arith.index_cast %scan3A_47 : i32 to index
      %swap3A_78 = arith.constant 64 : index
      %swap3A_79 = tpu.vector_load %arg8[%swap3A_77, %swap3A_78] {strides = array<i32>} : memref<128x144xf32, #tpu.memory_space<vmem>>, vector<1x16xf32>,
      %swap3A_80 = vector.shape_cast %swap3A_79 : vector<1x16xf32> to vector<16xf32>
      %swap3A_81 = vector.shape_cast %broadcast_in_dim3A_76 : vector<16xf32> to vector<1x16xf32>
      tpu.vector_store %arg8[%swap3A_77, %swap3A_78], %swap3A_81 {strides = array<i32>} : memref<128x144xf32, #tpu.memory_space<vmem>>, vector<1x16xf32>,
      %broadcast_in_dim3A_82 = arith.constant 0.000000e+00 : f32
      %broadcast_in_dim3A_83 = vector.broadcast %broadcast_in_dim3A_82 : f32 to vector<16xf32>
      %swap3A_84 = arith.index_cast %scan3A_47 : i32 to index
      %swap3A_85 = arith.constant 80 : index
      %swap3A_86 = tpu.vector_load %arg8[%swap3A_84, %swap3A_85] {strides = array<i32>} : memref<128x144xf32, #tpu.memory_space<vmem>>, vector<1x16xf32>,
      %swap3A_87 = vector.shape_cast %swap3A_86 : vector<1x16xf32> to vector<16xf32>
      %swap3A_88 = vector.shape_cast %broadcast_in_dim3A_83 : vector<16xf32> to vector<1x16xf32>
      tpu.vector_store %arg8[%swap3A_84, %swap3A_85], %swap3A_88 {strides = array<i32>} : memref<128x144xf32, #tpu.memory_space<vmem>>, vector<1x16xf32>,
      %broadcast_in_dim3A_89 = arith.constant 0.000000e+00 : f32
      %broadcast_in_dim3A_90 = vector.broadcast %broadcast_in_dim3A_89 : f32 to vector<16xf32>
      %swap3A_91 = arith.index_cast %scan3A_47 : i32 to index
      %swap3A_92 = arith.constant 96 : index
      %swap3A_93 = tpu.vector_load %arg8[%swap3A_91, %swap3A_92] {strides = array<i32>} : memref<128x144xf32, #tpu.memory_space<vmem>>, vector<1x16xf32>,
      %swap3A_94 = vector.shape_cast %swap3A_93 : vector<1x16xf32> to vector<16xf32>
      %swap3A_95 = vector.shape_cast %broadcast_in_dim3A_90 : vector<16xf32> to vector<1x16xf32>
      tpu.vector_store %arg8[%swap3A_91, %swap3A_92], %swap3A_95 {strides = array<i32>} : memref<128x144xf32, #tpu.memory_space<vmem>>, vector<1x16xf32>,
      %broadcast_in_dim3A_96 = arith.constant 0.000000e+00 : f32
      %broadcast_in_dim3A_97 = vector.broadcast %broadcast_in_dim3A_96 : f32 to vector<16xf32>
      %swap3A_98 = arith.index_cast %scan3A_47 : i32 to index
      %swap3A_99 = arith.constant 112 : index
      %swap3A_100 = tpu.vector_load %arg8[%swap3A_98, %swap3A_99] {strides = array<i32>} : memref<128x144xf32, #tpu.memory_space<vmem>>, vector<1x16xf32>,
      %swap3A_101 = vector.shape_cast %swap3A_100 : vector<1x16xf32> to vector<16xf32>
      %swap3A_102 = vector.shape_cast %broadcast_in_dim3A_97 : vector<16xf32> to vector<1x16xf32>
      tpu.vector_store %arg8[%swap3A_98, %swap3A_99], %swap3A_102 {strides = array<i32>} : memref<128x144xf32, #tpu.memory_space<vmem>>, vector<1x16xf32>,
      %broadcast_in_dim3A_103 = arith.constant 0.000000e+00 : f32
      %broadcast_in_dim3A_104 = vector.broadcast %broadcast_in_dim3A_103 : f32 to vector<16xf32>
      %swap3A_105 = arith.index_cast %scan3A_47 : i32 to index
      %swap3A_106 = arith.constant 128 : index
      %swap3A_107 = tpu.vector_load %arg8[%swap3A_105, %swap3A_106] {strides = array<i32>} : memref<128x144xf32, #tpu.memory_space<vmem>>, vector<1x16xf32>,
      %swap3A_108 = vector.shape_cast %swap3A_107 : vector<1x16xf32> to vector<16xf32>
      %swap3A_109 = vector.shape_cast %broadcast_in_dim3A_104 : vector<16xf32> to vector<1x16xf32>
      tpu.vector_store %arg8[%swap3A_105, %swap3A_106], %swap3A_109 {strides = array<i32>} : memref<128x144xf32, #tpu.memory_space<vmem>>, vector<1x16xf32>,
      %scan3A_110 = arith.constant 0 : i32
      scf.yield %scan3A_110 : i32
    }
    %scan3A_8 = arith.constant 128 : i32
    %add3A_9 = arith.constant 0 : i32
    %add3A_10 = arith.addi %mul3A_2, %add3A_9 : i32
    "tpu.region"() ({
      %run_scoped3A = tpu.sem_alloc : memref<!tpu.dma_semaphore, #tpu.memory_space<semaphore_mem>>
      %dma_start3A = arith.constant 0 : i32
      %dma_start3A_47 = tpu.memref_slice %arg7[%add3A_10, %dma_start3A] : memref<10240x144xf32, #tpu.memory_space<vmem_shared>> -> memref<128x144xf32, #tpu.memory_space<vmem_shared>>
      %dma_start3A_48 = arith.constant 0 : i32
      %dma_start3A_49 = tpu.memref_slice %arg7[%add3A_10, %dma_start3A_48] : memref<10240x144xf32, #tpu.memory_space<vmem_shared>> -> memref<128x144xf32, #tpu.memory_space<vmem_shared>>
      tpu.enqueue_dma source(%arg8 : memref<128x144xf32, #tpu.memory_space<vmem>>) target(%dma_start3A_49 : memref<128x144xf32, #tpu.memory_space<vmem_shared>>) target_semaphore(%run_scoped3A : memref<!tpu.dma_semaphore, #tpu.memory_space<semaphore_mem>>)
      %dma_wait3A = arith.constant 0 : i32
      %dma_wait3A_50 = tpu.memref_slice %arg7[%add3A_10, %dma_wait3A] : memref<10240x144xf32, #tpu.memory_space<vmem_shared>> -> memref<128x144xf32, #tpu.memory_space<vmem_shared>>
      %dma_wait3A_51 = arith.constant 0 : i32
      %dma_wait3A_52 = tpu.memref_slice %arg7[%add3A_10, %dma_wait3A_51] : memref<10240x144xf32, #tpu.memory_space<vmem_shared>> -> memref<128x144xf32, #tpu.memory_space<vmem_shared>>
      tpu.wait_dma2 semaphore(%run_scoped3A : memref<!tpu.dma_semaphore, #tpu.memory_space<semaphore_mem>>) src(%arg8 : memref<128x144xf32, #tpu.memory_space<vmem>>) dst(%dma_wait3A_52 : memref<128x144xf32, #tpu.memory_space<vmem_shared>>)
      tpu.yield
    }) : () -> ()
    %add3A_11 = arith.constant 128 : i32
    %add3A_12 = arith.addi %mul3A_2, %add3A_11 : i32
    "tpu.region"() ({
      %run_scoped3A = tpu.sem_alloc : memref<!tpu.dma_semaphore, #tpu.memory_space<semaphore_mem>>
      %dma_start3A = arith.constant 0 : i32
      %dma_start3A_47 = tpu.memref_slice %arg7[%add3A_12, %dma_start3A] : memref<10240x144xf32, #tpu.memory_space<vmem_shared>> -> memref<128x144xf32, #tpu.memory_space<vmem_shared>>
      %dma_start3A_48 = arith.constant 0 : i32
      %dma_start3A_49 = tpu.memref_slice %arg7[%add3A_12, %dma_start3A_48] : memref<10240x144xf32, #tpu.memory_space<vmem_shared>> -> memref<128x144xf32, #tpu.memory_space<vmem_shared>>
      tpu.enqueue_dma source(%arg8 : memref<128x144xf32, #tpu.memory_space<vmem>>) target(%dma_start3A_49 : memref<128x144xf32, #tpu.memory_space<vmem_shared>>) target_semaphore(%run_scoped3A : memref<!tpu.dma_semaphore, #tpu.memory_space<semaphore_mem>>)
      %dma_wait3A = arith.constant 0 : i32
      %dma_wait3A_50 = tpu.memref_slice %arg7[%add3A_12, %dma_wait3A] : memref<10240x144xf32, #tpu.memory_space<vmem_shared>> -> memref<128x144xf32, #tpu.memory_space<vmem_shared>>
      %dma_wait3A_51 = arith.constant 0 : i32
      %dma_wait3A_52 = tpu.memref_slice %arg7[%add3A_12, %dma_wait3A_51] : memref<10240x144xf32, #tpu.memory_space<vmem_shared>> -> memref<128x144xf32, #tpu.memory_space<vmem_shared>>
      tpu.wait_dma2 semaphore(%run_scoped3A : memref<!tpu.dma_semaphore, #tpu.memory_space<semaphore_mem>>) src(%arg8 : memref<128x144xf32, #tpu.memory_space<vmem>>) dst(%dma_wait3A_52 : memref<128x144xf32, #tpu.memory_space<vmem_shared>>)
      tpu.yield
    }) : () -> ()
    %add3A_13 = arith.constant 256 : i32
    %add3A_14 = arith.addi %mul3A_2, %add3A_13 : i32
    "tpu.region"() ({
      %run_scoped3A = tpu.sem_alloc : memref<!tpu.dma_semaphore, #tpu.memory_space<semaphore_mem>>
      %dma_start3A = arith.constant 0 : i32
      %dma_start3A_47 = tpu.memref_slice %arg7[%add3A_14, %dma_start3A] : memref<10240x144xf32, #tpu.memory_space<vmem_shared>> -> memref<128x144xf32, #tpu.memory_space<vmem_shared>>
      %dma_start3A_48 = arith.constant 0 : i32
      %dma_start3A_49 = tpu.memref_slice %arg7[%add3A_14, %dma_start3A_48] : memref<10240x144xf32, #tpu.memory_space<vmem_shared>> -> memref<128x144xf32, #tpu.memory_space<vmem_shared>>
      tpu.enqueue_dma source(%arg8 : memref<128x144xf32, #tpu.memory_space<vmem>>) target(%dma_start3A_49 : memref<128x144xf32, #tpu.memory_space<vmem_shared>>) target_semaphore(%run_scoped3A : memref<!tpu.dma_semaphore, #tpu.memory_space<semaphore_mem>>)
      %dma_wait3A = arith.constant 0 : i32
      %dma_wait3A_50 = tpu.memref_slice %arg7[%add3A_14, %dma_wait3A] : memref<10240x144xf32, #tpu.memory_space<vmem_shared>> -> memref<128x144xf32, #tpu.memory_space<vmem_shared>>
      %dma_wait3A_51 = arith.constant 0 : i32
      %dma_wait3A_52 = tpu.memref_slice %arg7[%add3A_14, %dma_wait3A_51] : memref<10240x144xf32, #tpu.memory_space<vmem_shared>> -> memref<128x144xf32, #tpu.memory_space<vmem_shared>>
      tpu.wait_dma2 semaphore(%run_scoped3A : memref<!tpu.dma_semaphore, #tpu.memory_space<semaphore_mem>>) src(%arg8 : memref<128x144xf32, #tpu.memory_space<vmem>>) dst(%dma_wait3A_52 : memref<128x144xf32, #tpu.memory_space<vmem_shared>>)
      tpu.yield
    }) : () -> ()
    %add3A_15 = arith.constant 384 : i32
    %add3A_16 = arith.addi %mul3A_2, %add3A_15 : i32
    "tpu.region"() ({
      %run_scoped3A = tpu.sem_alloc : memref<!tpu.dma_semaphore, #tpu.memory_space<semaphore_mem>>
      %dma_start3A = arith.constant 0 : i32
      %dma_start3A_47 = tpu.memref_slice %arg7[%add3A_16, %dma_start3A] : memref<10240x144xf32, #tpu.memory_space<vmem_shared>> -> memref<128x144xf32, #tpu.memory_space<vmem_shared>>
      %dma_start3A_48 = arith.constant 0 : i32
      %dma_start3A_49 = tpu.memref_slice %arg7[%add3A_16, %dma_start3A_48] : memref<10240x144xf32, #tpu.memory_space<vmem_shared>> -> memref<128x144xf32, #tpu.memory_space<vmem_shared>>
      tpu.enqueue_dma source(%arg8 : memref<128x144xf32, #tpu.memory_space<vmem>>) target(%dma_start3A_49 : memref<128x144xf32, #tpu.memory_space<vmem_shared>>) target_semaphore(%run_scoped3A : memref<!tpu.dma_semaphore, #tpu.memory_space<semaphore_mem>>)
      %dma_wait3A = arith.constant 0 : i32
      %dma_wait3A_50 = tpu.memref_slice %arg7[%add3A_16, %dma_wait3A] : memref<10240x144xf32, #tpu.memory_space<vmem_shared>> -> memref<128x144xf32, #tpu.memory_space<vmem_shared>>
      %dma_wait3A_51 = arith.constant 0 : i32
      %dma_wait3A_52 = tpu.memref_slice %arg7[%add3A_16, %dma_wait3A_51] : memref<10240x144xf32, #tpu.memory_space<vmem_shared>> -> memref<128x144xf32, #tpu.memory_space<vmem_shared>>
      tpu.wait_dma2 semaphore(%run_scoped3A : memref<!tpu.dma_semaphore, #tpu.memory_space<semaphore_mem>>) src(%arg8 : memref<128x144xf32, #tpu.memory_space<vmem>>) dst(%dma_wait3A_52 : memref<128x144xf32, #tpu.memory_space<vmem_shared>>)
      tpu.yield
    }) : () -> ()
    %add3A_17 = arith.constant 512 : i32
    %add3A_18 = arith.addi %mul3A_2, %add3A_17 : i32
    "tpu.region"() ({
      %run_scoped3A = tpu.sem_alloc : memref<!tpu.dma_semaphore, #tpu.memory_space<semaphore_mem>>
      %dma_start3A = arith.constant 0 : i32
      %dma_start3A_47 = tpu.memref_slice %arg7[%add3A_18, %dma_start3A] : memref<10240x144xf32, #tpu.memory_space<vmem_shared>> -> memref<128x144xf32, #tpu.memory_space<vmem_shared>>
      %dma_start3A_48 = arith.constant 0 : i32
      %dma_start3A_49 = tpu.memref_slice %arg7[%add3A_18, %dma_start3A_48] : memref<10240x144xf32, #tpu.memory_space<vmem_shared>> -> memref<128x144xf32, #tpu.memory_space<vmem_shared>>
      tpu.enqueue_dma source(%arg8 : memref<128x144xf32, #tpu.memory_space<vmem>>) target(%dma_start3A_49 : memref<128x144xf32, #tpu.memory_space<vmem_shared>>) target_semaphore(%run_scoped3A : memref<!tpu.dma_semaphore, #tpu.memory_space<semaphore_mem>>)
      %dma_wait3A = arith.constant 0 : i32
      %dma_wait3A_50 = tpu.memref_slice %arg7[%add3A_18, %dma_wait3A] : memref<10240x144xf32, #tpu.memory_space<vmem_shared>> -> memref<128x144xf32, #tpu.memory_space<vmem_shared>>
      %dma_wait3A_51 = arith.constant 0 : i32
      %dma_wait3A_52 = tpu.memref_slice %arg7[%add3A_18, %dma_wait3A_51] : memref<10240x144xf32, #tpu.memory_space<vmem_shared>> -> memref<128x144xf32, #tpu.memory_space<vmem_shared>>
      tpu.wait_dma2 semaphore(%run_scoped3A : memref<!tpu.dma_semaphore, #tpu.memory_space<semaphore_mem>>) src(%arg8 : memref<128x144xf32, #tpu.memory_space<vmem>>) dst(%dma_wait3A_52 : memref<128x144xf32, #tpu.memory_space<vmem_shared>>)
      tpu.yield
    }) : () -> ()
    %barrier3A = arith.constant 0 : index
    tpu.barrier barrier_id(%barrier3A)
    %scan3A_19 = arith.constant 0 : i32
    %scan3A_20 = arith.constant 0 : i32
    %scan3A_21 = arith.constant 79 : i32
    %scan3A_22 = arith.addi %scan3A_20, %scan3A_21 : i32
    %scan3A_23 = arith.constant 1 : i32
    %scan3A_24 = scf.for %scan3A_47 = %scan3A_20 to %scan3A_22 step %scan3A_23 iter_args(%scan3A_48 = %scan3A_19) -> (i32)  : i32 {
      %mul3A_49 = arith.constant 32 : i32
      %mul3A_50 = arith.muli %scan3A_47, %mul3A_49 : i32
      %add3A_51 = arith.addi %mul3A_50, %add3A : i32
      %lt3A = arith.constant 2500 : i32
      %lt3A_52 = arith.cmpi slt, %add3A_51, %lt3A : i32
      %convert_element_type3A = arith.extui %lt3A_52 : i1 to i32
      %cond3A = arith.constant 0 : i32
      %cond3A_53 = arith.cmpi ne, %convert_element_type3A, %cond3A : i32
      scf.if %cond3A_53 {
        %mul3A_55 = arith.constant 128 : i32
        %mul3A_56 = arith.muli %add3A_51, %mul3A_55 : i32
        "tpu.region"() ({
          %run_scoped3A = tpu.sem_alloc : memref<!tpu.dma_semaphore, #tpu.memory_space<semaphore_mem>>
          %dma_start3A_74 = tpu.memref_slice %arg4[%mul3A_56] : memref<320000xi32, #tpu.memory_space<hbm>> -> memref<128xi32, #tpu.memory_space<hbm>>
          %dma_start3A_75 = tpu.memref_slice %arg4[%mul3A_56] : memref<320000xi32, #tpu.memory_space<hbm>> -> memref<128xi32, #tpu.memory_space<hbm>>
          tpu.enqueue_dma source(%dma_start3A_75 : memref<128xi32, #tpu.memory_space<hbm>>) target(%arg10 : memref<128xi32, #tpu.memory_space<vmem>>) target_semaphore(%run_scoped3A : memref<!tpu.dma_semaphore, #tpu.memory_space<semaphore_mem>>)
          %dma_wait3A_76 = tpu.memref_slice %arg4[%mul3A_56] : memref<320000xi32, #tpu.memory_space<hbm>> -> memref<128xi32, #tpu.memory_space<hbm>>
          %dma_wait3A_77 = tpu.memref_slice %arg4[%mul3A_56] : memref<320000xi32, #tpu.memory_space<hbm>> -> memref<128xi32, #tpu.memory_space<hbm>>
          tpu.wait_dma2 semaphore(%run_scoped3A : memref<!tpu.dma_semaphore, #tpu.memory_space<semaphore_mem>>) src(%dma_wait3A_77 : memref<128xi32, #tpu.memory_space<hbm>>) dst(%arg10 : memref<128xi32, #tpu.memory_space<vmem>>)
          tpu.yield
        }) : () -> ()
        "tpu.region"() ({
          %run_scoped3A = tpu.sem_alloc : memref<!tpu.dma_semaphore, #tpu.memory_space<semaphore_mem>>
          %dma_start3A_74 = tpu.memref_slice %arg5[%mul3A_56] : memref<320000xi32, #tpu.memory_space<hbm>> -> memref<128xi32, #tpu.memory_space<hbm>>
          %dma_start3A_75 = tpu.memref_slice %arg5[%mul3A_56] : memref<320000xi32, #tpu.memory_space<hbm>> -> memref<128xi32, #tpu.memory_space<hbm>>
          tpu.enqueue_dma source(%dma_start3A_75 : memref<128xi32, #tpu.memory_space<hbm>>) target(%arg11 : memref<128xi32, #tpu.memory_space<vmem>>) target_semaphore(%run_scoped3A : memref<!tpu.dma_semaphore, #tpu.memory_space<semaphore_mem>>)
          %dma_wait3A_76 = tpu.memref_slice %arg5[%mul3A_56] : memref<320000xi32, #tpu.memory_space<hbm>> -> memref<128xi32, #tpu.memory_space<hbm>>
          %dma_wait3A_77 = tpu.memref_slice %arg5[%mul3A_56] : memref<320000xi32, #tpu.memory_space<hbm>> -> memref<128xi32, #tpu.memory_space<hbm>>
          tpu.wait_dma2 semaphore(%run_scoped3A : memref<!tpu.dma_semaphore, #tpu.memory_space<semaphore_mem>>) src(%dma_wait3A_77 : memref<128xi32, #tpu.memory_space<hbm>>) dst(%arg11 : memref<128xi32, #tpu.memory_space<vmem>>)
          tpu.yield
        }) : () -> ()
        %dma_start3A = arith.constant 0 : i32
        %dma_start3A_57 = arith.constant 0 : i32
        %dma_start3A_58 = tpu.memref_slice %arg2[%dma_start3A, %dma_start3A_57] : memref<10000x144xf32, #tpu.memory_space<hbm>> -> memref<10000x144xf32, #tpu.memory_space<hbm>>
        tpu.enqueue_indirect_dma source(%dma_start3A_58 : memref<10000x144xf32, #tpu.memory_space<hbm>>) target(%arg8 : memref<128x144xf32, #tpu.memory_space<vmem>>) offsets(%arg10 : memref<128xi32, #tpu.memory_space<vmem>>) semaphore(%arg12 : memref<!tpu.dma_semaphore, #tpu.memory_space<semaphore_mem>>)
        %dma_start3A_59 = arith.constant 0 : i32
        %dma_start3A_60 = arith.constant 0 : i32
        %dma_start3A_61 = tpu.memref_slice %arg3[%dma_start3A_59, %dma_start3A_60] : memref<10000x16xf32, #tpu.memory_space<hbm>> -> memref<10000x16xf32, #tpu.memory_space<hbm>>
        tpu.enqueue_indirect_dma source(%dma_start3A_61 : memref<10000x16xf32, #tpu.memory_space<hbm>>) target(%arg9 : memref<128x16xf32, #tpu.memory_space<vmem>>) offsets(%arg11 : memref<128xi32, #tpu.memory_space<vmem>>) semaphore(%arg13 : memref<!tpu.dma_semaphore, #tpu.memory_space<semaphore_mem>>)
        %dma_wait3A = arith.constant 0 : i32
        %dma_wait3A_62 = arith.constant 0 : i32
        %dma_wait3A_63 = tpu.memref_slice %arg3[%dma_wait3A, %dma_wait3A_62] : memref<10000x16xf32, #tpu.memory_space<hbm>> -> memref<10000x16xf32, #tpu.memory_space<hbm>>
        tpu.wait_indirect_dma semaphore(%arg13 : memref<!tpu.dma_semaphore, #tpu.memory_space<semaphore_mem>>) src(%dma_wait3A_63 : memref<10000x16xf32, #tpu.memory_space<hbm>>) dst(%arg9 : memref<128x16xf32, #tpu.memory_space<vmem>>)
        %dma_wait3A_64 = arith.constant 0 : i32
        %dma_wait3A_65 = arith.constant 0 : i32
        %dma_wait3A_66 = tpu.memref_slice %arg2[%dma_wait3A_64, %dma_wait3A_65] : memref<10000x144xf32, #tpu.memory_space<hbm>> -> memref<10000x144xf32, #tpu.memory_space<hbm>>
        tpu.wait_indirect_dma semaphore(%arg12 : memref<!tpu.dma_semaphore, #tpu.memory_space<semaphore_mem>>) src(%dma_wait3A_66 : memref<10000x144xf32, #tpu.memory_space<hbm>>) dst(%arg8 : memref<128x144xf32, #tpu.memory_space<vmem>>)
        %scan3A_67 = arith.constant 0 : i32
        %scan3A_68 = arith.constant 0 : i32
        %scan3A_69 = arith.constant 128 : i32
        %scan3A_70 = arith.addi %scan3A_68, %scan3A_69 : i32
        %scan3A_71 = arith.constant 1 : i32
        %scan3A_72 = scf.for %scan3A_74 = %scan3A_68 to %scan3A_70 step %scan3A_71 iter_args(%scan3A_75 = %scan3A_67) -> (i32)  : i32 {
          %get3A = arith.index_cast %scan3A_74 : i32 to index
          %get3A_76 = arith.constant 128 : index
          %get3A_77 = tpu.vector_load %arg8[%get3A, %get3A_76] {strides = array<i32>} : memref<128x144xf32, #tpu.memory_space<vmem>>, vector<1x16xf32>,
          %get3A_78 = vector.shape_cast %get3A_77 : vector<1x16xf32> to vector<16xf32>
          %get3A_79 = arith.index_cast %scan3A_74 : i32 to index
          %get3A_80 = arith.constant 0 : index
          %get3A_81 = tpu.vector_load %arg9[%get3A_79, %get3A_80] {strides = array<i32>} : memref<128x16xf32, #tpu.memory_space<vmem>>, vector<1x16xf32>,
          %get3A_82 = vector.shape_cast %get3A_81 : vector<1x16xf32> to vector<16xf32>
          %add3A_83 = arith.addf %get3A_78, %get3A_82 : vector<16xf32>
          %ge3A = arith.constant 0.000000e+00 : f32
          %ge3A_84 = vector.broadcast %ge3A : f32 to vector<16xf32>
          %ge3A_85 = arith.cmpf oge, %add3A_83, %ge3A_84 : vector<16xf32>
          %mul3A_86 = arith.constant 2.000000e-01 : f32
          %mul3A_87 = vector.broadcast %mul3A_86 : f32 to vector<16xf32>
          %mul3A_88 = arith.mulf %mul3A_87, %add3A_83 : vector<16xf32>
          %select_n3A = arith.select %ge3A_85, %add3A_83, %mul3A_88 : vector<16xi1>, vector<16xf32>
          %exp3A = math.exp %select_n3A : vector<16xf32>
          %swap3A = arith.index_cast %scan3A_74 : i32 to index
          %swap3A_89 = arith.constant 128 : index
          %swap3A_90 = tpu.vector_load %arg8[%swap3A, %swap3A_89] {strides = array<i32>} : memref<128x144xf32, #tpu.memory_space<vmem>>, vector<1x16xf32>,
          %swap3A_91 = vector.shape_cast %swap3A_90 : vector<1x16xf32> to vector<16xf32>
          %swap3A_92 = vector.shape_cast %exp3A : vector<16xf32> to vector<1x16xf32>
          tpu.vector_store %arg8[%swap3A, %swap3A_89], %swap3A_92 {strides = array<i32>} : memref<128x144xf32, #tpu.memory_space<vmem>>, vector<1x16xf32>,
          %broadcast_in_dim3A = arith.constant 0 : i32
          %broadcast_in_dim3A_93 = vector.broadcast %broadcast_in_dim3A : i32 to vector<16xi32>
          %broadcast_in_dim3A_94 = vector.shape_cast %broadcast_in_dim3A_93 : vector<16xi32> to vector<16x1xi32>
          %gather3A = vector.shape_cast %broadcast_in_dim3A_94 : vector<16x1xi32> to vector<16xi32>
          %gather3A_95 = tpu.dynamic_gather %exp3A[%gather3A] in [0] : vector<16xf32>, vector<16xi32> -> vector<16xf32>
          %get3A_96 = arith.index_cast %scan3A_74 : i32 to index
          %get3A_97 = arith.constant 0 : index
          %get3A_98 = tpu.vector_load %arg8[%get3A_96, %get3A_97] {strides = array<i32>} : memref<128x144xf32, #tpu.memory_space<vmem>>, vector<1x16xf32>,
          %get3A_99 = vector.shape_cast %get3A_98 : vector<1x16xf32> to vector<16xf32>
          %mul3A_100 = arith.mulf %get3A_99, %gather3A_95 : vector<16xf32>
          %swap3A_101 = arith.index_cast %scan3A_74 : i32 to index
          %swap3A_102 = arith.constant 0 : index
          %swap3A_103 = tpu.vector_load %arg8[%swap3A_101, %swap3A_102] {strides = array<i32>} : memref<128x144xf32, #tpu.memory_space<vmem>>, vector<1x16xf32>,
          %swap3A_104 = vector.shape_cast %swap3A_103 : vector<1x16xf32> to vector<16xf32>
          %swap3A_105 = vector.shape_cast %mul3A_100 : vector<16xf32> to vector<1x16xf32>
          tpu.vector_store %arg8[%swap3A_101, %swap3A_102], %swap3A_105 {strides = array<i32>} : memref<128x144xf32, #tpu.memory_space<vmem>>, vector<1x16xf32>,
          %broadcast_in_dim3A_106 = arith.constant 1 : i32
          %broadcast_in_dim3A_107 = vector.broadcast %broadcast_in_dim3A_106 : i32 to vector<16xi32>
          %broadcast_in_dim3A_108 = vector.shape_cast %broadcast_in_dim3A_107 : vector<16xi32> to vector<16x1xi32>
          %gather3A_109 = vector.shape_cast %broadcast_in_dim3A_108 : vector<16x1xi32> to vector<16xi32>
          %gather3A_110 = tpu.dynamic_gather %exp3A[%gather3A_109] in [0] : vector<16xf32>, vector<16xi32> -> vector<16xf32>
          %get3A_111 = arith.index_cast %scan3A_74 : i32 to index
          %get3A_112 = arith.constant 16 : index
          %get3A_113 = tpu.vector_load %arg8[%get3A_111, %get3A_112] {strides = array<i32>} : memref<128x144xf32, #tpu.memory_space<vmem>>, vector<1x16xf32>,
          %get3A_114 = vector.shape_cast %get3A_113 : vector<1x16xf32> to vector<16xf32>
          %mul3A_115 = arith.mulf %get3A_114, %gather3A_110 : vector<16xf32>
          %swap3A_116 = arith.index_cast %scan3A_74 : i32 to index
          %swap3A_117 = arith.constant 16 : index
          %swap3A_118 = tpu.vector_load %arg8[%swap3A_116, %swap3A_117] {strides = array<i32>} : memref<128x144xf32, #tpu.memory_space<vmem>>, vector<1x16xf32>,
          %swap3A_119 = vector.shape_cast %swap3A_118 : vector<1x16xf32> to vector<16xf32>
          %swap3A_120 = vector.shape_cast %mul3A_115 : vector<16xf32> to vector<1x16xf32>
          tpu.vector_store %arg8[%swap3A_116, %swap3A_117], %swap3A_120 {strides = array<i32>} : memref<128x144xf32, #tpu.memory_space<vmem>>, vector<1x16xf32>,
          %broadcast_in_dim3A_121 = arith.constant 2 : i32
          %broadcast_in_dim3A_122 = vector.broadcast %broadcast_in_dim3A_121 : i32 to vector<16xi32>
          %broadcast_in_dim3A_123 = vector.shape_cast %broadcast_in_dim3A_122 : vector<16xi32> to vector<16x1xi32>
          %gather3A_124 = vector.shape_cast %broadcast_in_dim3A_123 : vector<16x1xi32> to vector<16xi32>
          %gather3A_125 = tpu.dynamic_gather %exp3A[%gather3A_124] in [0] : vector<16xf32>, vector<16xi32> -> vector<16xf32>
          %get3A_126 = arith.index_cast %scan3A_74 : i32 to index
          %get3A_127 = arith.constant 32 : index
          %get3A_128 = tpu.vector_load %arg8[%get3A_126, %get3A_127] {strides = array<i32>} : memref<128x144xf32, #tpu.memory_space<vmem>>, vector<1x16xf32>,
          %get3A_129 = vector.shape_cast %get3A_128 : vector<1x16xf32> to vector<16xf32>
          %mul3A_130 = arith.mulf %get3A_129, %gather3A_125 : vector<16xf32>
          %swap3A_131 = arith.index_cast %scan3A_74 : i32 to index
          %swap3A_132 = arith.constant 32 : index
          %swap3A_133 = tpu.vector_load %arg8[%swap3A_131, %swap3A_132] {strides = array<i32>} : memref<128x144xf32, #tpu.memory_space<vmem>>, vector<1x16xf32>,
          %swap3A_134 = vector.shape_cast %swap3A_133 : vector<1x16xf32> to vector<16xf32>
          %swap3A_135 = vector.shape_cast %mul3A_130 : vector<16xf32> to vector<1x16xf32>
          tpu.vector_store %arg8[%swap3A_131, %swap3A_132], %swap3A_135 {strides = array<i32>} : memref<128x144xf32, #tpu.memory_space<vmem>>, vector<1x16xf32>,
          %broadcast_in_dim3A_136 = arith.constant 3 : i32
          %broadcast_in_dim3A_137 = vector.broadcast %broadcast_in_dim3A_136 : i32 to vector<16xi32>
          %broadcast_in_dim3A_138 = vector.shape_cast %broadcast_in_dim3A_137 : vector<16xi32> to vector<16x1xi32>
          %gather3A_139 = vector.shape_cast %broadcast_in_dim3A_138 : vector<16x1xi32> to vector<16xi32>
          %gather3A_140 = tpu.dynamic_gather %exp3A[%gather3A_139] in [0] : vector<16xf32>, vector<16xi32> -> vector<16xf32>
          %get3A_141 = arith.index_cast %scan3A_74 : i32 to index
          %get3A_142 = arith.constant 48 : index
          %get3A_143 = tpu.vector_load %arg8[%get3A_141, %get3A_142] {strides = array<i32>} : memref<128x144xf32, #tpu.memory_space<vmem>>, vector<1x16xf32>,
          %get3A_144 = vector.shape_cast %get3A_143 : vector<1x16xf32> to vector<16xf32>
          %mul3A_145 = arith.mulf %get3A_144, %gather3A_140 : vector<16xf32>
          %swap3A_146 = arith.index_cast %scan3A_74 : i32 to index
          %swap3A_147 = arith.constant 48 : index
          %swap3A_148 = tpu.vector_load %arg8[%swap3A_146, %swap3A_147] {strides = array<i32>} : memref<128x144xf32, #tpu.memory_space<vmem>>, vector<1x16xf32>,
          %swap3A_149 = vector.shape_cast %swap3A_148 : vector<1x16xf32> to vector<16xf32>
          %swap3A_150 = vector.shape_cast %mul3A_145 : vector<16xf32> to vector<1x16xf32>
          tpu.vector_store %arg8[%swap3A_146, %swap3A_147], %swap3A_150 {strides = array<i32>} : memref<128x144xf32, #tpu.memory_space<vmem>>, vector<1x16xf32>,
          %broadcast_in_dim3A_151 = arith.constant 4 : i32
          %broadcast_in_dim3A_152 = vector.broadcast %broadcast_in_dim3A_151 : i32 to vector<16xi32>
          %broadcast_in_dim3A_153 = vector.shape_cast %broadcast_in_dim3A_152 : vector<16xi32> to vector<16x1xi32>
          %gather3A_154 = vector.shape_cast %broadcast_in_dim3A_153 : vector<16x1xi32> to vector<16xi32>
          %gather3A_155 = tpu.dynamic_gather %exp3A[%gather3A_154] in [0] : vector<16xf32>, vector<16xi32> -> vector<16xf32>
          %get3A_156 = arith.index_cast %scan3A_74 : i32 to index
          %get3A_157 = arith.constant 64 : index
          %get3A_158 = tpu.vector_load %arg8[%get3A_156, %get3A_157] {strides = array<i32>} : memref<128x144xf32, #tpu.memory_space<vmem>>, vector<1x16xf32>,
          %get3A_159 = vector.shape_cast %get3A_158 : vector<1x16xf32> to vector<16xf32>
          %mul3A_160 = arith.mulf %get3A_159, %gather3A_155 : vector<16xf32>
          %swap3A_161 = arith.index_cast %scan3A_74 : i32 to index
          %swap3A_162 = arith.constant 64 : index
          %swap3A_163 = tpu.vector_load %arg8[%swap3A_161, %swap3A_162] {strides = array<i32>} : memref<128x144xf32, #tpu.memory_space<vmem>>, vector<1x16xf32>,
          %swap3A_164 = vector.shape_cast %swap3A_163 : vector<1x16xf32> to vector<16xf32>
          %swap3A_165 = vector.shape_cast %mul3A_160 : vector<16xf32> to vector<1x16xf32>
          tpu.vector_store %arg8[%swap3A_161, %swap3A_162], %swap3A_165 {strides = array<i32>} : memref<128x144xf32, #tpu.memory_space<vmem>>, vector<1x16xf32>,
          %broadcast_in_dim3A_166 = arith.constant 5 : i32
          %broadcast_in_dim3A_167 = vector.broadcast %broadcast_in_dim3A_166 : i32 to vector<16xi32>
          %broadcast_in_dim3A_168 = vector.shape_cast %broadcast_in_dim3A_167 : vector<16xi32> to vector<16x1xi32>
          %gather3A_169 = vector.shape_cast %broadcast_in_dim3A_168 : vector<16x1xi32> to vector<16xi32>
          %gather3A_170 = tpu.dynamic_gather %exp3A[%gather3A_169] in [0] : vector<16xf32>, vector<16xi32> -> vector<16xf32>
          %get3A_171 = arith.index_cast %scan3A_74 : i32 to index
          %get3A_172 = arith.constant 80 : index
          %get3A_173 = tpu.vector_load %arg8[%get3A_171, %get3A_172] {strides = array<i32>} : memref<128x144xf32, #tpu.memory_space<vmem>>, vector<1x16xf32>,
          %get3A_174 = vector.shape_cast %get3A_173 : vector<1x16xf32> to vector<16xf32>
          %mul3A_175 = arith.mulf %get3A_174, %gather3A_170 : vector<16xf32>
          %swap3A_176 = arith.index_cast %scan3A_74 : i32 to index
          %swap3A_177 = arith.constant 80 : index
          %swap3A_178 = tpu.vector_load %arg8[%swap3A_176, %swap3A_177] {strides = array<i32>} : memref<128x144xf32, #tpu.memory_space<vmem>>, vector<1x16xf32>,
          %swap3A_179 = vector.shape_cast %swap3A_178 : vector<1x16xf32> to vector<16xf32>
          %swap3A_180 = vector.shape_cast %mul3A_175 : vector<16xf32> to vector<1x16xf32>
          tpu.vector_store %arg8[%swap3A_176, %swap3A_177], %swap3A_180 {strides = array<i32>} : memref<128x144xf32, #tpu.memory_space<vmem>>, vector<1x16xf32>,
          %broadcast_in_dim3A_181 = arith.constant 6 : i32
          %broadcast_in_dim3A_182 = vector.broadcast %broadcast_in_dim3A_181 : i32 to vector<16xi32>
          %broadcast_in_dim3A_183 = vector.shape_cast %broadcast_in_dim3A_182 : vector<16xi32> to vector<16x1xi32>
          %gather3A_184 = vector.shape_cast %broadcast_in_dim3A_183 : vector<16x1xi32> to vector<16xi32>
          %gather3A_185 = tpu.dynamic_gather %exp3A[%gather3A_184] in [0] : vector<16xf32>, vector<16xi32> -> vector<16xf32>
          %get3A_186 = arith.index_cast %scan3A_74 : i32 to index
          %get3A_187 = arith.constant 96 : index
          %get3A_188 = tpu.vector_load %arg8[%get3A_186, %get3A_187] {strides = array<i32>} : memref<128x144xf32, #tpu.memory_space<vmem>>, vector<1x16xf32>,
          %get3A_189 = vector.shape_cast %get3A_188 : vector<1x16xf32> to vector<16xf32>
          %mul3A_190 = arith.mulf %get3A_189, %gather3A_185 : vector<16xf32>
          %swap3A_191 = arith.index_cast %scan3A_74 : i32 to index
          %swap3A_192 = arith.constant 96 : index
          %swap3A_193 = tpu.vector_load %arg8[%swap3A_191, %swap3A_192] {strides = array<i32>} : memref<128x144xf32, #tpu.memory_space<vmem>>, vector<1x16xf32>,
          %swap3A_194 = vector.shape_cast %swap3A_193 : vector<1x16xf32> to vector<16xf32>
          %swap3A_195 = vector.shape_cast %mul3A_190 : vector<16xf32> to vector<1x16xf32>
          tpu.vector_store %arg8[%swap3A_191, %swap3A_192], %swap3A_195 {strides = array<i32>} : memref<128x144xf32, #tpu.memory_space<vmem>>, vector<1x16xf32>,
          %broadcast_in_dim3A_196 = arith.constant 7 : i32
          %broadcast_in_dim3A_197 = vector.broadcast %broadcast_in_dim3A_196 : i32 to vector<16xi32>
          %broadcast_in_dim3A_198 = vector.shape_cast %broadcast_in_dim3A_197 : vector<16xi32> to vector<16x1xi32>
          %gather3A_199 = vector.shape_cast %broadcast_in_dim3A_198 : vector<16x1xi32> to vector<16xi32>
          %gather3A_200 = tpu.dynamic_gather %exp3A[%gather3A_199] in [0] : vector<16xf32>, vector<16xi32> -> vector<16xf32>
          %get3A_201 = arith.index_cast %scan3A_74 : i32 to index
          %get3A_202 = arith.constant 112 : index
          %get3A_203 = tpu.vector_load %arg8[%get3A_201, %get3A_202] {strides = array<i32>} : memref<128x144xf32, #tpu.memory_space<vmem>>, vector<1x16xf32>,
          %get3A_204 = vector.shape_cast %get3A_203 : vector<1x16xf32> to vector<16xf32>
          %mul3A_205 = arith.mulf %get3A_204, %gather3A_200 : vector<16xf32>
          %swap3A_206 = arith.index_cast %scan3A_74 : i32 to index
          %swap3A_207 = arith.constant 112 : index
          %swap3A_208 = tpu.vector_load %arg8[%swap3A_206, %swap3A_207] {strides = array<i32>} : memref<128x144xf32, #tpu.memory_space<vmem>>, vector<1x16xf32>,
          %swap3A_209 = vector.shape_cast %swap3A_208 : vector<1x16xf32> to vector<16xf32>
          %swap3A_210 = vector.shape_cast %mul3A_205 : vector<16xf32> to vector<1x16xf32>
          tpu.vector_store %arg8[%swap3A_206, %swap3A_207], %swap3A_210 {strides = array<i32>} : memref<128x144xf32, #tpu.memory_space<vmem>>, vector<1x16xf32>,
          %scan3A_211 = arith.constant 0 : i32
          scf.yield %scan3A_211 : i32
        }
        %scan3A_73 = arith.constant 128 : i32
        "tpu.region"() ({
          %run_scoped3A = tpu.sem_alloc : memref<!tpu.dma_semaphore, #tpu.memory_space<semaphore_mem>>
          %dma_start3A_74 = arith.constant 0 : i32
          %dma_start3A_75 = arith.constant 0 : i32
          %dma_start3A_76 = tpu.memref_slice %arg7[%dma_start3A_74, %dma_start3A_75] : memref<10240x144xf32, #tpu.memory_space<vmem_shared>> -> memref<10240x144xf32, #tpu.memory_space<vmem_shared>>
          tpu.enqueue_indirect_dma source(%arg8 : memref<128x144xf32, #tpu.memory_space<vmem>>) target(%dma_start3A_76 : memref<10240x144xf32, #tpu.memory_space<vmem_shared>>) offsets(%arg11 : memref<128xi32, #tpu.memory_space<vmem>>) semaphore(%run_scoped3A : memref<!tpu.dma_semaphore, #tpu.memory_space<semaphore_mem>>) {add = true}
          %dma_wait3A_77 = arith.constant 0 : i32
          %dma_wait3A_78 = arith.constant 0 : i32
          %dma_wait3A_79 = tpu.memref_slice %arg7[%dma_wait3A_77, %dma_wait3A_78] : memref<10240x144xf32, #tpu.memory_space<vmem_shared>> -> memref<10240x144xf32, #tpu.memory_space<vmem_shared>>
          tpu.wait_indirect_dma semaphore(%run_scoped3A : memref<!tpu.dma_semaphore, #tpu.memory_space<semaphore_mem>>) src(%arg8 : memref<128x144xf32, #tpu.memory_space<vmem>>) dst(%dma_wait3A_79 : memref<10240x144xf32, #tpu.memory_space<vmem_shared>>)
          tpu.yield
        }) : () -> ()
      } else {
      }
      %scan3A_54 = arith.constant 0 : i32
      scf.yield %scan3A_54 : i32
    }
    %scan3A_25 = arith.constant 79 : i32
    %barrier3A_26 = arith.constant 0 : index
    tpu.barrier barrier_id(%barrier3A_26)
    %add3A_27 = arith.constant 0 : i32
    %add3A_28 = arith.addi %mul3A_2, %add3A_27 : i32
    "tpu.region"() ({
      %run_scoped3A = tpu.sem_alloc : memref<!tpu.dma_semaphore, #tpu.memory_space<semaphore_mem>>
      %dma_start3A = arith.constant 0 : i32
      %dma_start3A_47 = tpu.memref_slice %arg7[%add3A_28, %dma_start3A] : memref<10240x144xf32, #tpu.memory_space<vmem_shared>> -> memref<128x144xf32, #tpu.memory_space<vmem_shared>>
      %dma_start3A_48 = arith.constant 0 : i32
      %dma_start3A_49 = tpu.memref_slice %arg7[%add3A_28, %dma_start3A_48] : memref<10240x144xf32, #tpu.memory_space<vmem_shared>> -> memref<128x144xf32, #tpu.memory_space<vmem_shared>>
      tpu.enqueue_dma source(%dma_start3A_49 : memref<128x144xf32, #tpu.memory_space<vmem_shared>>) target(%arg8 : memref<128x144xf32, #tpu.memory_space<vmem>>) target_semaphore(%run_scoped3A : memref<!tpu.dma_semaphore, #tpu.memory_space<semaphore_mem>>)
      %dma_wait3A = arith.constant 0 : i32
      %dma_wait3A_50 = tpu.memref_slice %arg7[%add3A_28, %dma_wait3A] : memref<10240x144xf32, #tpu.memory_space<vmem_shared>> -> memref<128x144xf32, #tpu.memory_space<vmem_shared>>
      %dma_wait3A_51 = arith.constant 0 : i32
      %dma_wait3A_52 = tpu.memref_slice %arg7[%add3A_28, %dma_wait3A_51] : memref<10240x144xf32, #tpu.memory_space<vmem_shared>> -> memref<128x144xf32, #tpu.memory_space<vmem_shared>>
      tpu.wait_dma2 semaphore(%run_scoped3A : memref<!tpu.dma_semaphore, #tpu.memory_space<semaphore_mem>>) src(%dma_wait3A_52 : memref<128x144xf32, #tpu.memory_space<vmem_shared>>) dst(%arg8 : memref<128x144xf32, #tpu.memory_space<vmem>>)
      tpu.yield
    }) : () -> ()
    %add3A_29 = arith.constant 0 : i32
    %add3A_30 = arith.addi %mul3A_2, %add3A_29 : i32
    "tpu.region"() ({
      %run_scoped3A = tpu.sem_alloc : memref<!tpu.dma_semaphore, #tpu.memory_space<semaphore_mem>>
      %dma_start3A = arith.constant 0 : i32
      %dma_start3A_47 = tpu.memref_slice %arg6[%arg0, %add3A_30, %dma_start3A] : memref<2x10240x144xf32, #tpu.memory_space<hbm>> -> memref<1x128x144xf32, #tpu.memory_space<hbm>>
      %dma_start3A_48 = tpu.memref_squeeze %dma_start3A_47 : memref<1x128x144xf32, #tpu.memory_space<hbm>> -> memref<128x144xf32, #tpu.memory_space<hbm>>
      %dma_start3A_49 = arith.constant 0 : i32
      %dma_start3A_50 = tpu.memref_slice %arg6[%arg0, %add3A_30, %dma_start3A_49] : memref<2x10240x144xf32, #tpu.memory_space<hbm>> -> memref<1x128x144xf32, #tpu.memory_space<hbm>>
      %dma_start3A_51 = tpu.memref_squeeze %dma_start3A_50 : memref<1x128x144xf32, #tpu.memory_space<hbm>> -> memref<128x144xf32, #tpu.memory_space<hbm>>
      tpu.enqueue_dma source(%arg8 : memref<128x144xf32, #tpu.memory_space<vmem>>) target(%dma_start3A_51 : memref<128x144xf32, #tpu.memory_space<hbm>>) target_semaphore(%run_scoped3A : memref<!tpu.dma_semaphore, #tpu.memory_space<semaphore_mem>>)
      %dma_wait3A = arith.constant 0 : i32
      %dma_wait3A_52 = tpu.memref_slice %arg6[%arg0, %add3A_30, %dma_wait3A] : memref<2x10240x144xf32, #tpu.memory_space<hbm>> -> memref<1x128x144xf32, #tpu.memory_space<hbm>>
      %dma_wait3A_53 = tpu.memref_squeeze %dma_wait3A_52 : memref<1x128x144xf32, #tpu.memory_space<hbm>> -> memref<128x144xf32, #tpu.memory_space<hbm>>
      %dma_wait3A_54 = arith.constant 0 : i32
      %dma_wait3A_55 = tpu.memref_slice %arg6[%arg0, %add3A_30, %dma_wait3A_54] : memref<2x10240x144xf32, #tpu.memory_space<hbm>> -> memref<1x128x144xf32, #tpu.memory_space<hbm>>
      %dma_wait3A_56 = tpu.memref_squeeze %dma_wait3A_55 : memref<1x128x144xf32, #tpu.memory_space<hbm>> -> memref<128x144xf32, #tpu.memory_space<hbm>>
      tpu.wait_dma2 semaphore(%run_scoped3A : memref<!tpu.dma_semaphore, #tpu.memory_space<semaphore_mem>>) src(%arg8 : memref<128x144xf32, #tpu.memory_space<vmem>>) dst(%dma_wait3A_56 : memref<128x144xf32, #tpu.memory_space<hbm>>)
      tpu.yield
    }) : () -> ()
    %add3A_31 = arith.constant 128 : i32
    %add3A_32 = arith.addi %mul3A_2, %add3A_31 : i32
    "tpu.region"() ({
      %run_scoped3A = tpu.sem_alloc : memref<!tpu.dma_semaphore, #tpu.memory_space<semaphore_mem>>
      %dma_start3A = arith.constant 0 : i32
      %dma_start3A_47 = tpu.memref_slice %arg7[%add3A_32, %dma_start3A] : memref<10240x144xf32, #tpu.memory_space<vmem_shared>> -> memref<128x144xf32, #tpu.memory_space<vmem_shared>>
      %dma_start3A_48 = arith.constant 0 : i32
      %dma_start3A_49 = tpu.memref_slice %arg7[%add3A_32, %dma_start3A_48] : memref<10240x144xf32, #tpu.memory_space<vmem_shared>> -> memref<128x144xf32, #tpu.memory_space<vmem_shared>>
      tpu.enqueue_dma source(%dma_start3A_49 : memref<128x144xf32, #tpu.memory_space<vmem_shared>>) target(%arg8 : memref<128x144xf32, #tpu.memory_space<vmem>>) target_semaphore(%run_scoped3A : memref<!tpu.dma_semaphore, #tpu.memory_space<semaphore_mem>>)
      %dma_wait3A = arith.constant 0 : i32
      %dma_wait3A_50 = tpu.memref_slice %arg7[%add3A_32, %dma_wait3A] : memref<10240x144xf32, #tpu.memory_space<vmem_shared>> -> memref<128x144xf32, #tpu.memory_space<vmem_shared>>
      %dma_wait3A_51 = arith.constant 0 : i32
      %dma_wait3A_52 = tpu.memref_slice %arg7[%add3A_32, %dma_wait3A_51] : memref<10240x144xf32, #tpu.memory_space<vmem_shared>> -> memref<128x144xf32, #tpu.memory_space<vmem_shared>>
      tpu.wait_dma2 semaphore(%run_scoped3A : memref<!tpu.dma_semaphore, #tpu.memory_space<semaphore_mem>>) src(%dma_wait3A_52 : memref<128x144xf32, #tpu.memory_space<vmem_shared>>) dst(%arg8 : memref<128x144xf32, #tpu.memory_space<vmem>>)
      tpu.yield
    }) : () -> ()
    %add3A_33 = arith.constant 128 : i32
    %add3A_34 = arith.addi %mul3A_2, %add3A_33 : i32
    "tpu.region"() ({
      %run_scoped3A = tpu.sem_alloc : memref<!tpu.dma_semaphore, #tpu.memory_space<semaphore_mem>>
      %dma_start3A = arith.constant 0 : i32
      %dma_start3A_47 = tpu.memref_slice %arg6[%arg0, %add3A_34, %dma_start3A] : memref<2x10240x144xf32, #tpu.memory_space<hbm>> -> memref<1x128x144xf32, #tpu.memory_space<hbm>>
      %dma_start3A_48 = tpu.memref_squeeze %dma_start3A_47 : memref<1x128x144xf32, #tpu.memory_space<hbm>> -> memref<128x144xf32, #tpu.memory_space<hbm>>
      %dma_start3A_49 = arith.constant 0 : i32
      %dma_start3A_50 = tpu.memref_slice %arg6[%arg0, %add3A_34, %dma_start3A_49] : memref<2x10240x144xf32, #tpu.memory_space<hbm>> -> memref<1x128x144xf32, #tpu.memory_space<hbm>>
      %dma_start3A_51 = tpu.memref_squeeze %dma_start3A_50 : memref<1x128x144xf32, #tpu.memory_space<hbm>> -> memref<128x144xf32, #tpu.memory_space<hbm>>
      tpu.enqueue_dma source(%arg8 : memref<128x144xf32, #tpu.memory_space<vmem>>) target(%dma_start3A_51 : memref<128x144xf32, #tpu.memory_space<hbm>>) target_semaphore(%run_scoped3A : memref<!tpu.dma_semaphore, #tpu.memory_space<semaphore_mem>>)
      %dma_wait3A = arith.constant 0 : i32
      %dma_wait3A_52 = tpu.memref_slice %arg6[%arg0, %add3A_34, %dma_wait3A] : memref<2x10240x144xf32, #tpu.memory_space<hbm>> -> memref<1x128x144xf32, #tpu.memory_space<hbm>>
      %dma_wait3A_53 = tpu.memref_squeeze %dma_wait3A_52 : memref<1x128x144xf32, #tpu.memory_space<hbm>> -> memref<128x144xf32, #tpu.memory_space<hbm>>
      %dma_wait3A_54 = arith.constant 0 : i32
      %dma_wait3A_55 = tpu.memref_slice %arg6[%arg0, %add3A_34, %dma_wait3A_54] : memref<2x10240x144xf32, #tpu.memory_space<hbm>> -> memref<1x128x144xf32, #tpu.memory_space<hbm>>
      %dma_wait3A_56 = tpu.memref_squeeze %dma_wait3A_55 : memref<1x128x144xf32, #tpu.memory_space<hbm>> -> memref<128x144xf32, #tpu.memory_space<hbm>>
      tpu.wait_dma2 semaphore(%run_scoped3A : memref<!tpu.dma_semaphore, #tpu.memory_space<semaphore_mem>>) src(%arg8 : memref<128x144xf32, #tpu.memory_space<vmem>>) dst(%dma_wait3A_56 : memref<128x144xf32, #tpu.memory_space<hbm>>)
      tpu.yield
    }) : () -> ()
    %add3A_35 = arith.constant 256 : i32
    %add3A_36 = arith.addi %mul3A_2, %add3A_35 : i32
    "tpu.region"() ({
      %run_scoped3A = tpu.sem_alloc : memref<!tpu.dma_semaphore, #tpu.memory_space<semaphore_mem>>
      %dma_start3A = arith.constant 0 : i32
      %dma_start3A_47 = tpu.memref_slice %arg7[%add3A_36, %dma_start3A] : memref<10240x144xf32, #tpu.memory_space<vmem_shared>> -> memref<128x144xf32, #tpu.memory_space<vmem_shared>>
      %dma_start3A_48 = arith.constant 0 : i32
      %dma_start3A_49 = tpu.memref_slice %arg7[%add3A_36, %dma_start3A_48] : memref<10240x144xf32, #tpu.memory_space<vmem_shared>> -> memref<128x144xf32, #tpu.memory_space<vmem_shared>>
      tpu.enqueue_dma source(%dma_start3A_49 : memref<128x144xf32, #tpu.memory_space<vmem_shared>>) target(%arg8 : memref<128x144xf32, #tpu.memory_space<vmem>>) target_semaphore(%run_scoped3A : memref<!tpu.dma_semaphore, #tpu.memory_space<semaphore_mem>>)
      %dma_wait3A = arith.constant 0 : i32
      %dma_wait3A_50 = tpu.memref_slice %arg7[%add3A_36, %dma_wait3A] : memref<10240x144xf32, #tpu.memory_space<vmem_shared>> -> memref<128x144xf32, #tpu.memory_space<vmem_shared>>
      %dma_wait3A_51 = arith.constant 0 : i32
      %dma_wait3A_52 = tpu.memref_slice %arg7[%add3A_36, %dma_wait3A_51] : memref<10240x144xf32, #tpu.memory_space<vmem_shared>> -> memref<128x144xf32, #tpu.memory_space<vmem_shared>>
      tpu.wait_dma2 semaphore(%run_scoped3A : memref<!tpu.dma_semaphore, #tpu.memory_space<semaphore_mem>>) src(%dma_wait3A_52 : memref<128x144xf32, #tpu.memory_space<vmem_shared>>) dst(%arg8 : memref<128x144xf32, #tpu.memory_space<vmem>>)
      tpu.yield
    }) : () -> ()
    %add3A_37 = arith.constant 256 : i32
    %add3A_38 = arith.addi %mul3A_2, %add3A_37 : i32
    "tpu.region"() ({
      %run_scoped3A = tpu.sem_alloc : memref<!tpu.dma_semaphore, #tpu.memory_space<semaphore_mem>>
      %dma_start3A = arith.constant 0 : i32
      %dma_start3A_47 = tpu.memref_slice %arg6[%arg0, %add3A_38, %dma_start3A] : memref<2x10240x144xf32, #tpu.memory_space<hbm>> -> memref<1x128x144xf32, #tpu.memory_space<hbm>>
      %dma_start3A_48 = tpu.memref_squeeze %dma_start3A_47 : memref<1x128x144xf32, #tpu.memory_space<hbm>> -> memref<128x144xf32, #tpu.memory_space<hbm>>
      %dma_start3A_49 = arith.constant 0 : i32
      %dma_start3A_50 = tpu.memref_slice %arg6[%arg0, %add3A_38, %dma_start3A_49] : memref<2x10240x144xf32, #tpu.memory_space<hbm>> -> memref<1x128x144xf32, #tpu.memory_space<hbm>>
      %dma_start3A_51 = tpu.memref_squeeze %dma_start3A_50 : memref<1x128x144xf32, #tpu.memory_space<hbm>> -> memref<128x144xf32, #tpu.memory_space<hbm>>
      tpu.enqueue_dma source(%arg8 : memref<128x144xf32, #tpu.memory_space<vmem>>) target(%dma_start3A_51 : memref<128x144xf32, #tpu.memory_space<hbm>>) target_semaphore(%run_scoped3A : memref<!tpu.dma_semaphore, #tpu.memory_space<semaphore_mem>>)
      %dma_wait3A = arith.constant 0 : i32
      %dma_wait3A_52 = tpu.memref_slice %arg6[%arg0, %add3A_38, %dma_wait3A] : memref<2x10240x144xf32, #tpu.memory_space<hbm>> -> memref<1x128x144xf32, #tpu.memory_space<hbm>>
      %dma_wait3A_53 = tpu.memref_squeeze %dma_wait3A_52 : memref<1x128x144xf32, #tpu.memory_space<hbm>> -> memref<128x144xf32, #tpu.memory_space<hbm>>
      %dma_wait3A_54 = arith.constant 0 : i32
      %dma_wait3A_55 = tpu.memref_slice %arg6[%arg0, %add3A_38, %dma_wait3A_54] : memref<2x10240x144xf32, #tpu.memory_space<hbm>> -> memref<1x128x144xf32, #tpu.memory_space<hbm>>
      %dma_wait3A_56 = tpu.memref_squeeze %dma_wait3A_55 : memref<1x128x144xf32, #tpu.memory_space<hbm>> -> memref<128x144xf32, #tpu.memory_space<hbm>>
      tpu.wait_dma2 semaphore(%run_scoped3A : memref<!tpu.dma_semaphore, #tpu.memory_space<semaphore_mem>>) src(%arg8 : memref<128x144xf32, #tpu.memory_space<vmem>>) dst(%dma_wait3A_56 : memref<128x144xf32, #tpu.memory_space<hbm>>)
      tpu.yield
    }) : () -> ()
    %add3A_39 = arith.constant 384 : i32
    %add3A_40 = arith.addi %mul3A_2, %add3A_39 : i32
    "tpu.region"() ({
      %run_scoped3A = tpu.sem_alloc : memref<!tpu.dma_semaphore, #tpu.memory_space<semaphore_mem>>
      %dma_start3A = arith.constant 0 : i32
      %dma_start3A_47 = tpu.memref_slice %arg7[%add3A_40, %dma_start3A] : memref<10240x144xf32, #tpu.memory_space<vmem_shared>> -> memref<128x144xf32, #tpu.memory_space<vmem_shared>>
      %dma_start3A_48 = arith.constant 0 : i32
      %dma_start3A_49 = tpu.memref_slice %arg7[%add3A_40, %dma_start3A_48] : memref<10240x144xf32, #tpu.memory_space<vmem_shared>> -> memref<128x144xf32, #tpu.memory_space<vmem_shared>>
      tpu.enqueue_dma source(%dma_start3A_49 : memref<128x144xf32, #tpu.memory_space<vmem_shared>>) target(%arg8 : memref<128x144xf32, #tpu.memory_space<vmem>>) target_semaphore(%run_scoped3A : memref<!tpu.dma_semaphore, #tpu.memory_space<semaphore_mem>>)
      %dma_wait3A = arith.constant 0 : i32
      %dma_wait3A_50 = tpu.memref_slice %arg7[%add3A_40, %dma_wait3A] : memref<10240x144xf32, #tpu.memory_space<vmem_shared>> -> memref<128x144xf32, #tpu.memory_space<vmem_shared>>
      %dma_wait3A_51 = arith.constant 0 : i32
      %dma_wait3A_52 = tpu.memref_slice %arg7[%add3A_40, %dma_wait3A_51] : memref<10240x144xf32, #tpu.memory_space<vmem_shared>> -> memref<128x144xf32, #tpu.memory_space<vmem_shared>>
      tpu.wait_dma2 semaphore(%run_scoped3A : memref<!tpu.dma_semaphore, #tpu.memory_space<semaphore_mem>>) src(%dma_wait3A_52 : memref<128x144xf32, #tpu.memory_space<vmem_shared>>) dst(%arg8 : memref<128x144xf32, #tpu.memory_space<vmem>>)
      tpu.yield
    }) : () -> ()
    %add3A_41 = arith.constant 384 : i32
    %add3A_42 = arith.addi %mul3A_2, %add3A_41 : i32
    "tpu.region"() ({
      %run_scoped3A = tpu.sem_alloc : memref<!tpu.dma_semaphore, #tpu.memory_space<semaphore_mem>>
      %dma_start3A = arith.constant 0 : i32
      %dma_start3A_47 = tpu.memref_slice %arg6[%arg0, %add3A_42, %dma_start3A] : memref<2x10240x144xf32, #tpu.memory_space<hbm>> -> memref<1x128x144xf32, #tpu.memory_space<hbm>>
      %dma_start3A_48 = tpu.memref_squeeze %dma_start3A_47 : memref<1x128x144xf32, #tpu.memory_space<hbm>> -> memref<128x144xf32, #tpu.memory_space<hbm>>
      %dma_start3A_49 = arith.constant 0 : i32
      %dma_start3A_50 = tpu.memref_slice %arg6[%arg0, %add3A_42, %dma_start3A_49] : memref<2x10240x144xf32, #tpu.memory_space<hbm>> -> memref<1x128x144xf32, #tpu.memory_space<hbm>>
      %dma_start3A_51 = tpu.memref_squeeze %dma_start3A_50 : memref<1x128x144xf32, #tpu.memory_space<hbm>> -> memref<128x144xf32, #tpu.memory_space<hbm>>
      tpu.enqueue_dma source(%arg8 : memref<128x144xf32, #tpu.memory_space<vmem>>) target(%dma_start3A_51 : memref<128x144xf32, #tpu.memory_space<hbm>>) target_semaphore(%run_scoped3A : memref<!tpu.dma_semaphore, #tpu.memory_space<semaphore_mem>>)
      %dma_wait3A = arith.constant 0 : i32
      %dma_wait3A_52 = tpu.memref_slice %arg6[%arg0, %add3A_42, %dma_wait3A] : memref<2x10240x144xf32, #tpu.memory_space<hbm>> -> memref<1x128x144xf32, #tpu.memory_space<hbm>>
      %dma_wait3A_53 = tpu.memref_squeeze %dma_wait3A_52 : memref<1x128x144xf32, #tpu.memory_space<hbm>> -> memref<128x144xf32, #tpu.memory_space<hbm>>
      %dma_wait3A_54 = arith.constant 0 : i32
      %dma_wait3A_55 = tpu.memref_slice %arg6[%arg0, %add3A_42, %dma_wait3A_54] : memref<2x10240x144xf32, #tpu.memory_space<hbm>> -> memref<1x128x144xf32, #tpu.memory_space<hbm>>
      %dma_wait3A_56 = tpu.memref_squeeze %dma_wait3A_55 : memref<1x128x144xf32, #tpu.memory_space<hbm>> -> memref<128x144xf32, #tpu.memory_space<hbm>>
      tpu.wait_dma2 semaphore(%run_scoped3A : memref<!tpu.dma_semaphore, #tpu.memory_space<semaphore_mem>>) src(%arg8 : memref<128x144xf32, #tpu.memory_space<vmem>>) dst(%dma_wait3A_56 : memref<128x144xf32, #tpu.memory_space<hbm>>)
      tpu.yield
    }) : () -> ()
    %add3A_43 = arith.constant 512 : i32
    %add3A_44 = arith.addi %mul3A_2, %add3A_43 : i32
    "tpu.region"() ({
      %run_scoped3A = tpu.sem_alloc : memref<!tpu.dma_semaphore, #tpu.memory_space<semaphore_mem>>
      %dma_start3A = arith.constant 0 : i32
      %dma_start3A_47 = tpu.memref_slice %arg7[%add3A_44, %dma_start3A] : memref<10240x144xf32, #tpu.memory_space<vmem_shared>> -> memref<128x144xf32, #tpu.memory_space<vmem_shared>>
      %dma_start3A_48 = arith.constant 0 : i32
      %dma_start3A_49 = tpu.memref_slice %arg7[%add3A_44, %dma_start3A_48] : memref<10240x144xf32, #tpu.memory_space<vmem_shared>> -> memref<128x144xf32, #tpu.memory_space<vmem_shared>>
      tpu.enqueue_dma source(%dma_start3A_49 : memref<128x144xf32, #tpu.memory_space<vmem_shared>>) target(%arg8 : memref<128x144xf32, #tpu.memory_space<vmem>>) target_semaphore(%run_scoped3A : memref<!tpu.dma_semaphore, #tpu.memory_space<semaphore_mem>>)
      %dma_wait3A = arith.constant 0 : i32
      %dma_wait3A_50 = tpu.memref_slice %arg7[%add3A_44, %dma_wait3A] : memref<10240x144xf32, #tpu.memory_space<vmem_shared>> -> memref<128x144xf32, #tpu.memory_space<vmem_shared>>
      %dma_wait3A_51 = arith.constant 0 : i32
      %dma_wait3A_52 = tpu.memref_slice %arg7[%add3A_44, %dma_wait3A_51] : memref<10240x144xf32, #tpu.memory_space<vmem_shared>> -> memref<128x144xf32, #tpu.memory_space<vmem_shared>>
      tpu.wait_dma2 semaphore(%run_scoped3A : memref<!tpu.dma_semaphore, #tpu.memory_space<semaphore_mem>>) src(%dma_wait3A_52 : memref<128x144xf32, #tpu.memory_space<vmem_shared>>) dst(%arg8 : memref<128x144xf32, #tpu.memory_space<vmem>>)
      tpu.yield
    }) : () -> ()
    %add3A_45 = arith.constant 512 : i32
    %add3A_46 = arith.addi %mul3A_2, %add3A_45 : i32
    "tpu.region"() ({
      %run_scoped3A = tpu.sem_alloc : memref<!tpu.dma_semaphore, #tpu.memory_space<semaphore_mem>>
      %dma_start3A = arith.constant 0 : i32
      %dma_start3A_47 = tpu.memref_slice %arg6[%arg0, %add3A_46, %dma_start3A] : memref<2x10240x144xf32, #tpu.memory_space<hbm>> -> memref<1x128x144xf32, #tpu.memory_space<hbm>>
      %dma_start3A_48 = tpu.memref_squeeze %dma_start3A_47 : memref<1x128x144xf32, #tpu.memory_space<hbm>> -> memref<128x144xf32, #tpu.memory_space<hbm>>
      %dma_start3A_49 = arith.constant 0 : i32
      %dma_start3A_50 = tpu.memref_slice %arg6[%arg0, %add3A_46, %dma_start3A_49] : memref<2x10240x144xf32, #tpu.memory_space<hbm>> -> memref<1x128x144xf32, #tpu.memory_space<hbm>>
      %dma_start3A_51 = tpu.memref_squeeze %dma_start3A_50 : memref<1x128x144xf32, #tpu.memory_space<hbm>> -> memref<128x144xf32, #tpu.memory_space<hbm>>
      tpu.enqueue_dma source(%arg8 : memref<128x144xf32, #tpu.memory_space<vmem>>) target(%dma_start3A_51 : memref<128x144xf32, #tpu.memory_space<hbm>>) target_semaphore(%run_scoped3A : memref<!tpu.dma_semaphore, #tpu.memory_space<semaphore_mem>>)
      %dma_wait3A = arith.constant 0 : i32
      %dma_wait3A_52 = tpu.memref_slice %arg6[%arg0, %add3A_46, %dma_wait3A] : memref<2x10240x144xf32, #tpu.memory_space<hbm>> -> memref<1x128x144xf32, #tpu.memory_space<hbm>>
      %dma_wait3A_53 = tpu.memref_squeeze %dma_wait3A_52 : memref<1x128x144xf32, #tpu.memory_space<hbm>> -> memref<128x144xf32, #tpu.memory_space<hbm>>
      %dma_wait3A_54 = arith.constant 0 : i32
      %dma_wait3A_55 = tpu.memref_slice %arg6[%arg0, %add3A_46, %dma_wait3A_54] : memref<2x10240x144xf32, #tpu.memory_space<hbm>> -> memref<1x128x144xf32, #tpu.memory_space<hbm>>
      %dma_wait3A_56 = tpu.memref_squeeze %dma_wait3A_55 : memref<1x128x144xf32, #tpu.memory_space<hbm>> -> memref<128x144xf32, #tpu.memory_space<hbm>>
      tpu.wait_dma2 semaphore(%run_scoped3A : memref<!tpu.dma_semaphore, #tpu.memory_space<semaphore_mem>>) src(%arg8 : memref<128x144xf32, #tpu.memory_space<vmem>>) dst(%dma_wait3A_56 : memref<128x144xf32, #tpu.memory_space<hbm>>)
      tpu.yield
    }) : () -> ()
    return
  }
}

module attributes {stable_mosaic.version = 14 : i64} {
  func.func @_proj_body(%arg0: i32, %arg1: memref<2000x128xf32, #tpu.memory_space<vmem>>, %arg2: memref<128x128xf32, #tpu.memory_space<vmem>>, %arg3: memref<1x128xf32, #tpu.memory_space<vmem>>, %arg4: memref<128x128xf32, #tpu.memory_space<vmem>>, %arg5: memref<1x128xf32, #tpu.memory_space<vmem>>, %arg6: memref<1x128xf32, #tpu.memory_space<vmem>>, %arg7: memref<1x128xf32, #tpu.memory_space<vmem>>, %arg8: memref<2000x128xf32, #tpu.memory_space<vmem>>, %arg9: memref<2000x144xf32, #tpu.memory_space<vmem>>, %arg10: memref<2000x16xf32, #tpu.memory_space<vmem>>) attributes {dimension_semantics = [#tpu.dimension_semantics<arbitrary>], iteration_bounds = array<i64: 5>, scalar_prefetch = 0 : i64, scratch_operands = 0 : i64, tpu.core_type = #tpu.core_type<tc>, window_params = [{transform_indices = @transform_0, window_bounds = array<i64: 2000, 128>}, {pipeline_mode = #tpu.pipeline_mode<synchronous>, transform_indices = @transform_1, window_bounds = array<i64: 128, 128>}, {pipeline_mode = #tpu.pipeline_mode<synchronous>, transform_indices = @transform_2, window_bounds = array<i64: 1, 128>}, {pipeline_mode = #tpu.pipeline_mode<synchronous>, transform_indices = @transform_3, window_bounds = array<i64: 128, 128>}, {pipeline_mode = #tpu.pipeline_mode<synchronous>, transform_indices = @transform_4, window_bounds = array<i64: 1, 128>}, {pipeline_mode = #tpu.pipeline_mode<synchronous>, transform_indices = @transform_5, window_bounds = array<i64: 1, 128>}, {pipeline_mode = #tpu.pipeline_mode<synchronous>, transform_indices = @transform_6, window_bounds = array<i64: 1, 128>}, {transform_indices = @transform_7, window_bounds = array<i64: 2000, 128>}, {transform_indices = @transform_8, window_bounds = array<i64: 2000, 144>}, {transform_indices = @transform_9, window_bounds = array<i64: 2000, 16>}]} {
    %get3A = arith.constant 0 : index
    %get3A_0 = arith.constant 0 : index
    %get3A_1 = vector.load %arg1[%get3A, %get3A_0] : memref<2000x128xf32, #tpu.memory_space<vmem>>, vector<2000x128xf32>
    %get3A_2 = arith.constant 0 : index
    %get3A_3 = arith.constant 0 : index
    %get3A_4 = vector.load %arg2[%get3A_2, %get3A_3] : memref<128x128xf32, #tpu.memory_space<vmem>>, vector<128x128xf32>
    %dot_general3A = arith.constant dense<0.000000e+00> : vector<2000x128xf32>
    %dot_general3A_5 = tpu.matmul %get3A_1, %get3A_4, %dot_general3A {dimension_numbers = #tpu.dot_dimension_numbers<[1], [0], [0], [1], [0, 0, 1, 1], [], []>, transpose_lhs_hint = false} : vector<2000x128xf32>, vector<128x128xf32>, vector<2000x128xf32> -> vector<2000x128xf32>
    %get3A_6 = arith.constant 0 : index
    %get3A_7 = arith.constant 0 : index
    %get3A_8 = vector.load %arg3[%get3A_6, %get3A_7] : memref<1x128xf32, #tpu.memory_space<vmem>>, vector<1x128xf32>
    %add3A = vector.broadcast %get3A_8 : vector<1x128xf32> to vector<2000x128xf32>
    %add3A_9 = arith.addf %dot_general3A_5, %add3A : vector<2000x128xf32>
    %max3A = arith.constant 0.000000e+00 : f32
    %max3A_10 = vector.broadcast %max3A : f32 to vector<2000x128xf32>
    %max3A_11 = arith.maximumf %add3A_9, %max3A_10 : vector<2000x128xf32>
    %get3A_12 = arith.constant 0 : index
    %get3A_13 = arith.constant 0 : index
    %get3A_14 = vector.load %arg4[%get3A_12, %get3A_13] : memref<128x128xf32, #tpu.memory_space<vmem>>, vector<128x128xf32>
    %dot_general3A_15 = arith.constant dense<0.000000e+00> : vector<2000x128xf32>
    %dot_general3A_16 = tpu.matmul %max3A_11, %get3A_14, %dot_general3A_15 {dimension_numbers = #tpu.dot_dimension_numbers<[1], [0], [0], [1], [0, 0, 1, 1], [], []>, transpose_lhs_hint = false} : vector<2000x128xf32>, vector<128x128xf32>, vector<2000x128xf32> -> vector<2000x128xf32>
    %get3A_17 = arith.constant 0 : index
    %get3A_18 = arith.constant 0 : index
    %get3A_19 = vector.load %arg5[%get3A_17, %get3A_18] : memref<1x128xf32, #tpu.memory_space<vmem>>, vector<1x128xf32>
    %add3A_20 = vector.broadcast %get3A_19 : vector<1x128xf32> to vector<2000x128xf32>
    %add3A_21 = arith.addf %dot_general3A_16, %add3A_20 : vector<2000x128xf32>
    %swap3A = arith.constant 0 : index
    %swap3A_22 = arith.constant 0 : index
    %swap3A_23 = vector.load %arg8[%swap3A, %swap3A_22] : memref<2000x128xf32, #tpu.memory_space<vmem>>, vector<2000x128xf32>
    tpu.vector_store %arg8[%swap3A, %swap3A_22], %max3A_11 {strides = array<i32>} : memref<2000x128xf32, #tpu.memory_space<vmem>>, vector<2000x128xf32>,
    %get3A_24 = arith.constant 0 : index
    %get3A_25 = arith.constant 0 : index
    %get3A_26 = vector.load %arg6[%get3A_24, %get3A_25] : memref<1x128xf32, #tpu.memory_space<vmem>>, vector<1x128xf32>
    %get3A_27 = arith.constant 0 : index
    %get3A_28 = arith.constant 0 : index
    %get3A_29 = vector.load %arg7[%get3A_27, %get3A_28] : memref<1x128xf32, #tpu.memory_space<vmem>>, vector<1x128xf32>
    %iota3A = tpu.iota {dimensions = array<i32: 0>} : vector<128x8xi32>
    %jit3A = arith.constant 16 : i32
    %div3A = vector.broadcast %jit3A : i32 to vector<128x8xi32>
    %div3A_30 = arith.divsi %iota3A, %div3A : vector<128x8xi32>
    %sign3A = arith.constant 0 : i32
    %sign3A_31 = vector.broadcast %sign3A : i32 to vector<128x8xi32>
    %sign3A_32 = arith.cmpi sgt, %iota3A, %sign3A_31 : vector<128x8xi32>
    %sign3A_33 = arith.extui %sign3A_32 : vector<128x8xi1> to vector<128x8xi32>
    %sign3A_34 = arith.constant 0 : i32
    %sign3A_35 = vector.broadcast %sign3A_34 : i32 to vector<128x8xi32>
    %sign3A_36 = arith.cmpi slt, %iota3A, %sign3A_35 : vector<128x8xi32>
    %sign3A_37 = arith.extui %sign3A_36 : vector<128x8xi1> to vector<128x8xi32>
    %sign3A_38 = arith.subi %sign3A_33, %sign3A_37 : vector<128x8xi32>
    %sign3A_39 = arith.constant 0 : i32
    %sign3A_40 = arith.cmpi sgt, %jit3A, %sign3A_39 : i32
    %sign3A_41 = arith.extui %sign3A_40 : i1 to i32
    %sign3A_42 = arith.constant 0 : i32
    %sign3A_43 = arith.cmpi slt, %jit3A, %sign3A_42 : i32
    %sign3A_44 = arith.extui %sign3A_43 : i1 to i32
    %sign3A_45 = arith.subi %sign3A_41, %sign3A_44 : i32
    %ne3A = vector.broadcast %sign3A_45 : i32 to vector<128x8xi32>
    %ne3A_46 = arith.cmpi ne, %sign3A_38, %ne3A : vector<128x8xi32>
    %rem3A = vector.broadcast %jit3A : i32 to vector<128x8xi32>
    %rem3A_47 = arith.remsi %iota3A, %rem3A : vector<128x8xi32>
    %ne3A_48 = arith.constant 0 : i32
    %ne3A_49 = vector.broadcast %ne3A_48 : i32 to vector<128x8xi32>
    %ne3A_50 = arith.cmpi ne, %rem3A_47, %ne3A_49 : vector<128x8xi32>
    %and3A = arith.andi %ne3A_46, %ne3A_50 : vector<128x8xi1>
    %sub3A = arith.constant 1 : i32
    %sub3A_51 = vector.broadcast %sub3A : i32 to vector<128x8xi32>
    %sub3A_52 = arith.subi %div3A_30, %sub3A_51 : vector<128x8xi32>
    %select_n3A = arith.select %and3A, %sub3A_52, %div3A_30 : vector<128x8xi1>, vector<128x8xi32>
    %iota3A_53 = tpu.iota {dimensions = array<i32: 1>} : vector<128x8xi32>
    %eq3A = arith.cmpi eq, %select_n3A, %iota3A_53 : vector<128x8xi32>
    %convert_element_type3A = arith.extui %eq3A : vector<128x8xi1> to vector<128x8xi32>
    %convert_element_type3A_54 = arith.sitofp %convert_element_type3A : vector<128x8xi32> to vector<128x8xf32>
    %mul3A = vector.broadcast %get3A_26 : vector<1x128xf32> to vector<2000x128xf32>
    %mul3A_55 = arith.mulf %add3A_21, %mul3A : vector<2000x128xf32>
    %dot_general3A_56 = arith.constant dense<0.000000e+00> : vector<2000x8xf32>
    %dot_general3A_57 = tpu.matmul %mul3A_55, %convert_element_type3A_54, %dot_general3A_56 {dimension_numbers = #tpu.dot_dimension_numbers<[1], [0], [0], [1], [0, 0, 1, 1], [], []>, transpose_lhs_hint = false} : vector<2000x128xf32>, vector<128x8xf32>, vector<2000x8xf32> -> vector<2000x8xf32>
    %mul3A_58 = vector.broadcast %get3A_29 : vector<1x128xf32> to vector<2000x128xf32>
    %mul3A_59 = arith.mulf %add3A_21, %mul3A_58 : vector<2000x128xf32>
    %dot_general3A_60 = arith.constant dense<0.000000e+00> : vector<2000x8xf32>
    %dot_general3A_61 = tpu.matmul %mul3A_59, %convert_element_type3A_54, %dot_general3A_60 {dimension_numbers = #tpu.dot_dimension_numbers<[1], [0], [0], [1], [0, 0, 1, 1], [], []>, transpose_lhs_hint = false} : vector<2000x128xf32>, vector<128x8xf32>, vector<2000x8xf32> -> vector<2000x8xf32>
    %broadcast_in_dim3A = arith.constant 0.000000e+00 : f32
    %broadcast_in_dim3A_62 = vector.broadcast %broadcast_in_dim3A : f32 to vector<2000x8xf32>
    %concatenate3A = tpu.concatenate %add3A_21, %dot_general3A_57, %broadcast_in_dim3A_62 in 1 : vector<2000x128xf32>, vector<2000x8xf32>, vector<2000x8xf32> -> vector<2000x144xf32>
    %concatenate3A_63 = tpu.concatenate %dot_general3A_61, %dot_general3A_61 in 1 : vector<2000x8xf32>, vector<2000x8xf32> -> vector<2000x16xf32>
    %swap3A_64 = arith.constant 0 : index
    %swap3A_65 = arith.constant 0 : index
    %swap3A_66 = vector.load %arg9[%swap3A_64, %swap3A_65] : memref<2000x144xf32, #tpu.memory_space<vmem>>, vector<2000x144xf32>
    tpu.vector_store %arg9[%swap3A_64, %swap3A_65], %concatenate3A {strides = array<i32>} : memref<2000x144xf32, #tpu.memory_space<vmem>>, vector<2000x144xf32>,
    %swap3A_67 = arith.constant 0 : index
    %swap3A_68 = arith.constant 0 : index
    %swap3A_69 = vector.load %arg10[%swap3A_67, %swap3A_68] : memref<2000x16xf32, #tpu.memory_space<vmem>>, vector<2000x16xf32>
    tpu.vector_store %arg10[%swap3A_67, %swap3A_68], %concatenate3A_63 {strides = array<i32>} : memref<2000x16xf32, #tpu.memory_space<vmem>>, vector<2000x16xf32>,
    return
  }
  func.func @transform_0(%arg0: i32) -> (i32, i32) {
    %c0_i32 = arith.constant 0 : i32
    %c0_i32_0 = arith.constant 0 : i32
    return %arg0, %c0_i32 : i32, i32
  }
  func.func @transform_1(%arg0: i32) -> (i32, i32) {
    %c0_i32 = arith.constant 0 : i32
    %c0_i32_0 = arith.constant 0 : i32
    %c0_i32_1 = arith.constant 0 : i32
    return %c0_i32, %c0_i32_0 : i32, i32
  }
  func.func @transform_2(%arg0: i32) -> (i32, i32) {
    %c0_i32 = arith.constant 0 : i32
    %c0_i32_0 = arith.constant 0 : i32
    %c0_i32_1 = arith.constant 0 : i32
    return %c0_i32, %c0_i32_0 : i32, i32
  }
  func.func @transform_3(%arg0: i32) -> (i32, i32) {
    %c0_i32 = arith.constant 0 : i32
    %c0_i32_0 = arith.constant 0 : i32
    %c0_i32_1 = arith.constant 0 : i32
    return %c0_i32, %c0_i32_0 : i32, i32
  }
  func.func @transform_4(%arg0: i32) -> (i32, i32) {
    %c0_i32 = arith.constant 0 : i32
    %c0_i32_0 = arith.constant 0 : i32
    %c0_i32_1 = arith.constant 0 : i32
    return %c0_i32, %c0_i32_0 : i32, i32
  }
  func.func @transform_5(%arg0: i32) -> (i32, i32) {
    %c0_i32 = arith.constant 0 : i32
    %c0_i32_0 = arith.constant 0 : i32
    %c0_i32_1 = arith.constant 0 : i32
    return %c0_i32, %c0_i32_0 : i32, i32
  }
  func.func @transform_6(%arg0: i32) -> (i32, i32) {
    %c0_i32 = arith.constant 0 : i32
    %c0_i32_0 = arith.constant 0 : i32
    %c0_i32_1 = arith.constant 0 : i32
    return %c0_i32, %c0_i32_0 : i32, i32
  }
  func.func @transform_7(%arg0: i32) -> (i32, i32) {
    %c0_i32 = arith.constant 0 : i32
    %c0_i32_0 = arith.constant 0 : i32
    return %arg0, %c0_i32 : i32, i32
  }
  func.func @transform_8(%arg0: i32) -> (i32, i32) {
    %c0_i32 = arith.constant 0 : i32
    %c0_i32_0 = arith.constant 0 : i32
    return %arg0, %c0_i32 : i32, i32
  }
  func.func @transform_9(%arg0: i32) -> (i32, i32) {
    %c0_i32 = arith.constant 0 : i32
    %c0_i32_0 = arith.constant 0 : i32
    return %arg0, %c0_i32 : i32, i32
  }
}

module attributes {stable_mosaic.version = 14 : i64} {
  func.func @_combine_body(%arg0: i32, %arg1: memref<2x2000x144xf32, #tpu.memory_space<vmem>>, %arg2: memref<2000x128xf32, #tpu.memory_space<vmem>>, %arg3: memref<128x128xf32, #tpu.memory_space<vmem>>, %arg4: memref<1x128xf32, #tpu.memory_space<vmem>>, %arg5: memref<1x128xf32, #tpu.memory_space<vmem>>, %arg6: memref<1x128xf32, #tpu.memory_space<vmem>>, %arg7: memref<2000x128xf32, #tpu.memory_space<vmem>>, %arg8: memref<2000x144xf32, #tpu.memory_space<vmem>>, %arg9: memref<2000x16xf32, #tpu.memory_space<vmem>>) attributes {dimension_semantics = [#tpu.dimension_semantics<arbitrary>], iteration_bounds = array<i64: 5>, scalar_prefetch = 0 : i64, scratch_operands = 0 : i64, tpu.core_type = #tpu.core_type<tc>, window_params = [{transform_indices = @transform_0, window_bounds = array<i64: 2, 2000, 144>}, {transform_indices = @transform_1, window_bounds = array<i64: 2000, 128>}, {pipeline_mode = #tpu.pipeline_mode<synchronous>, transform_indices = @transform_2, window_bounds = array<i64: 128, 128>}, {pipeline_mode = #tpu.pipeline_mode<synchronous>, transform_indices = @transform_3, window_bounds = array<i64: 1, 128>}, {pipeline_mode = #tpu.pipeline_mode<synchronous>, transform_indices = @transform_4, window_bounds = array<i64: 1, 128>}, {pipeline_mode = #tpu.pipeline_mode<synchronous>, transform_indices = @transform_5, window_bounds = array<i64: 1, 128>}, {transform_indices = @transform_6, window_bounds = array<i64: 2000, 128>}, {transform_indices = @transform_7, window_bounds = array<i64: 2000, 144>}, {transform_indices = @transform_8, window_bounds = array<i64: 2000, 16>}]} {
    %iota3A = tpu.iota {dimensions = array<i32: 0>} : vector<128x8xi32>
    %jit3A = arith.constant 16 : i32
    %div3A = vector.broadcast %jit3A : i32 to vector<128x8xi32>
    %div3A_0 = arith.divsi %iota3A, %div3A : vector<128x8xi32>
    %sign3A = arith.constant 0 : i32
    %sign3A_1 = vector.broadcast %sign3A : i32 to vector<128x8xi32>
    %sign3A_2 = arith.cmpi sgt, %iota3A, %sign3A_1 : vector<128x8xi32>
    %sign3A_3 = arith.extui %sign3A_2 : vector<128x8xi1> to vector<128x8xi32>
    %sign3A_4 = arith.constant 0 : i32
    %sign3A_5 = vector.broadcast %sign3A_4 : i32 to vector<128x8xi32>
    %sign3A_6 = arith.cmpi slt, %iota3A, %sign3A_5 : vector<128x8xi32>
    %sign3A_7 = arith.extui %sign3A_6 : vector<128x8xi1> to vector<128x8xi32>
    %sign3A_8 = arith.subi %sign3A_3, %sign3A_7 : vector<128x8xi32>
    %sign3A_9 = arith.constant 0 : i32
    %sign3A_10 = arith.cmpi sgt, %jit3A, %sign3A_9 : i32
    %sign3A_11 = arith.extui %sign3A_10 : i1 to i32
    %sign3A_12 = arith.constant 0 : i32
    %sign3A_13 = arith.cmpi slt, %jit3A, %sign3A_12 : i32
    %sign3A_14 = arith.extui %sign3A_13 : i1 to i32
    %sign3A_15 = arith.subi %sign3A_11, %sign3A_14 : i32
    %ne3A = vector.broadcast %sign3A_15 : i32 to vector<128x8xi32>
    %ne3A_16 = arith.cmpi ne, %sign3A_8, %ne3A : vector<128x8xi32>
    %rem3A = vector.broadcast %jit3A : i32 to vector<128x8xi32>
    %rem3A_17 = arith.remsi %iota3A, %rem3A : vector<128x8xi32>
    %ne3A_18 = arith.constant 0 : i32
    %ne3A_19 = vector.broadcast %ne3A_18 : i32 to vector<128x8xi32>
    %ne3A_20 = arith.cmpi ne, %rem3A_17, %ne3A_19 : vector<128x8xi32>
    %and3A = arith.andi %ne3A_16, %ne3A_20 : vector<128x8xi1>
    %sub3A = arith.constant 1 : i32
    %sub3A_21 = vector.broadcast %sub3A : i32 to vector<128x8xi32>
    %sub3A_22 = arith.subi %div3A_0, %sub3A_21 : vector<128x8xi32>
    %select_n3A = arith.select %and3A, %sub3A_22, %div3A_0 : vector<128x8xi1>, vector<128x8xi32>
    %iota3A_23 = tpu.iota {dimensions = array<i32: 1>} : vector<128x8xi32>
    %eq3A = arith.cmpi eq, %select_n3A, %iota3A_23 : vector<128x8xi32>
    %convert_element_type3A = arith.extui %eq3A : vector<128x8xi1> to vector<128x8xi32>
    %convert_element_type3A_24 = arith.sitofp %convert_element_type3A : vector<128x8xi32> to vector<128x8xf32>
    %transpose3A = tpu.transpose %convert_element_type3A_24, [1, 0] : vector<128x8xf32> -> vector<8x128xf32>
    %get3A = arith.constant 0 : index
    %get3A_25 = arith.constant 0 : index
    %get3A_26 = arith.constant 0 : index
    %get3A_27 = vector.load %arg1[%get3A, %get3A_25, %get3A_26] : memref<2x2000x144xf32, #tpu.memory_space<vmem>>, vector<1x2000x144xf32>
    %get3A_28 = vector.shape_cast %get3A_27 : vector<1x2000x144xf32> to vector<2000x144xf32>
    %get3A_29 = arith.constant 1 : index
    %get3A_30 = arith.constant 0 : index
    %get3A_31 = arith.constant 0 : index
    %get3A_32 = vector.load %arg1[%get3A_29, %get3A_30, %get3A_31] : memref<2x2000x144xf32, #tpu.memory_space<vmem>>, vector<1x2000x144xf32>
    %get3A_33 = vector.shape_cast %get3A_32 : vector<1x2000x144xf32> to vector<2000x144xf32>
    %add3A = arith.addf %get3A_28, %get3A_33 : vector<2000x144xf32>
    %slice3A = vector.extract_strided_slice %add3A {offsets = [0, 0], sizes = [2000, 128], strides = [1, 1]} : vector<2000x144xf32> to vector<2000x128xf32>
    %slice3A_34 = vector.extract_strided_slice %add3A {offsets = [0, 128], sizes = [2000, 8], strides = [1, 1]} : vector<2000x144xf32> to vector<2000x8xf32>
    %add3A_35 = arith.constant 9.99999971E-10 : f32
    %add3A_36 = vector.broadcast %add3A_35 : f32 to vector<2000x8xf32>
    %add3A_37 = arith.addf %slice3A_34, %add3A_36 : vector<2000x8xf32>
    %dot_general3A = arith.constant dense<0.000000e+00> : vector<2000x128xf32>
    %dot_general3A_38 = tpu.matmul %add3A_37, %transpose3A, %dot_general3A {dimension_numbers = #tpu.dot_dimension_numbers<[1], [0], [0], [1], [0, 0, 1, 1], [], []>, transpose_lhs_hint = false} : vector<2000x8xf32>, vector<8x128xf32>, vector<2000x128xf32> -> vector<2000x128xf32>
    %div3A_39 = arith.divf %slice3A, %dot_general3A_38 : vector<2000x128xf32>
    %get3A_40 = arith.constant 0 : index
    %get3A_41 = arith.constant 0 : index
    %get3A_42 = vector.load %arg2[%get3A_40, %get3A_41] : memref<2000x128xf32, #tpu.memory_space<vmem>>, vector<2000x128xf32>
    %add3A_43 = arith.addf %div3A_39, %get3A_42 : vector<2000x128xf32>
    %max3A = arith.constant 0.000000e+00 : f32
    %max3A_44 = vector.broadcast %max3A : f32 to vector<2000x128xf32>
    %max3A_45 = arith.maximumf %add3A_43, %max3A_44 : vector<2000x128xf32>
    %get3A_46 = arith.constant 0 : index
    %get3A_47 = arith.constant 0 : index
    %get3A_48 = vector.load %arg3[%get3A_46, %get3A_47] : memref<128x128xf32, #tpu.memory_space<vmem>>, vector<128x128xf32>
    %dot_general3A_49 = arith.constant dense<0.000000e+00> : vector<2000x128xf32>
    %dot_general3A_50 = tpu.matmul %max3A_45, %get3A_48, %dot_general3A_49 {dimension_numbers = #tpu.dot_dimension_numbers<[1], [0], [0], [1], [0, 0, 1, 1], [], []>, transpose_lhs_hint = false} : vector<2000x128xf32>, vector<128x128xf32>, vector<2000x128xf32> -> vector<2000x128xf32>
    %get3A_51 = arith.constant 0 : index
    %get3A_52 = arith.constant 0 : index
    %get3A_53 = vector.load %arg4[%get3A_51, %get3A_52] : memref<1x128xf32, #tpu.memory_space<vmem>>, vector<1x128xf32>
    %add3A_54 = vector.broadcast %get3A_53 : vector<1x128xf32> to vector<2000x128xf32>
    %add3A_55 = arith.addf %dot_general3A_50, %add3A_54 : vector<2000x128xf32>
    %swap3A = arith.constant 0 : index
    %swap3A_56 = arith.constant 0 : index
    %swap3A_57 = vector.load %arg7[%swap3A, %swap3A_56] : memref<2000x128xf32, #tpu.memory_space<vmem>>, vector<2000x128xf32>
    tpu.vector_store %arg7[%swap3A, %swap3A_56], %max3A_45 {strides = array<i32>} : memref<2000x128xf32, #tpu.memory_space<vmem>>, vector<2000x128xf32>,
    %get3A_58 = arith.constant 0 : index
    %get3A_59 = arith.constant 0 : index
    %get3A_60 = vector.load %arg5[%get3A_58, %get3A_59] : memref<1x128xf32, #tpu.memory_space<vmem>>, vector<1x128xf32>
    %get3A_61 = arith.constant 0 : index
    %get3A_62 = arith.constant 0 : index
    %get3A_63 = vector.load %arg6[%get3A_61, %get3A_62] : memref<1x128xf32, #tpu.memory_space<vmem>>, vector<1x128xf32>
    %iota3A_64 = tpu.iota {dimensions = array<i32: 0>} : vector<128x8xi32>
    %jit3A_65 = arith.constant 16 : i32
    %div3A_66 = vector.broadcast %jit3A_65 : i32 to vector<128x8xi32>
    %div3A_67 = arith.divsi %iota3A_64, %div3A_66 : vector<128x8xi32>
    %sign3A_68 = arith.constant 0 : i32
    %sign3A_69 = vector.broadcast %sign3A_68 : i32 to vector<128x8xi32>
    %sign3A_70 = arith.cmpi sgt, %iota3A_64, %sign3A_69 : vector<128x8xi32>
    %sign3A_71 = arith.extui %sign3A_70 : vector<128x8xi1> to vector<128x8xi32>
    %sign3A_72 = arith.constant 0 : i32
    %sign3A_73 = vector.broadcast %sign3A_72 : i32 to vector<128x8xi32>
    %sign3A_74 = arith.cmpi slt, %iota3A_64, %sign3A_73 : vector<128x8xi32>
    %sign3A_75 = arith.extui %sign3A_74 : vector<128x8xi1> to vector<128x8xi32>
    %sign3A_76 = arith.subi %sign3A_71, %sign3A_75 : vector<128x8xi32>
    %sign3A_77 = arith.constant 0 : i32
    %sign3A_78 = arith.cmpi sgt, %jit3A_65, %sign3A_77 : i32
    %sign3A_79 = arith.extui %sign3A_78 : i1 to i32
    %sign3A_80 = arith.constant 0 : i32
    %sign3A_81 = arith.cmpi slt, %jit3A_65, %sign3A_80 : i32
    %sign3A_82 = arith.extui %sign3A_81 : i1 to i32
    %sign3A_83 = arith.subi %sign3A_79, %sign3A_82 : i32
    %ne3A_84 = vector.broadcast %sign3A_83 : i32 to vector<128x8xi32>
    %ne3A_85 = arith.cmpi ne, %sign3A_76, %ne3A_84 : vector<128x8xi32>
    %rem3A_86 = vector.broadcast %jit3A_65 : i32 to vector<128x8xi32>
    %rem3A_87 = arith.remsi %iota3A_64, %rem3A_86 : vector<128x8xi32>
    %ne3A_88 = arith.constant 0 : i32
    %ne3A_89 = vector.broadcast %ne3A_88 : i32 to vector<128x8xi32>
    %ne3A_90 = arith.cmpi ne, %rem3A_87, %ne3A_89 : vector<128x8xi32>
    %and3A_91 = arith.andi %ne3A_85, %ne3A_90 : vector<128x8xi1>
    %sub3A_92 = arith.constant 1 : i32
    %sub3A_93 = vector.broadcast %sub3A_92 : i32 to vector<128x8xi32>
    %sub3A_94 = arith.subi %div3A_67, %sub3A_93 : vector<128x8xi32>
    %select_n3A_95 = arith.select %and3A_91, %sub3A_94, %div3A_67 : vector<128x8xi1>, vector<128x8xi32>
    %iota3A_96 = tpu.iota {dimensions = array<i32: 1>} : vector<128x8xi32>
    %eq3A_97 = arith.cmpi eq, %select_n3A_95, %iota3A_96 : vector<128x8xi32>
    %convert_element_type3A_98 = arith.extui %eq3A_97 : vector<128x8xi1> to vector<128x8xi32>
    %convert_element_type3A_99 = arith.sitofp %convert_element_type3A_98 : vector<128x8xi32> to vector<128x8xf32>
    %mul3A = vector.broadcast %get3A_60 : vector<1x128xf32> to vector<2000x128xf32>
    %mul3A_100 = arith.mulf %add3A_55, %mul3A : vector<2000x128xf32>
    %dot_general3A_101 = arith.constant dense<0.000000e+00> : vector<2000x8xf32>
    %dot_general3A_102 = tpu.matmul %mul3A_100, %convert_element_type3A_99, %dot_general3A_101 {dimension_numbers = #tpu.dot_dimension_numbers<[1], [0], [0], [1], [0, 0, 1, 1], [], []>, transpose_lhs_hint = false} : vector<2000x128xf32>, vector<128x8xf32>, vector<2000x8xf32> -> vector<2000x8xf32>
    %mul3A_103 = vector.broadcast %get3A_63 : vector<1x128xf32> to vector<2000x128xf32>
    %mul3A_104 = arith.mulf %add3A_55, %mul3A_103 : vector<2000x128xf32>
    %dot_general3A_105 = arith.constant dense<0.000000e+00> : vector<2000x8xf32>
    %dot_general3A_106 = tpu.matmul %mul3A_104, %convert_element_type3A_99, %dot_general3A_105 {dimension_numbers = #tpu.dot_dimension_numbers<[1], [0], [0], [1], [0, 0, 1, 1], [], []>, transpose_lhs_hint = false} : vector<2000x128xf32>, vector<128x8xf32>, vector<2000x8xf32> -> vector<2000x8xf32>
    %broadcast_in_dim3A = arith.constant 0.000000e+00 : f32
    %broadcast_in_dim3A_107 = vector.broadcast %broadcast_in_dim3A : f32 to vector<2000x8xf32>
    %concatenate3A = tpu.concatenate %add3A_55, %dot_general3A_102, %broadcast_in_dim3A_107 in 1 : vector<2000x128xf32>, vector<2000x8xf32>, vector<2000x8xf32> -> vector<2000x144xf32>
    %concatenate3A_108 = tpu.concatenate %dot_general3A_106, %dot_general3A_106 in 1 : vector<2000x8xf32>, vector<2000x8xf32> -> vector<2000x16xf32>
    %swap3A_109 = arith.constant 0 : index
    %swap3A_110 = arith.constant 0 : index
    %swap3A_111 = vector.load %arg8[%swap3A_109, %swap3A_110] : memref<2000x144xf32, #tpu.memory_space<vmem>>, vector<2000x144xf32>
    tpu.vector_store %arg8[%swap3A_109, %swap3A_110], %concatenate3A {strides = array<i32>} : memref<2000x144xf32, #tpu.memory_space<vmem>>, vector<2000x144xf32>,
    %swap3A_112 = arith.constant 0 : index
    %swap3A_113 = arith.constant 0 : index
    %swap3A_114 = vector.load %arg9[%swap3A_112, %swap3A_113] : memref<2000x16xf32, #tpu.memory_space<vmem>>, vector<2000x16xf32>
    tpu.vector_store %arg9[%swap3A_112, %swap3A_113], %concatenate3A_108 {strides = array<i32>} : memref<2000x16xf32, #tpu.memory_space<vmem>>, vector<2000x16xf32>,
    return
  }
  func.func @transform_0(%arg0: i32) -> (i32, i32, i32) {
    %c0_i32 = arith.constant 0 : i32
    %c0_i32_0 = arith.constant 0 : i32
    %c0_i32_1 = arith.constant 0 : i32
    return %c0_i32, %arg0, %c0_i32_0 : i32, i32, i32
  }
  func.func @transform_1(%arg0: i32) -> (i32, i32) {
    %c0_i32 = arith.constant 0 : i32
    %c0_i32_0 = arith.constant 0 : i32
    return %arg0, %c0_i32 : i32, i32
  }
  func.func @transform_2(%arg0: i32) -> (i32, i32) {
    %c0_i32 = arith.constant 0 : i32
    %c0_i32_0 = arith.constant 0 : i32
    %c0_i32_1 = arith.constant 0 : i32
    return %c0_i32, %c0_i32_0 : i32, i32
  }
  func.func @transform_3(%arg0: i32) -> (i32, i32) {
    %c0_i32 = arith.constant 0 : i32
    %c0_i32_0 = arith.constant 0 : i32
    %c0_i32_1 = arith.constant 0 : i32
    return %c0_i32, %c0_i32_0 : i32, i32
  }
  func.func @transform_4(%arg0: i32) -> (i32, i32) {
    %c0_i32 = arith.constant 0 : i32
    %c0_i32_0 = arith.constant 0 : i32
    %c0_i32_1 = arith.constant 0 : i32
    return %c0_i32, %c0_i32_0 : i32, i32
  }
  func.func @transform_5(%arg0: i32) -> (i32, i32) {
    %c0_i32 = arith.constant 0 : i32
    %c0_i32_0 = arith.constant 0 : i32
    %c0_i32_1 = arith.constant 0 : i32
    return %c0_i32, %c0_i32_0 : i32, i32
  }
  func.func @transform_6(%arg0: i32) -> (i32, i32) {
    %c0_i32 = arith.constant 0 : i32
    %c0_i32_0 = arith.constant 0 : i32
    return %arg0, %c0_i32 : i32, i32
  }
  func.func @transform_7(%arg0: i32) -> (i32, i32) {
    %c0_i32 = arith.constant 0 : i32
    %c0_i32_0 = arith.constant 0 : i32
    return %arg0, %c0_i32 : i32, i32
  }
  func.func @transform_8(%arg0: i32) -> (i32, i32) {
    %c0_i32 = arith.constant 0 : i32
    %c0_i32_0 = arith.constant 0 : i32
    return %arg0, %c0_i32 : i32, i32
  }
}

module attributes {stable_mosaic.version = 14 : i64} {
  func.func @_final_body(%arg0: i32, %arg1: memref<2x2000x144xf32, #tpu.memory_space<vmem>>, %arg2: memref<2000x128xf32, #tpu.memory_space<vmem>>, %arg3: memref<128x128xf32, #tpu.memory_space<vmem>>, %arg4: memref<1x128xf32, #tpu.memory_space<vmem>>, %arg5: memref<1x128xf32, #tpu.memory_space<vmem>>) attributes {dimension_semantics = [#tpu.dimension_semantics<arbitrary>], iteration_bounds = array<i64: 5>, scalar_prefetch = 0 : i64, scratch_operands = 0 : i64, tpu.core_type = #tpu.core_type<tc>, window_params = [{transform_indices = @transform_0, window_bounds = array<i64: 2, 2000, 144>}, {transform_indices = @transform_1, window_bounds = array<i64: 2000, 128>}, {pipeline_mode = #tpu.pipeline_mode<synchronous>, transform_indices = @transform_2, window_bounds = array<i64: 128, 128>}, {pipeline_mode = #tpu.pipeline_mode<synchronous>, transform_indices = @transform_3, window_bounds = array<i64: 1, 128>}, {pipeline_mode = #tpu.pipeline_mode<synchronous>, transform_indices = @transform_4, window_bounds = array<i64: 1, 128>}]} {
    %iota3A = tpu.iota {dimensions = array<i32: 0>} : vector<128x8xi32>
    %jit3A = arith.constant 16 : i32
    %div3A = vector.broadcast %jit3A : i32 to vector<128x8xi32>
    %div3A_0 = arith.divsi %iota3A, %div3A : vector<128x8xi32>
    %sign3A = arith.constant 0 : i32
    %sign3A_1 = vector.broadcast %sign3A : i32 to vector<128x8xi32>
    %sign3A_2 = arith.cmpi sgt, %iota3A, %sign3A_1 : vector<128x8xi32>
    %sign3A_3 = arith.extui %sign3A_2 : vector<128x8xi1> to vector<128x8xi32>
    %sign3A_4 = arith.constant 0 : i32
    %sign3A_5 = vector.broadcast %sign3A_4 : i32 to vector<128x8xi32>
    %sign3A_6 = arith.cmpi slt, %iota3A, %sign3A_5 : vector<128x8xi32>
    %sign3A_7 = arith.extui %sign3A_6 : vector<128x8xi1> to vector<128x8xi32>
    %sign3A_8 = arith.subi %sign3A_3, %sign3A_7 : vector<128x8xi32>
    %sign3A_9 = arith.constant 0 : i32
    %sign3A_10 = arith.cmpi sgt, %jit3A, %sign3A_9 : i32
    %sign3A_11 = arith.extui %sign3A_10 : i1 to i32
    %sign3A_12 = arith.constant 0 : i32
    %sign3A_13 = arith.cmpi slt, %jit3A, %sign3A_12 : i32
    %sign3A_14 = arith.extui %sign3A_13 : i1 to i32
    %sign3A_15 = arith.subi %sign3A_11, %sign3A_14 : i32
    %ne3A = vector.broadcast %sign3A_15 : i32 to vector<128x8xi32>
    %ne3A_16 = arith.cmpi ne, %sign3A_8, %ne3A : vector<128x8xi32>
    %rem3A = vector.broadcast %jit3A : i32 to vector<128x8xi32>
    %rem3A_17 = arith.remsi %iota3A, %rem3A : vector<128x8xi32>
    %ne3A_18 = arith.constant 0 : i32
    %ne3A_19 = vector.broadcast %ne3A_18 : i32 to vector<128x8xi32>
    %ne3A_20 = arith.cmpi ne, %rem3A_17, %ne3A_19 : vector<128x8xi32>
    %and3A = arith.andi %ne3A_16, %ne3A_20 : vector<128x8xi1>
    %sub3A = arith.constant 1 : i32
    %sub3A_21 = vector.broadcast %sub3A : i32 to vector<128x8xi32>
    %sub3A_22 = arith.subi %div3A_0, %sub3A_21 : vector<128x8xi32>
    %select_n3A = arith.select %and3A, %sub3A_22, %div3A_0 : vector<128x8xi1>, vector<128x8xi32>
    %iota3A_23 = tpu.iota {dimensions = array<i32: 1>} : vector<128x8xi32>
    %eq3A = arith.cmpi eq, %select_n3A, %iota3A_23 : vector<128x8xi32>
    %convert_element_type3A = arith.extui %eq3A : vector<128x8xi1> to vector<128x8xi32>
    %convert_element_type3A_24 = arith.sitofp %convert_element_type3A : vector<128x8xi32> to vector<128x8xf32>
    %transpose3A = tpu.transpose %convert_element_type3A_24, [1, 0] : vector<128x8xf32> -> vector<8x128xf32>
    %get3A = arith.constant 0 : index
    %get3A_25 = arith.constant 0 : index
    %get3A_26 = arith.constant 0 : index
    %get3A_27 = vector.load %arg1[%get3A, %get3A_25, %get3A_26] : memref<2x2000x144xf32, #tpu.memory_space<vmem>>, vector<1x2000x144xf32>
    %get3A_28 = vector.shape_cast %get3A_27 : vector<1x2000x144xf32> to vector<2000x144xf32>
    %get3A_29 = arith.constant 1 : index
    %get3A_30 = arith.constant 0 : index
    %get3A_31 = arith.constant 0 : index
    %get3A_32 = vector.load %arg1[%get3A_29, %get3A_30, %get3A_31] : memref<2x2000x144xf32, #tpu.memory_space<vmem>>, vector<1x2000x144xf32>
    %get3A_33 = vector.shape_cast %get3A_32 : vector<1x2000x144xf32> to vector<2000x144xf32>
    %add3A = arith.addf %get3A_28, %get3A_33 : vector<2000x144xf32>
    %slice3A = vector.extract_strided_slice %add3A {offsets = [0, 0], sizes = [2000, 128], strides = [1, 1]} : vector<2000x144xf32> to vector<2000x128xf32>
    %slice3A_34 = vector.extract_strided_slice %add3A {offsets = [0, 128], sizes = [2000, 8], strides = [1, 1]} : vector<2000x144xf32> to vector<2000x8xf32>
    %add3A_35 = arith.constant 9.99999971E-10 : f32
    %add3A_36 = vector.broadcast %add3A_35 : f32 to vector<2000x8xf32>
    %add3A_37 = arith.addf %slice3A_34, %add3A_36 : vector<2000x8xf32>
    %dot_general3A = arith.constant dense<0.000000e+00> : vector<2000x128xf32>
    %dot_general3A_38 = tpu.matmul %add3A_37, %transpose3A, %dot_general3A {dimension_numbers = #tpu.dot_dimension_numbers<[1], [0], [0], [1], [0, 0, 1, 1], [], []>, transpose_lhs_hint = false} : vector<2000x8xf32>, vector<8x128xf32>, vector<2000x128xf32> -> vector<2000x128xf32>
    %div3A_39 = arith.divf %slice3A, %dot_general3A_38 : vector<2000x128xf32>
    %get3A_40 = arith.constant 0 : index
    %get3A_41 = arith.constant 0 : index
    %get3A_42 = vector.load %arg2[%get3A_40, %get3A_41] : memref<2000x128xf32, #tpu.memory_space<vmem>>, vector<2000x128xf32>
    %add3A_43 = arith.addf %div3A_39, %get3A_42 : vector<2000x128xf32>
    %max3A = arith.constant 0.000000e+00 : f32
    %max3A_44 = vector.broadcast %max3A : f32 to vector<2000x128xf32>
    %max3A_45 = arith.maximumf %add3A_43, %max3A_44 : vector<2000x128xf32>
    %get3A_46 = arith.constant 0 : index
    %get3A_47 = arith.constant 0 : index
    %get3A_48 = vector.load %arg3[%get3A_46, %get3A_47] : memref<128x128xf32, #tpu.memory_space<vmem>>, vector<128x128xf32>
    %dot_general3A_49 = arith.constant dense<0.000000e+00> : vector<2000x128xf32>
    %dot_general3A_50 = tpu.matmul %max3A_45, %get3A_48, %dot_general3A_49 {dimension_numbers = #tpu.dot_dimension_numbers<[1], [0], [0], [1], [0, 0, 1, 1], [], []>, transpose_lhs_hint = false} : vector<2000x128xf32>, vector<128x128xf32>, vector<2000x128xf32> -> vector<2000x128xf32>
    %get3A_51 = arith.constant 0 : index
    %get3A_52 = arith.constant 0 : index
    %get3A_53 = vector.load %arg4[%get3A_51, %get3A_52] : memref<1x128xf32, #tpu.memory_space<vmem>>, vector<1x128xf32>
    %add3A_54 = vector.broadcast %get3A_53 : vector<1x128xf32> to vector<2000x128xf32>
    %add3A_55 = arith.addf %dot_general3A_50, %add3A_54 : vector<2000x128xf32>
    %reduce_sum3A = arith.constant dense<0.000000e+00> : vector<128xf32>
    %reduce_sum3A_56 = vector.multi_reduction <add>, %add3A_55, %reduce_sum3A [0] : vector<2000x128xf32> to vector<128xf32>
    %broadcast_in_dim3A = vector.shape_cast %reduce_sum3A_56 : vector<128xf32> to vector<1x128xf32>
    %eq3A_57 = arith.constant 0 : i32
    %eq3A_58 = arith.cmpi eq, %arg0, %eq3A_57 : i32
    %convert_element_type3A_59 = arith.extui %eq3A_58 : i1 to i32
    %cond3A = arith.constant 0 : i32
    %cond3A_60 = arith.cmpi ne, %convert_element_type3A_59, %cond3A : i32
    scf.if %cond3A_60 {
      %swap3A = arith.constant 0 : index
      %swap3A_65 = arith.constant 0 : index
      %swap3A_66 = vector.load %arg5[%swap3A, %swap3A_65] : memref<1x128xf32, #tpu.memory_space<vmem>>, vector<1x128xf32>
      tpu.vector_store %arg5[%swap3A, %swap3A_65], %broadcast_in_dim3A {strides = array<i32>} : memref<1x128xf32, #tpu.memory_space<vmem>>, vector<1x128xf32>,
    } else {
    }
    %gt3A = arith.constant 0 : i32
    %gt3A_61 = arith.cmpi sgt, %arg0, %gt3A : i32
    %convert_element_type3A_62 = arith.extui %gt3A_61 : i1 to i32
    %cond3A_63 = arith.constant 0 : i32
    %cond3A_64 = arith.cmpi ne, %convert_element_type3A_62, %cond3A_63 : i32
    scf.if %cond3A_64 {
      %get3A_65 = arith.constant 0 : index
      %get3A_66 = arith.constant 0 : index
      %get3A_67 = vector.load %arg5[%get3A_65, %get3A_66] : memref<1x128xf32, #tpu.memory_space<vmem>>, vector<1x128xf32>
      %add3A_68 = arith.addf %get3A_67, %broadcast_in_dim3A : vector<1x128xf32>
      %swap3A = arith.constant 0 : index
      %swap3A_69 = arith.constant 0 : index
      %swap3A_70 = vector.load %arg5[%swap3A, %swap3A_69] : memref<1x128xf32, #tpu.memory_space<vmem>>, vector<1x128xf32>
      tpu.vector_store %arg5[%swap3A, %swap3A_69], %add3A_68 {strides = array<i32>} : memref<1x128xf32, #tpu.memory_space<vmem>>, vector<1x128xf32>,
    } else {
    }
    return
  }
  func.func @transform_0(%arg0: i32) -> (i32, i32, i32) {
    %c0_i32 = arith.constant 0 : i32
    %c0_i32_0 = arith.constant 0 : i32
    %c0_i32_1 = arith.constant 0 : i32
    return %c0_i32, %arg0, %c0_i32_0 : i32, i32, i32
  }
  func.func @transform_1(%arg0: i32) -> (i32, i32) {
    %c0_i32 = arith.constant 0 : i32
    %c0_i32_0 = arith.constant 0 : i32
    return %arg0, %c0_i32 : i32, i32
  }
  func.func @transform_2(%arg0: i32) -> (i32, i32) {
    %c0_i32 = arith.constant 0 : i32
    %c0_i32_0 = arith.constant 0 : i32
    %c0_i32_1 = arith.constant 0 : i32
    return %c0_i32, %c0_i32_0 : i32, i32
  }
  func.func @transform_3(%arg0: i32) -> (i32, i32) {
    %c0_i32 = arith.constant 0 : i32
    %c0_i32_0 = arith.constant 0 : i32
    %c0_i32_1 = arith.constant 0 : i32
    return %c0_i32, %c0_i32_0 : i32, i32
  }
  func.func @transform_4(%arg0: i32) -> (i32, i32) {
    %c0_i32 = arith.constant 0 : i32
    %c0_i32_0 = arith.constant 0 : i32
    %c0_i32_1 = arith.constant 0 : i32
    return %c0_i32, %c0_i32_0 : i32, i32
  }
}

module attributes {stable_mosaic.version = 14 : i64} {
  func.func @_head_body(%arg0: i32, %arg1: memref<1x128xf32, #tpu.memory_space<vmem>>, %arg2: memref<1x128xf32, #tpu.memory_space<vmem>>, %arg3: memref<128x64xf32, #tpu.memory_space<vmem>>, %arg4: memref<1x64xf32, #tpu.memory_space<vmem>>, %arg5: memref<1x64xf32, #tpu.memory_space<vmem>>, %arg6: memref<1x1xf32, #tpu.memory_space<vmem>>, %arg7: memref<128x384xf32, #tpu.memory_space<vmem>>, %arg8: memref<128x384xf32, #tpu.memory_space<vmem>>, %arg9: memref<1x384xf32, #tpu.memory_space<vmem>>, %arg10: memref<1x384xf32, #tpu.memory_space<vmem>>, %arg11: memref<1x128xf32, #tpu.memory_space<vmem>>, %arg12: memref<1x128xf32, #tpu.memory_space<vmem>>, %arg13: memref<1x1xf32, #tpu.memory_space<vmem>>) attributes {dimension_semantics = [#tpu.dimension_semantics<arbitrary>], iteration_bounds = array<i64: 1>, scalar_prefetch = 0 : i64, scratch_operands = 0 : i64, tpu.core_type = #tpu.core_type<tc>, window_params = [{pipeline_mode = #tpu.pipeline_mode<synchronous>, transform_indices = @transform_0, window_bounds = array<i64: 1, 128>}, {pipeline_mode = #tpu.pipeline_mode<synchronous>, transform_indices = @transform_1, window_bounds = array<i64: 1, 128>}, {pipeline_mode = #tpu.pipeline_mode<synchronous>, transform_indices = @transform_2, window_bounds = array<i64: 128, 64>}, {pipeline_mode = #tpu.pipeline_mode<synchronous>, transform_indices = @transform_3, window_bounds = array<i64: 1, 64>}, {pipeline_mode = #tpu.pipeline_mode<synchronous>, transform_indices = @transform_4, window_bounds = array<i64: 1, 64>}, {pipeline_mode = #tpu.pipeline_mode<synchronous>, transform_indices = @transform_5, window_bounds = array<i64: 1, 1>}, {pipeline_mode = #tpu.pipeline_mode<synchronous>, transform_indices = @transform_6, window_bounds = array<i64: 128, 384>}, {pipeline_mode = #tpu.pipeline_mode<synchronous>, transform_indices = @transform_7, window_bounds = array<i64: 128, 384>}, {pipeline_mode = #tpu.pipeline_mode<synchronous>, transform_indices = @transform_8, window_bounds = array<i64: 1, 384>}, {pipeline_mode = #tpu.pipeline_mode<synchronous>, transform_indices = @transform_9, window_bounds = array<i64: 1, 384>}, {pipeline_mode = #tpu.pipeline_mode<synchronous>, transform_indices = @transform_10, window_bounds = array<i64: 1, 128>}, {pipeline_mode = #tpu.pipeline_mode<synchronous>, transform_indices = @transform_11, window_bounds = array<i64: 1, 128>}, {pipeline_mode = #tpu.pipeline_mode<synchronous>, transform_indices = @transform_12, window_bounds = array<i64: 1, 1>}]} {
    %get3A = arith.constant 0 : index
    %get3A_0 = arith.constant 0 : index
    %get3A_1 = vector.load %arg1[%get3A, %get3A_0] : memref<1x128xf32, #tpu.memory_space<vmem>>, vector<1x128xf32>
    %mul3A = arith.constant 9.99999974E-5 : f32
    %mul3A_2 = vector.broadcast %mul3A : f32 to vector<1x128xf32>
    %mul3A_3 = arith.mulf %get3A_1, %mul3A_2 : vector<1x128xf32>
    %get3A_4 = arith.constant 0 : index
    %get3A_5 = arith.constant 0 : index
    %get3A_6 = vector.load %arg2[%get3A_4, %get3A_5] : memref<1x128xf32, #tpu.memory_space<vmem>>, vector<1x128xf32>
    %sub3A = arith.subf %mul3A_3, %get3A_6 : vector<1x128xf32>
    %get3A_7 = arith.constant 0 : index
    %get3A_8 = arith.constant 0 : index
    %get3A_9 = vector.load %arg3[%get3A_7, %get3A_8] : memref<128x64xf32, #tpu.memory_space<vmem>>, vector<128x64xf32>
    %dot_general3A = arith.constant dense<0.000000e+00> : vector<1x64xf32>
    %dot_general3A_10 = tpu.matmul %sub3A, %get3A_9, %dot_general3A {dimension_numbers = #tpu.dot_dimension_numbers<[1], [0], [0], [1], [0, 0, 1, 1], [], []>, transpose_lhs_hint = false} : vector<1x128xf32>, vector<128x64xf32>, vector<1x64xf32> -> vector<1x64xf32>
    %get3A_11 = arith.constant 0 : index
    %get3A_12 = arith.constant 0 : index
    %get3A_13 = vector.load %arg4[%get3A_11, %get3A_12] : memref<1x64xf32, #tpu.memory_space<vmem>>, vector<1x64xf32>
    %add3A = arith.addf %dot_general3A_10, %get3A_13 : vector<1x64xf32>
    %tanh3A = math.tanh %add3A : vector<1x64xf32>
    %get3A_14 = arith.constant 0 : index
    %get3A_15 = arith.constant 0 : index
    %get3A_16 = vector.load %arg5[%get3A_14, %get3A_15] : memref<1x64xf32, #tpu.memory_space<vmem>>, vector<1x64xf32>
    %mul3A_17 = arith.mulf %tanh3A, %get3A_16 : vector<1x64xf32>
    %reduce_sum3A = arith.constant dense<0.000000e+00> : vector<1xf32>
    %reduce_sum3A_18 = vector.multi_reduction <add>, %mul3A_17, %reduce_sum3A [1] : vector<1x64xf32> to vector<1xf32>
    %broadcast_in_dim3A = vector.shape_cast %reduce_sum3A_18 : vector<1xf32> to vector<1x1xf32>
    %get3A_19 = arith.constant 0 : index
    %get3A_20 = arith.constant 0 : index
    %get3A_21 = vector.load %arg6[%get3A_19, %get3A_20] : memref<1x1xf32, #tpu.memory_space<vmem>>, vector<1x1xf32>
    %add3A_22 = arith.addf %broadcast_in_dim3A, %get3A_21 : vector<1x1xf32>
    %logistic3A = arith.negf %add3A_22 : vector<1x1xf32>
    %logistic3A_23 = math.exp %logistic3A : vector<1x1xf32>
    %logistic3A_24 = arith.constant 1.000000e+00 : f32
    %logistic3A_25 = vector.broadcast %logistic3A_24 : f32 to vector<1x1xf32>
    %logistic3A_26 = arith.addf %logistic3A_25, %logistic3A_23 : vector<1x1xf32>
    %logistic3A_27 = arith.divf %logistic3A_25, %logistic3A_26 : vector<1x1xf32>
    %swap3A = arith.constant 0 : index
    %swap3A_28 = arith.constant 0 : index
    %swap3A_29 = vector.load %arg13[%swap3A, %swap3A_28] : memref<1x1xf32, #tpu.memory_space<vmem>>, vector<1x1xf32>
    tpu.vector_store %arg13[%swap3A, %swap3A_28], %logistic3A_27 {strides = array<i32>} : memref<1x1xf32, #tpu.memory_space<vmem>>, vector<1x1xf32>,
    %broadcast_in_dim3A_30 = arith.constant 0.000000e+00 : f32
    %broadcast_in_dim3A_31 = vector.broadcast %broadcast_in_dim3A_30 : f32 to vector<1x128xf32>
    %get3A_32 = arith.constant 0 : index
    %get3A_33 = arith.constant 0 : index
    %get3A_34 = vector.load %arg7[%get3A_32, %get3A_33] : memref<128x384xf32, #tpu.memory_space<vmem>>, vector<128x384xf32>
    %dot_general3A_35 = arith.constant dense<0.000000e+00> : vector<1x384xf32>
    %dot_general3A_36 = tpu.matmul %get3A_6, %get3A_34, %dot_general3A_35 {dimension_numbers = #tpu.dot_dimension_numbers<[1], [0], [0], [1], [0, 0, 1, 1], [], []>, transpose_lhs_hint = false} : vector<1x128xf32>, vector<128x384xf32>, vector<1x384xf32> -> vector<1x384xf32>
    %get3A_37 = arith.constant 0 : index
    %get3A_38 = arith.constant 0 : index
    %get3A_39 = vector.load %arg9[%get3A_37, %get3A_38] : memref<1x384xf32, #tpu.memory_space<vmem>>, vector<1x384xf32>
    %add3A_40 = arith.addf %dot_general3A_36, %get3A_39 : vector<1x384xf32>
    %get3A_41 = arith.constant 0 : index
    %get3A_42 = arith.constant 0 : index
    %get3A_43 = vector.load %arg8[%get3A_41, %get3A_42] : memref<128x384xf32, #tpu.memory_space<vmem>>, vector<128x384xf32>
    %dot_general3A_44 = arith.constant dense<0.000000e+00> : vector<1x384xf32>
    %dot_general3A_45 = tpu.matmul %broadcast_in_dim3A_31, %get3A_43, %dot_general3A_44 {dimension_numbers = #tpu.dot_dimension_numbers<[1], [0], [0], [1], [0, 0, 1, 1], [], []>, transpose_lhs_hint = false} : vector<1x128xf32>, vector<128x384xf32>, vector<1x384xf32> -> vector<1x384xf32>
    %get3A_46 = arith.constant 0 : index
    %get3A_47 = arith.constant 0 : index
    %get3A_48 = vector.load %arg10[%get3A_46, %get3A_47] : memref<1x384xf32, #tpu.memory_space<vmem>>, vector<1x384xf32>
    %add3A_49 = arith.addf %dot_general3A_45, %get3A_48 : vector<1x384xf32>
    %slice3A = vector.extract_strided_slice %add3A_40 {offsets = [0, 0], sizes = [1, 128], strides = [1, 1]} : vector<1x384xf32> to vector<1x128xf32>
    %slice3A_50 = vector.extract_strided_slice %add3A_49 {offsets = [0, 0], sizes = [1, 128], strides = [1, 1]} : vector<1x384xf32> to vector<1x128xf32>
    %add3A_51 = arith.addf %slice3A, %slice3A_50 : vector<1x128xf32>
    %logistic3A_52 = arith.negf %add3A_51 : vector<1x128xf32>
    %logistic3A_53 = math.exp %logistic3A_52 : vector<1x128xf32>
    %logistic3A_54 = arith.constant 1.000000e+00 : f32
    %logistic3A_55 = vector.broadcast %logistic3A_54 : f32 to vector<1x128xf32>
    %logistic3A_56 = arith.addf %logistic3A_55, %logistic3A_53 : vector<1x128xf32>
    %logistic3A_57 = arith.divf %logistic3A_55, %logistic3A_56 : vector<1x128xf32>
    %slice3A_58 = vector.extract_strided_slice %add3A_40 {offsets = [0, 128], sizes = [1, 128], strides = [1, 1]} : vector<1x384xf32> to vector<1x128xf32>
    %slice3A_59 = vector.extract_strided_slice %add3A_49 {offsets = [0, 128], sizes = [1, 128], strides = [1, 1]} : vector<1x384xf32> to vector<1x128xf32>
    %add3A_60 = arith.addf %slice3A_58, %slice3A_59 : vector<1x128xf32>
    %logistic3A_61 = arith.negf %add3A_60 : vector<1x128xf32>
    %logistic3A_62 = math.exp %logistic3A_61 : vector<1x128xf32>
    %logistic3A_63 = arith.constant 1.000000e+00 : f32
    %logistic3A_64 = vector.broadcast %logistic3A_63 : f32 to vector<1x128xf32>
    %logistic3A_65 = arith.addf %logistic3A_64, %logistic3A_62 : vector<1x128xf32>
    %logistic3A_66 = arith.divf %logistic3A_64, %logistic3A_65 : vector<1x128xf32>
    %slice3A_67 = vector.extract_strided_slice %add3A_40 {offsets = [0, 256], sizes = [1, 128], strides = [1, 1]} : vector<1x384xf32> to vector<1x128xf32>
    %slice3A_68 = vector.extract_strided_slice %add3A_49 {offsets = [0, 256], sizes = [1, 128], strides = [1, 1]} : vector<1x384xf32> to vector<1x128xf32>
    %mul3A_69 = arith.mulf %logistic3A_57, %slice3A_68 : vector<1x128xf32>
    %add3A_70 = arith.addf %slice3A_67, %mul3A_69 : vector<1x128xf32>
    %tanh3A_71 = math.tanh %add3A_70 : vector<1x128xf32>
    %sub3A_72 = arith.constant 1.000000e+00 : f32
    %sub3A_73 = vector.broadcast %sub3A_72 : f32 to vector<1x128xf32>
    %sub3A_74 = arith.subf %sub3A_73, %logistic3A_66 : vector<1x128xf32>
    %mul3A_75 = arith.mulf %sub3A_74, %tanh3A_71 : vector<1x128xf32>
    %mul3A_76 = arith.mulf %logistic3A_66, %broadcast_in_dim3A_31 : vector<1x128xf32>
    %add3A_77 = arith.addf %mul3A_75, %mul3A_76 : vector<1x128xf32>
    %get3A_78 = arith.constant 0 : index
    %get3A_79 = arith.constant 0 : index
    %get3A_80 = vector.load %arg7[%get3A_78, %get3A_79] : memref<128x384xf32, #tpu.memory_space<vmem>>, vector<128x384xf32>
    %dot_general3A_81 = arith.constant dense<0.000000e+00> : vector<1x384xf32>
    %dot_general3A_82 = tpu.matmul %mul3A_3, %get3A_80, %dot_general3A_81 {dimension_numbers = #tpu.dot_dimension_numbers<[1], [0], [0], [1], [0, 0, 1, 1], [], []>, transpose_lhs_hint = false} : vector<1x128xf32>, vector<128x384xf32>, vector<1x384xf32> -> vector<1x384xf32>
    %get3A_83 = arith.constant 0 : index
    %get3A_84 = arith.constant 0 : index
    %get3A_85 = vector.load %arg9[%get3A_83, %get3A_84] : memref<1x384xf32, #tpu.memory_space<vmem>>, vector<1x384xf32>
    %add3A_86 = arith.addf %dot_general3A_82, %get3A_85 : vector<1x384xf32>
    %get3A_87 = arith.constant 0 : index
    %get3A_88 = arith.constant 0 : index
    %get3A_89 = vector.load %arg8[%get3A_87, %get3A_88] : memref<128x384xf32, #tpu.memory_space<vmem>>, vector<128x384xf32>
    %dot_general3A_90 = arith.constant dense<0.000000e+00> : vector<1x384xf32>
    %dot_general3A_91 = tpu.matmul %add3A_77, %get3A_89, %dot_general3A_90 {dimension_numbers = #tpu.dot_dimension_numbers<[1], [0], [0], [1], [0, 0, 1, 1], [], []>, transpose_lhs_hint = false} : vector<1x128xf32>, vector<128x384xf32>, vector<1x384xf32> -> vector<1x384xf32>
    %get3A_92 = arith.constant 0 : index
    %get3A_93 = arith.constant 0 : index
    %get3A_94 = vector.load %arg10[%get3A_92, %get3A_93] : memref<1x384xf32, #tpu.memory_space<vmem>>, vector<1x384xf32>
    %add3A_95 = arith.addf %dot_general3A_91, %get3A_94 : vector<1x384xf32>
    %slice3A_96 = vector.extract_strided_slice %add3A_86 {offsets = [0, 0], sizes = [1, 128], strides = [1, 1]} : vector<1x384xf32> to vector<1x128xf32>
    %slice3A_97 = vector.extract_strided_slice %add3A_95 {offsets = [0, 0], sizes = [1, 128], strides = [1, 1]} : vector<1x384xf32> to vector<1x128xf32>
    %add3A_98 = arith.addf %slice3A_96, %slice3A_97 : vector<1x128xf32>
    %logistic3A_99 = arith.negf %add3A_98 : vector<1x128xf32>
    %logistic3A_100 = math.exp %logistic3A_99 : vector<1x128xf32>
    %logistic3A_101 = arith.constant 1.000000e+00 : f32
    %logistic3A_102 = vector.broadcast %logistic3A_101 : f32 to vector<1x128xf32>
    %logistic3A_103 = arith.addf %logistic3A_102, %logistic3A_100 : vector<1x128xf32>
    %logistic3A_104 = arith.divf %logistic3A_102, %logistic3A_103 : vector<1x128xf32>
    %slice3A_105 = vector.extract_strided_slice %add3A_86 {offsets = [0, 128], sizes = [1, 128], strides = [1, 1]} : vector<1x384xf32> to vector<1x128xf32>
    %slice3A_106 = vector.extract_strided_slice %add3A_95 {offsets = [0, 128], sizes = [1, 128], strides = [1, 1]} : vector<1x384xf32> to vector<1x128xf32>
    %add3A_107 = arith.addf %slice3A_105, %slice3A_106 : vector<1x128xf32>
    %logistic3A_108 = arith.negf %add3A_107 : vector<1x128xf32>
    %logistic3A_109 = math.exp %logistic3A_108 : vector<1x128xf32>
    %logistic3A_110 = arith.constant 1.000000e+00 : f32
    %logistic3A_111 = vector.broadcast %logistic3A_110 : f32 to vector<1x128xf32>
    %logistic3A_112 = arith.addf %logistic3A_111, %logistic3A_109 : vector<1x128xf32>
    %logistic3A_113 = arith.divf %logistic3A_111, %logistic3A_112 : vector<1x128xf32>
    %slice3A_114 = vector.extract_strided_slice %add3A_86 {offsets = [0, 256], sizes = [1, 128], strides = [1, 1]} : vector<1x384xf32> to vector<1x128xf32>
    %slice3A_115 = vector.extract_strided_slice %add3A_95 {offsets = [0, 256], sizes = [1, 128], strides = [1, 1]} : vector<1x384xf32> to vector<1x128xf32>
    %mul3A_116 = arith.mulf %logistic3A_104, %slice3A_115 : vector<1x128xf32>
    %add3A_117 = arith.addf %slice3A_114, %mul3A_116 : vector<1x128xf32>
    %tanh3A_118 = math.tanh %add3A_117 : vector<1x128xf32>
    %sub3A_119 = arith.constant 1.000000e+00 : f32
    %sub3A_120 = vector.broadcast %sub3A_119 : f32 to vector<1x128xf32>
    %sub3A_121 = arith.subf %sub3A_120, %logistic3A_113 : vector<1x128xf32>
    %mul3A_122 = arith.mulf %sub3A_121, %tanh3A_118 : vector<1x128xf32>
    %mul3A_123 = arith.mulf %logistic3A_113, %add3A_77 : vector<1x128xf32>
    %add3A_124 = arith.addf %mul3A_122, %mul3A_123 : vector<1x128xf32>
    %swap3A_125 = arith.constant 0 : index
    %swap3A_126 = arith.constant 0 : index
    %swap3A_127 = vector.load %arg11[%swap3A_125, %swap3A_126] : memref<1x128xf32, #tpu.memory_space<vmem>>, vector<1x128xf32>
    tpu.vector_store %arg11[%swap3A_125, %swap3A_126], %mul3A_3 {strides = array<i32>} : memref<1x128xf32, #tpu.memory_space<vmem>>, vector<1x128xf32>,
    %swap3A_128 = arith.constant 0 : index
    %swap3A_129 = arith.constant 0 : index
    %swap3A_130 = vector.load %arg12[%swap3A_128, %swap3A_129] : memref<1x128xf32, #tpu.memory_space<vmem>>, vector<1x128xf32>
    tpu.vector_store %arg12[%swap3A_128, %swap3A_129], %add3A_124 {strides = array<i32>} : memref<1x128xf32, #tpu.memory_space<vmem>>, vector<1x128xf32>,
    return
  }
  func.func @transform_0(%arg0: i32) -> (i32, i32) {
    %c0_i32 = arith.constant 0 : i32
    %c0_i32_0 = arith.constant 0 : i32
    %c0_i32_1 = arith.constant 0 : i32
    return %c0_i32, %c0_i32_0 : i32, i32
  }
  func.func @transform_1(%arg0: i32) -> (i32, i32) {
    %c0_i32 = arith.constant 0 : i32
    %c0_i32_0 = arith.constant 0 : i32
    %c0_i32_1 = arith.constant 0 : i32
    return %c0_i32, %c0_i32_0 : i32, i32
  }
  func.func @transform_2(%arg0: i32) -> (i32, i32) {
    %c0_i32 = arith.constant 0 : i32
    %c0_i32_0 = arith.constant 0 : i32
    %c0_i32_1 = arith.constant 0 : i32
    return %c0_i32, %c0_i32_0 : i32, i32
  }
  func.func @transform_3(%arg0: i32) -> (i32, i32) {
    %c0_i32 = arith.constant 0 : i32
    %c0_i32_0 = arith.constant 0 : i32
    %c0_i32_1 = arith.constant 0 : i32
    return %c0_i32, %c0_i32_0 : i32, i32
  }
  func.func @transform_4(%arg0: i32) -> (i32, i32) {
    %c0_i32 = arith.constant 0 : i32
    %c0_i32_0 = arith.constant 0 : i32
    %c0_i32_1 = arith.constant 0 : i32
    return %c0_i32, %c0_i32_0 : i32, i32
  }
  func.func @transform_5(%arg0: i32) -> (i32, i32) {
    %c0_i32 = arith.constant 0 : i32
    %c0_i32_0 = arith.constant 0 : i32
    %c0_i32_1 = arith.constant 0 : i32
    return %c0_i32, %c0_i32_0 : i32, i32
  }
  func.func @transform_6(%arg0: i32) -> (i32, i32) {
    %c0_i32 = arith.constant 0 : i32
    %c0_i32_0 = arith.constant 0 : i32
    %c0_i32_1 = arith.constant 0 : i32
    return %c0_i32, %c0_i32_0 : i32, i32
  }
  func.func @transform_7(%arg0: i32) -> (i32, i32) {
    %c0_i32 = arith.constant 0 : i32
    %c0_i32_0 = arith.constant 0 : i32
    %c0_i32_1 = arith.constant 0 : i32
    return %c0_i32, %c0_i32_0 : i32, i32
  }
  func.func @transform_8(%arg0: i32) -> (i32, i32) {
    %c0_i32 = arith.constant 0 : i32
    %c0_i32_0 = arith.constant 0 : i32
    %c0_i32_1 = arith.constant 0 : i32
    return %c0_i32, %c0_i32_0 : i32, i32
  }
  func.func @transform_9(%arg0: i32) -> (i32, i32) {
    %c0_i32 = arith.constant 0 : i32
    %c0_i32_0 = arith.constant 0 : i32
    %c0_i32_1 = arith.constant 0 : i32
    return %c0_i32, %c0_i32_0 : i32, i32
  }
  func.func @transform_10(%arg0: i32) -> (i32, i32) {
    %c0_i32 = arith.constant 0 : i32
    %c0_i32_0 = arith.constant 0 : i32
    %c0_i32_1 = arith.constant 0 : i32
    return %c0_i32, %c0_i32_0 : i32, i32
  }
  func.func @transform_11(%arg0: i32) -> (i32, i32) {
    %c0_i32 = arith.constant 0 : i32
    %c0_i32_0 = arith.constant 0 : i32
    %c0_i32_1 = arith.constant 0 : i32
    return %c0_i32, %c0_i32_0 : i32, i32
  }
  func.func @transform_12(%arg0: i32) -> (i32, i32) {
    %c0_i32 = arith.constant 0 : i32
    %c0_i32_0 = arith.constant 0 : i32
    %c0_i32_1 = arith.constant 0 : i32
    return %c0_i32, %c0_i32_0 : i32, i32
  }
}

</mosaic_0001>

<sc_bundles>
// kernel: kernel.10.cloned.1.call-start
scs
__scs_entry_jumppad:
0x0: {  	(pc) =	sbr.rel $0x88, $3  }
0x1: {  	(tag) =	ssettag $0x0;
	lr =	simm.s32 $0x1  }
0x2: {  	[smem:$0x3F86] =	sst lr;
	_ =	strace $0xD0000000  }
0x3: {  	_ = 	snop  }
0x4: {  	_ = 	snop  }
0x5: {  	_ = 	snop  }
0x6: {  	_ = 	snop  }
0x7: {  	_ = 	snop  }
__scs_overlays_trampoline_lowered:
0x8: {  	[smem:$0x3F95] =	sst s0  }
0x9: {  	[smem:$0x3F96] =	sst s1  }
0xa: {  	[smem:$0x3F97] =	sst s2  }
0xb: {  	[smem:$0x3F98] =	sst s3  }
0xc: {  	[smem:$0x3F99] =	sst s4  }
0xd: {  	[smem:$0x3F9A] =	sst s5  }
0xe: {  	[smem:$0x3F9B] =	sst s6  }
0xf: {  	[smem:$0x3F9C] =	sst s7  }
0x10: {  	[smem:$0x3F9D] =	sst s8  }
0x11: {  	[smem:$0x3F9E] =	sst s9;
	s0 =	simm.s32 @!p0 $0x0  }
0x12: {  	s1 =	sld [smem:$0x3F84];
	s0 =	simm.s32 @p0 $0x1  }
0x13: {  	[smem:$0x3F9F] =	sst s0;
	s0 =	simm.s32 @!p1 $0x0  }
0x14: {  	s2 =	sld [smem:$0x3F83];
	s0 =	simm.s32 @p1 $0x1  }
0x15: {  	[smem:$0x3FA0] =	sst s0;
	s0 =	simm.s32 @!p2 $0x0  }
0x16: {  	s3 =	sld [smem:$0x3FDB];
	s0 =	simm.s32 @p2 $0x1  }
0x17: {  	s4 =	simm.s32 $0x1BF5;
	[smem:$0x3FA2] =	sst s0  }
0x18: {  	s0 =	sld [smem:$0x3F85];
	_ =	swait.ge [sflag:s4], $0x0  }
0x19: {  	s7 =	sld [smem:$0x3F86]  }
0x1a: {  	s8 =	sadd.s32 $0xFFFFE003, lr  }
0x1b: {  	s9 =	sadd.s32 $0xFFFFFEF7, lr;
	s5 =	simm.s32 $0xFFFFFFFF;
	p2 =	slt.u32 s8, $0xFFFFF086  }
0x1c: {  	p1 =	slt.u32 s9, $0xF7A;
	s5 =	simm.s32 @!p2 $0x0  }
0x1d: {  	s5 =	simm.s32 @p1 $0x1;
	p0 =	seq.s32 s7, s2  }
0x1e: {  	s7 =	smul.u32 @!p0 $0xF7A, s2;
	p2 =	seq.s32 @!p0 s5, $0x0  }
0x1f: {  	s9 =	smul.u32 $0xF7A, s1;
	s8 =	simm.s32 @!p0 $0x1BF5;
	p2 =	por !p2, p0  }
0x20: {  	[sflag:s8] =	ssyncset.s32 @!p0 $0xFFFFF086;
	s6 =	sadd.s32 @!p0 s3, s7;
	s7 =	simm.s32 @!p0 $0x108  }
0x21: {  	s3 =	sadd.s32 s3, s9;
	s6 =	sadd.s32 @!p0 $0x88, s6;
	s7 =	simm.s32 @p2 $0x1082  }
0x22: {  	[simem:s7], [sflag:s8] =	dma.local @!p0 [hbm:s6], $0xF7A  }
0x23: {  	s9 =	sor.u32 $0xD0000000, s2;
	s6 =	simm.s32 $0x108;
	_ =	swait.ge @!p0 [sflag:s8], $0x0  }
0x24: {  	s3 =	sadd.s32 $0x88, s3;
	s6 =	simm.s32 @!p1 $0x1082;
	[sflag:s4] =	ssyncset.s32 $0xFFFFF086  }
0x25: {  	[simem:s6], [sflag:s4] =	dma.local [hbm:s3], $0xF7A  }
0x26: {  	[smem:$0x3F86] =	sst s1;
	(tag) =	ssettag s2;
	_ =	strace s9  }
0x27: {  	s1 =	sld [smem:$0x3F96]  }
0x28: {  	s2 =	sld [smem:$0x3F97]  }
0x29: {  	s4 =	sld [smem:$0x3F99]  }
0x2a: {  	p0 =	seq.s32 s5, $0x0;
	s5 =	sld [smem:$0x3F9A]  }
0x2b: {  	s6 =	sld [smem:$0x3F9B]  }
0x2c: {  	s7 =	sld [smem:$0x3F9C]  }
0x2d: {  	s3 =	simm.s32 $0x108;
	s8 =	sld [smem:$0x3F9D]  }
0x2e: {  	s3 =	simm.s32 @!p0 $0x1082;
	s9 =	sld [smem:$0x3F9E]  }
0x2f: {  	lr =	sadd.s32 s0, s3;
	s0 =	sld [smem:$0x3F95]  }
0x30: {  	s3 =	sld [smem:$0x3F98]  }
0x31: {  	[smem:$0x3FA1] =	sst s10  }
0x32: {  	s10 =	sld [smem:$0x3F9F];
	_ =	sdelay $0x3  }
0x33: {  	p0 =	seq.s32 s10, $0x1;
	s10 =	sld [smem:$0x3FA1];
	_ =	sdelay $0x3  }
0x34: {  	[smem:$0x3FA1] =	sst s10  }
0x35: {  	s10 =	sld [smem:$0x3FA0];
	_ =	sdelay $0x3  }
0x36: {  	p1 =	seq.s32 s10, $0x1;
	s10 =	sld [smem:$0x3FA1];
	_ =	sdelay $0x3  }
0x37: {  	[smem:$0x3FA1] =	sst s10  }
0x38: {  	s10 =	sld [smem:$0x3FA2]  }
0x39: {  	_ = 	snop;
	(pc) =	sbr.ind lr, $3  }
0x3a: {  	_ = 	snop  }
0x3b: {  	_ = 	snop  }
0x3c: {  	p2 =	seq.s32 s10, $0x1;
	s10 =	sld [smem:$0x3FA1]  }
0x3d: {  	_ =	shalt  }
0x3e: {  	_ =	shalt  }
0x3f: {  	_ =	shalt  }
0x40: {  	_ =	shalt  }
0x41: {  	_ =	shalt  }
0x42: {  	_ =	shalt  }
0x43: {  	_ =	shalt  }
0x44: {  	_ =	shalt  }
0x45: {  	_ =	shalt  }
0x46: {  	_ =	shalt  }
0x47: {  	_ =	shalt  }
0x48: {  	_ =	shalt  }
0x49: {  	_ =	shalt  }
0x4a: {  	_ =	shalt  }
0x4b: {  	_ =	shalt  }
0x4c: {  	_ =	shalt  }
0x4d: {  	_ =	shalt  }
0x4e: {  	_ =	shalt  }
0x4f: {  	_ =	shalt  }
0x50: {  	_ =	shalt  }
0x51: {  	_ =	shalt  }
0x52: {  	_ =	shalt  }
0x53: {  	_ =	shalt  }
0x54: {  	_ =	shalt  }
0x55: {  	_ =	shalt  }
0x56: {  	_ =	shalt  }
0x57: {  	_ =	shalt  }
0x58: {  	_ =	shalt  }
0x59: {  	_ =	shalt  }
0x5a: {  	_ =	shalt  }
0x5b: {  	_ =	shalt  }
0x5c: {  	_ =	shalt  }
0x5d: {  	_ =	shalt  }
0x5e: {  	_ =	shalt  }
0x5f: {  	_ =	shalt  }
0x60: {  	_ =	shalt  }
0x61: {  	_ =	shalt  }
0x62: {  	_ =	shalt  }
0x63: {  	_ =	shalt  }
0x64: {  	_ =	shalt  }
0x65: {  	_ =	shalt  }
0x66: {  	_ =	shalt  }
0x67: {  	_ =	shalt  }
0x68: {  	_ =	shalt  }
0x69: {  	_ =	shalt  }
0x6a: {  	_ =	shalt  }
0x6b: {  	_ =	shalt  }
0x6c: {  	_ =	shalt  }
0x6d: {  	_ =	shalt  }
0x6e: {  	_ =	shalt  }
0x6f: {  	_ =	shalt  }
0x70: {  	_ =	shalt  }
0x71: {  	_ =	shalt  }
0x72: {  	_ =	shalt  }
0x73: {  	_ =	shalt  }
0x74: {  	_ =	shalt  }
0x75: {  	_ =	shalt  }
0x76: {  	_ =	shalt  }
0x77: {  	_ =	shalt  }
0x78: {  	_ =	shalt  }
0x79: {  	_ =	shalt  }
0x7a: {  	_ =	shalt  }
0x7b: {  	_ =	shalt  }
0x7c: {  	_ =	shalt  }
0x7d: {  	_ =	shalt  }
0x7e: {  	_ =	shalt  }
0x7f: {  	_ =	shalt  }
0x80: {  	_ =	shalt  }
0x81: {  	_ =	shalt  }
0x82: {  	_ =	shalt  }
0x83: {  	_ =	shalt  }
0x84: {  	_ =	shalt  }
0x85: {  	_ =	shalt  }
0x86: {  	_ =	shalt  }
0x87: {  	_ =	shalt  }
.Lfunc_end0:
.L_simem_size_0:
called_computation_lowered:
.L_overlay_start_0:
0x88: {  	s2 =	sld [smem:$0x3FD9]  }
0x89: {  	s3 =	sld [smem:$0x3FFE];
	_ =	sdelay $0x1  }
0x8a: {  	s1 =	srdreg.scid  }
0x8b: {  	s0 =	sand.u32 $0x1, s1  }
0x8c: {  	s16 =	sshll.u32 s0, $0xA;
	s2 =	sadd.s32 s3, s2  }
0x8d: {  	s2 =	sadd.s32 s2, s16  }
0x8e: {  	[smem:$0x3FAD] =	sst s2  }
0x8f: {  	_ = 	snop  }
0x90: {  	(tm) =	ssettm $0x1  }
0x91: {  	s17 =	sld [smem:$0x3FFB];
	_ =	sdelay $0x3  }
0x92: {  	_ =	strace s17  }
0x93: {  	s2 =	sld [smem:$0x3FFC];
	_ =	sdelay $0x3  }
0x94: {  	_ =	strace s2  }
0x95: {  	s2 =	sld [smem:$0x3FFD];
	_ =	sdelay $0x3  }
0x96: {  	_ =	strace s2  }
0x97: {  	_ =	strace $0x8FFFFFFF  }
0x98: {  	s18 =	sld [smem:$0x3FDB];
	_ =	sdelay $0x1  }
0x99: {  	s19 =	simm.s32 $_scs_section_size  }
0x9a: {  	s4 =	simm.s32 $_size__tile_overlayer_lowered;
	s5 =	simm.s32 $_tile_overlayer_lowered  }
0x9b: {  	s22 =	simm.s32 $0x1BFF;
	s21 =	sshll.u32 s5, $0x1;
	s2 =	sadd.s32 s19, s18  }
0x9c: {  	s6 =	simm.s32 $0x0;
	s20 =	sshll.u32 s4, $0x1;
	s4 =	sadd.s32 s21, s2  }
0x9d: {  	[timem:s6], [sflag:s22] =	dma.local [hbm:s4], s20  }
0x9e: {  	_ =	swait.ge [sflag:s22], s20  }
0x9f: {  	s3 =	ssub.s32 $0x0, s20;
	[sflag:s22] =	ssyncset.done $0x0  }
0xa0: {  	[sflag:s22] =	ssyncadd.s32 s3;
	_ =	sdelay $0x1  }
0xa1: {  	s23 =	simm.s32 $0x1B8B  }
0xa2: {  	_ =	swait.ge [sflag:s23], $0x1  }
0xa3: {  	[sflag:s23] =	ssyncset.done $0x0  }
0xa4: {  	s25 =	simm.s32 $0x1B8E;
	s24 =	sld [smem:$0x3FFE];
	[sflag:s23] =	ssyncadd.s32 $0xFFFFFFFF  }
0xa5: {  	s26 =	simm.s32 $execute0_lowered;
	[smem:$0x3FD2] =	sst s25  }
0xa6: {  	s4 =	sshll.u32 s26, $0x1;
	_ =	strace $0x80000046;
	[dreg:$0x1] =	wrdreg $0xFFFFFFFF  }
0xa7: {  	s28 =	simm.s32 $_size_execute0_lowered;
	s2 =	sadd.s32 s2, s4;
	[dreg:$0x0] =	wrdreg $0x0  }
0xa8: {  	s4 =	sshll.u32 s28, $0x1;
	[dreg:$0x2] =	wrdreg s2  }
0xa9: {  	[dreg:$0x3] =	wrdreg s4  }
0xaa: {  	[dreg:$0x4] =	wrdreg $0xC0  }
0xab: {  	_ =	task [dreg:s6], $0x5FFFF  }
0xac: {  	[dreg:$0x1] =	wrdreg $0xFFFFFFFF  }
0xad: {  	[dreg:$0x0] =	wrdreg $0x60  }
0xae: {  	[dreg:$0x2] =	wrdreg s24  }
0xaf: {  	[dreg:$0x3] =	wrdreg $0x0  }
0xb0: {  	[dreg:$0x4] =	wrdreg $0x9  }
0xb1: {  	_ =	task.clear_ibuf [dreg:s6], $0x5FFFF;
	_ =	strace $0x90000046  }
0xb2: {  	s29 =	simm.s32 $0x9;
	_ =	strace $0x80000048  }
0xb3: {  	_ =	swait.ge [sflag:s29], $0x1  }
0xb4: {  	[sflag:s29] =	ssyncadd.s32 $0xFFFFFFFF  }
0xb5: {  	_ =	strace $0x90000048  }
0xb6: {  	_ =	sfence  }
0xb7: {  	s30 =	sld [smem:$0x0];
	_ =	sdelay $0x2  }
0xb8: {  	s31 =	sshll.u32 s1, $0xD;
	s1 =	sshrl.u32 s1, $0x2  }
0xb9: {  	s3 =	sand.u32 $0x4000, s31;
	s1 =	sadd.s32 s1, s30  }
0xba: {  	s0 =	sor.u32 s3, s0;
	s1 =	sshll.u32 s1, $0x11  }
0xbb: {  	s0 =	sor.u32 s1, s0  }
0xbc: {  	s0 =	sadd.s32 $0x8F2B, s0  }
0xbd: {  	[sflag:s0] =	ssyncadd.remote.s32 $0x1  }
0xbe: {  	_ =	sfence.sel $0xFFFF  }
0xbf: {  	[dreg:$0x0] =	wrdreg $0xFFFFFFFF;
	(pc) =	sbr.abs _section_cstart, $3  }
0xc0: {  	[dreg:$0x1] =	wrdreg $0xFFFFFFFF  }
0xc1: {  	_ =	task.clear_ibuf [dreg:s6], $0x2FFFF;
	_ =	strace $0x9FFFFFFF  }
0xc2: {  	(tm) =	ssettm $0x7FFFFFFF  }
0xc3: {  	_ =	shalt  }
tec
execute0_lowered:
.L_overlay_start_1:
0x0: {  	(tag) =	ssettag $0x1  }
0x1: {  	s0 =	rddreg [dreg:$0x0]  }
0x2: {  	s1 =	rddreg [dreg:$0x1];
	s2 =	simm.s32 $0x0;
	s3 =	srdreg.scid  }
0x3: {  	s10 =	stileid.u32;
	s21 =	simm.s32 $0x16800;
	s22 =	simm.s32 $0x3  }
0x4: {  	s23 =	simm.s32 $0x1B800;
	s28 =	simm.s32 $0x1B000;
	s29 =	simm.s32 $0x2  }
0x5: {  	s30 =	simm.s32 $0x1;
	s31 =	simm.s32 $0x0;
	[smem:$0x7FF] =	sst s2  }
0x6: {  	s4 =	sadd.s32 $0x65C00, s0;
	s5 =	sadd.s32 $0x17A00, s0;
	s6 =	sand.u32 $0x1, s3  }
0x7: {  	s7 =	sadd.s32 $0xDC00, s0;
	s8 =	sadd.s32 $0x3E00, s0;
	s14 =	smul.u32 $0x16800, s10  }
0x8: {  	s0 =	sadd.s32 $0x91C00, s0;
	_ =	strace $0x80000047;
	s3 =	ssub.s32 $0x2, s6  }
0x9: {  	s16 =	smul.u32 $0x168000, s6;
	s9 =	sshrl.u32 s3, $0x1;
	s15 =	sadd.s32 $0x4800, s14  }
0xa: {  	s17 =	sadd.s32 $0x9000, s14;
	s18 =	sadd.s32 $0xD800, s14;
	s20 =	sadd.s32 $0x12000, s14  }
0xb: {  	s3 =	ssub.s32 s3, s9;
	s9 =	sshll.u32 s10, $0x1;
	s10 =	sadd.s32 s14, s1  }
0xc: {  	s11 =	sadd.s32 s15, s1;
	s12 =	sadd.s32 s17, s1;
	s13 =	sadd.s32 s18, s1  }
0xd: {  	s19 =	sadd.s32 s14, s16;
	s15 =	sadd.s32 s16, s15;
	s14 =	sadd.s32 s20, s1  }
0xe: {  	s24 =	sadd.s32 s16, s17;
	s25 =	sadd.s32 s16, s18;
	s16 =	sadd.s32 s16, s20  }
0xf: {  	s19 =	sshrl.u32 s19, $0x3;
	s15 =	sshrl.u32 s15, $0x3;
	s17 =	sshrl.u32 s25, $0x3  }
.Ltmp0:
0x10: {  	s26 =	sshrl.u32 s16, $0x3;
	s20 =	smax.u32 s3, $0x1;
	(pc) =	sbr.rel .LBB2_1-.Ltmp0, $4  }
0x11: {  	s25 =	simm.s32 $0x1B880;
	s19 =	sadd.s32 s0, s19;
	s15 =	sadd.s32 s0, s15  }
0x12: {  	v0 =	vimm.f32 $0.0e+00;
	v1 =	vimm.s32 $0x0;
	v2 =	vimm.s32 $0x1;
	s18 =	sadd.s32 s0, s17;
	[dreg:$0x4] =	wrdreg s15;
	s15 =	sshrl.u32 s24, $0x3  }
0x13: {  	v3 =	vimm.s32 $0x2;
	v4 =	vimm.s32 $0x3;
	v5 =	vimm.s32 $0x4;
	[dreg:$0x3] =	wrdreg s19;
	s19 =	sadd.s32 s0, s26;
	s15 =	sadd.s32 s0, s15  }
0x14: {  	v6 =	vimm.s32 $0x5;
	v7 =	vimm.s32 $0x6;
	v8 =	vimm.s32 $0x7;
	s24 =	simm.s32 $0x4;
	s26 =	simm.s32 $0x80;
	[dreg:$0x5] =	wrdreg s15  }
.LBB2_9:
0x15: {  	[bflag:$0x0] =	sbarrier.arrive $0xFFFF  }
0x16: {  	[tilespmem:s21], [sflag:$0x3] =	stream.linear.gather [spmem:s10], $0x4800, $0x38;
	[tilespmem:$0x1B900] =	vst v63  }
0x17: {  	_ =	swait.ge [sflag:s22], $0x4800  }
0x18: {  	[sflag:s22] =	ssyncset.done $0x0  }
0x19: {  	s0 =	rddreg [dreg:$0x3];
	[sflag:s22] =	ssyncadd.s32 $0xFFFFB800  }
0x1a: {  	[hbm4b:s0+s2] =	stream.linear.scatter [tilespmem:s21], [sflag:$0x3], $0x4800, $0x38;
	[tilespmem:$0x1B900] =	vst v63  }
0x1b: {  	_ =	swait.ge [sflag:s22], $0x4800  }
0x1c: {  	[sflag:s22] =	ssyncset.done $0x0  }
0x1d: {  	[sflag:s22] =	ssyncadd.s32 $0xFFFFB800  }
0x1e: {  	[tilespmem:s21], [sflag:$0x3] =	stream.linear.gather [spmem:s11], $0x4800, $0x38;
	[tilespmem:$0x1B900] =	vst v63  }
0x1f: {  	_ =	swait.ge [sflag:s22], $0x4800  }
0x20: {  	[sflag:s22] =	ssyncset.done $0x0  }
0x21: {  	s16 =	rddreg [dreg:$0x4];
	[sflag:s22] =	ssyncadd.s32 $0xFFFFB800  }
0x22: {  	[hbm4b:s16+s2] =	stream.linear.scatter [tilespmem:s21], [sflag:$0x3], $0x4800, $0x38;
	[tilespmem:$0x1B900] =	vst v63  }
0x23: {  	_ =	swait.ge [sflag:s22], $0x4800  }
0x24: {  	[sflag:s22] =	ssyncset.done $0x0  }
0x25: {  	[sflag:s22] =	ssyncadd.s32 $0xFFFFB800  }
0x26: {  	[tilespmem:s21], [sflag:$0x3] =	stream.linear.gather [spmem:s12], $0x4800, $0x38;
	[tilespmem:$0x1B900] =	vst v63  }
0x27: {  	_ =	swait.ge [sflag:s22], $0x4800  }
0x28: {  	[sflag:s22] =	ssyncset.done $0x0  }
0x29: {  	s17 =	rddreg [dreg:$0x5];
	[sflag:s22] =	ssyncadd.s32 $0xFFFFB800  }
0x2a: {  	[hbm4b:s17+s2] =	stream.linear.scatter [tilespmem:s21], [sflag:$0x3], $0x4800, $0x38;
	[tilespmem:$0x1B900] =	vst v63  }
0x2b: {  	_ =	swait.ge [sflag:s22], $0x4800  }
0x2c: {  	[sflag:s22] =	ssyncset.done $0x0  }
0x2d: {  	[sflag:s22] =	ssyncadd.s32 $0xFFFFB800  }
0x2e: {  	[tilespmem:s21], [sflag:$0x3] =	stream.linear.gather [spmem:s13], $0x4800, $0x38;
	[tilespmem:$0x1B900] =	vst v63  }
0x2f: {  	_ =	swait.ge [sflag:s22], $0x4800  }
0x30: {  	[sflag:s22] =	ssyncset.done $0x0  }
0x31: {  	[sflag:s22] =	ssyncadd.s32 $0xFFFFB800  }
0x32: {  	[hbm4b:s18+s2] =	stream.linear.scatter [tilespmem:s21], [sflag:$0x3], $0x4800, $0x38;
	[tilespmem:$0x1B900] =	vst v63  }
0x33: {  	_ =	swait.ge [sflag:s22], $0x4800  }
0x34: {  	[sflag:s22] =	ssyncset.done $0x0  }
0x35: {  	[sflag:s22] =	ssyncadd.s32 $0xFFFFB800  }
0x36: {  	[tilespmem:s21], [sflag:$0x3] =	stream.linear.gather [spmem:s14], $0x4800, $0x38;
	[tilespmem:$0x1B900] =	vst v63  }
0x37: {  	s31 =	sadd.s32 $0x1, s31;
	_ =	swait.ge [sflag:s22], $0x4800  }
0x38: {  	p0 =	sne.s32 s31, s20;
	[sflag:s22] =	ssyncset.done $0x0  }
.Ltmp1:
0x39: {  	[sflag:s22] =	ssyncadd.s32 $0xFFFFB800;
	(pc) =	sbr.rel @!p0 .LBB2_10-.Ltmp1, $4  }
0x3a: {  	[hbm4b:s19+s2] =	stream.linear.scatter [tilespmem:s21], [sflag:$0x3], $0x4800, $0x38;
	[tilespmem:$0x1B900] =	vst v63  }
0x3b: {  	_ =	swait.ge [sflag:s22], $0x4800  }
0x3c: {  	[sflag:s22] =	ssyncset.done $0x0  }
0x3d: {  	[sflag:s22] =	ssyncadd.s32 $0xFFFFB800  }
.LBB2_1:
0x3e: {  	s0 =	simm.s32 $0x0;
	s3 =	simm.s32 $0x240  }
.LBB2_2:
0x3f: {  	p0 =	sne.s32 s3, $0x11DC0;
	[tilespmem:s0+$0x16880] =	vst v0  }
0x40: {  	[tilespmem:s0+$0x16800] =	vst v0  }
0x41: {  	[tilespmem:s0+$0x16810] =	vst v0  }
0x42: {  	[tilespmem:s0+$0x16820] =	vst v0  }
.Ltmp2:
0x43: {  	[tilespmem:s0+$0x16830] =	vst v0;
	(pc) =	sbr.rel @p0 .LBB2_2-.Ltmp2, $4  }
0x44: {  	[tilespmem:s0+$0x16840] =	vst v0  }
0x45: {  	[tilespmem:s0+$0x16850] =	vst v0  }
0x46: {  	[tilespmem:s0+$0x16860] =	vst v0  }
0x47: {  	[tilespmem:s0+$0x16870] =	vst v0;
	s0 =	sshra.s32 s3, $0x2;
	s3 =	sadd.s32 $0x240, s3  }
0x48: {  	[tilespmem:s0+$0x16880] =	vst v0  }
0x49: {  	[tilespmem:s0+$0x16800] =	vst v0  }
0x4a: {  	[tilespmem:s0+$0x16810] =	vst v0  }
0x4b: {  	[tilespmem:s0+$0x16820] =	vst v0  }
0x4c: {  	[tilespmem:s0+$0x16830] =	vst v0  }
0x4d: {  	[tilespmem:s0+$0x16840] =	vst v0  }
0x4e: {  	[tilespmem:s0+$0x16850] =	vst v0  }
0x4f: {  	[tilespmem:s0+$0x16860] =	vst v0  }
0x50: {  	[tilespmem:s0+$0x16870] =	vst v0  }
0x51: {  	[spmem:s10] =	stream.linear.scatter [tilespmem:s21], [sflag:$0x3], $0x4800, $0x38;
	[tilespmem:$0x1B900] =	vst v63  }
0x52: {  	_ =	swait.ge [sflag:s22], $0x4800  }
0x53: {  	[sflag:s22] =	ssyncset.done $0x0  }
0x54: {  	[sflag:s22] =	ssyncadd.s32 $0xFFFFB800  }
0x55: {  	[spmem:s11] =	stream.linear.scatter [tilespmem:s21], [sflag:$0x3], $0x4800, $0x38;
	[tilespmem:$0x1B900] =	vst v63  }
0x56: {  	_ =	swait.ge [sflag:s22], $0x4800  }
0x57: {  	[sflag:s22] =	ssyncset.done $0x0  }
0x58: {  	[sflag:s22] =	ssyncadd.s32 $0xFFFFB800  }
0x59: {  	[spmem:s12] =	stream.linear.scatter [tilespmem:s21], [sflag:$0x3], $0x4800, $0x38;
	[tilespmem:$0x1B900] =	vst v63  }
0x5a: {  	_ =	swait.ge [sflag:s22], $0x4800  }
0x5b: {  	[sflag:s22] =	ssyncset.done $0x0  }
0x5c: {  	[sflag:s22] =	ssyncadd.s32 $0xFFFFB800  }
0x5d: {  	[spmem:s13] =	stream.linear.scatter [tilespmem:s21], [sflag:$0x3], $0x4800, $0x38;
	[tilespmem:$0x1B900] =	vst v63  }
0x5e: {  	_ =	swait.ge [sflag:s22], $0x4800  }
0x5f: {  	[sflag:s22] =	ssyncset.done $0x0  }
0x60: {  	[sflag:s22] =	ssyncadd.s32 $0xFFFFB800  }
0x61: {  	[spmem:s14] =	stream.linear.scatter [tilespmem:s21], [sflag:$0x3], $0x4800, $0x38;
	[tilespmem:$0x1B900] =	vst v63  }
.Ltmp3:
0x62: {  	_ =	swait.ge [sflag:s22], $0x4800;
	(pc) =	sbr.rel .LBB2_4-.Ltmp3, $4  }
0x63: {  	[sflag:s22] =	ssyncset.done $0x0  }
0x64: {  	[sflag:s22] =	ssyncadd.s32 $0xFFFFB800  }
0x65: {  	[bflag:$0x0] =	sbarrier.arrive $0xFFFF  }
0x66: {  	s0 =	simm.s32 $0x0  }
.LBB2_8:
0x67: {  	s0 =	sadd.s32 $0x1, s0  }
0x68: {  	p0 =	sne.s32 s0, $0x4F  }
.Ltmp4:
0x69: {  	_ = 	snop;
	(pc) =	sbr.rel @!p0 .LBB2_9-.Ltmp4, $1  }
0x6a: {  	_ =	sdelay $0x3  }
.LBB2_4:
0x6b: {  	s3 =	sshll.u32 s0, $0x5  }
0x6c: {  	s3 =	sor.u32 s9, s3  }
0x6d: {  	p0 =	sgt.u32 s3, $0x9C3  }
.Ltmp5:
0x6e: {  	_ = 	snop;
	(pc) =	sbr.rel @p0 .LBB2_8-.Ltmp5, $1  }
0x6f: {  	_ =	sdelay $0x3  }
0x70: {  	s3 =	sor.u32 s6, s3  }
0x71: {  	s3 =	sshll.u32 s3, $0x4  }
0x72: {  	s16 =	simm.s32 $0x0;
	s15 =	sadd.s32 s7, s3  }
0x73: {  	[tilespmem:s23], [sflag:$0x4] =	stream.linear.gather [hbm4b:s15+s16], $0x80, $0x38;
	[tilespmem:$0x1B900] =	vst v63  }
0x74: {  	_ =	swait.ge [sflag:s24], $0x80  }
0x75: {  	[sflag:s24] =	ssyncset.done $0x0  }
0x76: {  	s3 =	sadd.s32 s8, s3;
	[sflag:s24] =	ssyncadd.s32 $0xFFFFFF80  }
0x77: {  	[tilespmem:s25], [sflag:$0x4] =	stream.linear.gather [hbm4b:s3+s16], $0x80, $0x38;
	[tilespmem:$0x1B900] =	vst v63  }
0x78: {  	_ =	swait.ge [sflag:s24], $0x80  }
0x79: {  	[sflag:s24] =	ssyncset.done $0x0  }
0x7a: {  	[sflag:s24] =	ssyncadd.s32 $0xFFFFFF80  }
0x7b: {  	[tilespmem:s21], [sflag:$0x1] =	stream.indirect.gather [hbm4b:s4+s26], $0x90, s23, s26, $0xb8;
	[tilespmem:$0x1B900] =	vst v63  }
0x7c: {  	_ = 	snop  }
0x7d: {  	[tilespmem:s28], [sflag:$0x2] =	stream.indirect.gather [hbm4b:s5+s26], $0x10, s25, s26, $0xb8;
	[tilespmem:$0x1B900] =	vst v63  }
0x7e: {  	_ =	swait.ge [sflag:s29], $0x800  }
0x7f: {  	[sflag:s29] =	ssyncset.done $0x0  }
0x80: {  	[sflag:s29] =	ssyncadd.s32 $0xFFFFF800  }
0x81: {  	_ =	swait.ge [sflag:s30], $0x4800  }
0x82: {  	[sflag:s30] =	ssyncset.done $0x0  }
0x83: {  	s3 =	simm.s32 $0x16840;
	[sflag:s30] =	ssyncadd.s32 $0xFFFFB800  }
0x84: {  	s17 =	simm.s32 $0x0;
	s15 =	simm.s32 $0x16840;
	s16 =	simm.s32 $0x40;
	v9 =	vld [tilespmem:s3+$0x40]  }
.LBB2_6:
0x85: {  	p0 =	sne.s32 s16, $0x1FC0;
	v10 =	vld [tilespmem:s17+$0x1B000];
	_ =	sdelay $0x4  }
0x86: {  	v9 =	vadd.f32 v10, v9;
	_ =	sdelay $0x1  }
0x87: {  	v10 =	vmul.f32 $2.000000030e-01, v9  }
0x88: {  	vm0 =	vge.f32 v9, $0.0e+00  }
0x89: {  	v9 =	vsel vm0, v9, v10  }
0x8a: {  	v9 =	vmul.f32 $1.442695020e+00, v9;
	_ =	sdelay $0x1  }
0x8b: {  	(erf) = vpow2.f32 v9;
	_ =	sdelay $0x4  }
0x8c: {  	v9 =	vld [tilespmem:s3+$0x30]  }
0x8d: {  	v10 =	vld [tilespmem:s3+$0x20]  }
0x8e: {  	v11 =	vld [tilespmem:s3+$0x10]  }
0x8f: {  	v12 =	vld [tilespmem:s3+$0x0]  }
0x90: {  	v13 =	vld [tilespmem:s3+$0xFFFFFFF0];
	v14 =	vpop (erf)  }
0x91: {  	[tilespmem:s3+$0x40] =	vst v14;
	v15 =	vld [tilespmem:s3+$0xFFFFFFE0];
	v16 =	vperm.xlane v14, v7;
	v17 =	vperm.xlane v14, v8  }
0x92: {  	v19 =	vperm.xlane v14, v5;
	v20 =	vperm.xlane v14, v6;
	v18 =	vld [tilespmem:s3+$0xFFFFFFD0]  }
0x93: {  	v21 =	vld [tilespmem:s3+$0xFFFFFFC0];
	v10 =	vmul.f32 v10, v16;
	v9 =	vmul.f32 v9, v17  }
0x94: {  	v11 =	vmul.f32 v11, v20;
	v12 =	vmul.f32 v12, v19  }
0x95: {  	v16 =	vperm.xlane v14, v3;
	v17 =	vperm.xlane v14, v4;
	[tilespmem:s3+$0x30] =	vst v9  }
0x96: {  	v9 =	vperm.xlane v14, v1;
	v14 =	vperm.xlane v14, v2;
	[tilespmem:s3+$0x20] =	vst v10  }
0x97: {  	v13 =	vmul.f32 v13, v17;
	v10 =	vmul.f32 v15, v16;
	[tilespmem:s3+$0x10] =	vst v11  }
.Ltmp6:
0x98: {  	v11 =	vmul.f32 v21, v9;
	v9 =	vmul.f32 v18, v14;
	[tilespmem:s3+$0x0] =	vst v12;
	(pc) =	sbr.rel @p0 .LBB2_6-.Ltmp6, $4  }
0x99: {  	[tilespmem:s3+$0xFFFFFFF0] =	vst v13  }
0x9a: {  	[tilespmem:s3+$0xFFFFFFE0] =	vst v10  }
0x9b: {  	s3 =	sadd.s32 $0x90, s3;
	[tilespmem:s15+$0xFFFFFFD0] =	vst v9  }
0x9c: {  	s17 =	sshra.s32 s16, $0x2;
	s16 =	sadd.s32 $0x40, s16;
	v9 =	vld [tilespmem:s3+$0x40];
	[tilespmem:s15+$0xFFFFFFC0] =	vst v11;
	s15 =	smov.u32 s3  }
0x9d: {  	v10 =	vld [tilespmem:s17+$0x1B000];
	_ =	sdelay $0x4  }
0x9e: {  	v9 =	vadd.f32 v10, v9;
	_ =	sdelay $0x1  }
0x9f: {  	v10 =	vmul.f32 $2.000000030e-01, v9  }
0xa0: {  	vm0 =	vge.f32 v9, $0.0e+00  }
0xa1: {  	v9 =	vsel vm0, v9, v10  }
0xa2: {  	v9 =	vmul.f32 $1.442695020e+00, v9;
	_ =	sdelay $0x1  }
0xa3: {  	(erf) = vpow2.f32 v9;
	_ =	sdelay $0x6  }
0xa4: {  	v9 =	vld [tilespmem:s3+$0x30]  }
0xa5: {  	v10 =	vld [tilespmem:s3+$0x20]  }
0xa6: {  	v11 =	vld [tilespmem:s3+$0x10];
	v12 =	vpop (erf)  }
0xa7: {  	v15 =	vld [tilespmem:s3+$0xFFFFFFF0];
	v14 =	vperm.xlane v12, v8  }
0xa8: {  	v13 =	vld [tilespmem:s3+$0x0];
	v16 =	vperm.xlane v12, v7  }
0xa9: {  	v17 =	vld [tilespmem:s3+$0xFFFFFFE0];
	v18 =	vperm.xlane v12, v6;
	v9 =	vmul.f32 v9, v14  }
0xaa: {  	v59 =	vld [tilespmem:s3+$0xFFFFFFD0];
	[tilespmem:s3+$0x40] =	vst v12;
	v61 =	vperm.xlane v12, v4;
	v10 =	vmul.f32 v10, v16  }
0xab: {  	v60 =	vld [tilespmem:s3+$0xFFFFFFC0];
	v19 =	vperm.xlane v12, v5;
	v11 =	vmul.f32 v11, v18;
	[tilespmem:s3+$0x30] =	vst v9  }
0xac: {  	v62 =	vperm.xlane v12, v3;
	v15 =	vmul.f32 v15, v61;
	[tilespmem:s3+$0x20] =	vst v10  }
0xad: {  	v9 =	vmul.f32 v13, v19;
	v10 =	vperm.xlane v12, v2;
	[tilespmem:s3+$0x10] =	vst v11  }
0xae: {  	v63 =	vmul.f32 v17, v62;
	v11 =	vperm.xlane v12, v1;
	[tilespmem:s3+$0xFFFFFFF0] =	vst v15  }
0xaf: {  	[tilespmem:s3+$0x0] =	vst v9;
	v9 =	vmul.f32 v59, v10  }
0xb0: {  	[tilespmem:s3+$0xFFFFFFE0] =	vst v63;
	v10 =	vmul.f32 v60, v11  }
0xb1: {  	[tilespmem:s15+$0xFFFFFFD0] =	vst v9  }
.Ltmp7:
0xb2: {  	[tilespmem:s15+$0xFFFFFFC0] =	vst v10;
	(pc) =	sbr.rel .LBB2_8-.Ltmp7, $4  }
0xb3: {  	[spmem:s1] =	stream.indirect.scatter.add.f32 [tilespmem:s21], [sflag:$0x3], $0x90, s25, s26, $0xb8;
	[tilespmem:$0x1B900] =	vst v63  }
0xb4: {  	_ =	swait.ge [sflag:s22], $0x4800  }
0xb5: {  	[sflag:s22] =	ssyncset.done $0x0  }
0xb6: {  	[sflag:s22] =	ssyncadd.s32 $0xFFFFB800  }
.LBB2_10:
0xb7: {  	_ =	sfence.sel $0x180000  }
0xb8: {  	[bflag:$0x0] =	sbarrier.arrive $0xFFFF  }
0xb9: {  	_ =	strace $0x90000047  }
0xba: {  	s0 =	stileid.u32;
	[bflag:$0x2] =	sbarrier.arrive $0xFFFF  }
0xbb: {  	p0 =	sne.s32 s0, $0x0;
	s0 =	rddreg [dreg:$0x2]  }
0xbc: {  	s0 =	sadd.s32 @!p0 $0x100000, s0  }
0xbd: {  	[sflag:s0] =	ssyncadd.tile.s32 @!p0 $0x1;
	_ =	shalt  }
.Lfunc_end2:
_tile_overlayer_lowered:
.L_overlay_start_2:
0xbe: {  	(tag) =	ssettag $0x2  }
0xbf: {  	s0 =	rddreg [dreg:$0x0];
	s2 =	stileid.u32  }
0xc0: {  	s1 =	rddreg [dreg:$0x1];
	p0 =	sne.s32 s2, $0x0  }
0xc1: {  	s3 =	rddreg [dreg:$0x2];
	[bflag:$0x3] =	sbarrier.arrive $0xFFFF;
	s2 =	simm.s32 @!p0 $0x1C03  }
0xc2: {  	[timem:s3], [sflag:s2] =	dma.local @!p0 [hbm:s0], s1  }
0xc3: {  	s0 =	simm.s32 @!p0 $0x3  }
0xc4: {  	_ =	swait.ge @!p0 [sflag:s0], s1  }
0xc5: {  	s1 =	ssub.s32 @!p0 $0x0, s1;
	[sflag:s0] =	ssyncset.done @!p0 $0x0  }
0xc6: {  	[sflag:s0] =	ssyncadd.s32 @!p0 s1  }
0xc7: {  	[bflag:$0x3] =	sbarrier.arrive $0xFFFF  }
0xc8: {  	_ =	shalt  }

// kernel: kernel.13.cloned.1.call-start
scs
__scs_entry_jumppad:
0x0: {  	(pc) =	sbr.rel $0x88, $3  }
0x1: {  	(tag) =	ssettag $0x0;
	lr =	simm.s32 $0x1  }
0x2: {  	[smem:$0x3F86] =	sst lr;
	_ =	strace $0xD0000000  }
0x3: {  	_ = 	snop  }
0x4: {  	_ = 	snop  }
0x5: {  	_ = 	snop  }
0x6: {  	_ = 	snop  }
0x7: {  	_ = 	snop  }
__scs_overlays_trampoline_lowered:
0x8: {  	[smem:$0x3F95] =	sst s0  }
0x9: {  	[smem:$0x3F96] =	sst s1  }
0xa: {  	[smem:$0x3F97] =	sst s2  }
0xb: {  	[smem:$0x3F98] =	sst s3  }
0xc: {  	[smem:$0x3F99] =	sst s4  }
0xd: {  	[smem:$0x3F9A] =	sst s5  }
0xe: {  	[smem:$0x3F9B] =	sst s6  }
0xf: {  	[smem:$0x3F9C] =	sst s7  }
0x10: {  	[smem:$0x3F9D] =	sst s8  }
0x11: {  	[smem:$0x3F9E] =	sst s9;
	s0 =	simm.s32 @!p0 $0x0  }
0x12: {  	s1 =	sld [smem:$0x3F84];
	s0 =	simm.s32 @p0 $0x1  }
0x13: {  	[smem:$0x3F9F] =	sst s0;
	s0 =	simm.s32 @!p1 $0x0  }
0x14: {  	s2 =	sld [smem:$0x3F83];
	s0 =	simm.s32 @p1 $0x1  }
0x15: {  	[smem:$0x3FA0] =	sst s0;
	s0 =	simm.s32 @!p2 $0x0  }
0x16: {  	s3 =	sld [smem:$0x3FDB];
	s0 =	simm.s32 @p2 $0x1  }
0x17: {  	s4 =	simm.s32 $0x1BF5;
	[smem:$0x3FA2] =	sst s0  }
0x18: {  	s0 =	sld [smem:$0x3F85];
	_ =	swait.ge [sflag:s4], $0x0  }
0x19: {  	s7 =	sld [smem:$0x3F86]  }
0x1a: {  	s8 =	sadd.s32 $0xFFFFE003, lr  }
0x1b: {  	s9 =	sadd.s32 $0xFFFFFEF7, lr;
	s5 =	simm.s32 $0xFFFFFFFF;
	p2 =	slt.u32 s8, $0xFFFFF086  }
0x1c: {  	p1 =	slt.u32 s9, $0xF7A;
	s5 =	simm.s32 @!p2 $0x0  }
0x1d: {  	s5 =	simm.s32 @p1 $0x1;
	p0 =	seq.s32 s7, s2  }
0x1e: {  	s7 =	smul.u32 @!p0 $0xF7A, s2;
	p2 =	seq.s32 @!p0 s5, $0x0  }
0x1f: {  	s9 =	smul.u32 $0xF7A, s1;
	s8 =	simm.s32 @!p0 $0x1BF5;
	p2 =	por !p2, p0  }
0x20: {  	[sflag:s8] =	ssyncset.s32 @!p0 $0xFFFFF086;
	s6 =	sadd.s32 @!p0 s3, s7;
	s7 =	simm.s32 @!p0 $0x108  }
0x21: {  	s3 =	sadd.s32 s3, s9;
	s6 =	sadd.s32 @!p0 $0x88, s6;
	s7 =	simm.s32 @p2 $0x1082  }
0x22: {  	[simem:s7], [sflag:s8] =	dma.local @!p0 [hbm:s6], $0xF7A  }
0x23: {  	s9 =	sor.u32 $0xD0000000, s2;
	s6 =	simm.s32 $0x108;
	_ =	swait.ge @!p0 [sflag:s8], $0x0  }
0x24: {  	s3 =	sadd.s32 $0x88, s3;
	s6 =	simm.s32 @!p1 $0x1082;
	[sflag:s4] =	ssyncset.s32 $0xFFFFF086  }
0x25: {  	[simem:s6], [sflag:s4] =	dma.local [hbm:s3], $0xF7A  }
0x26: {  	[smem:$0x3F86] =	sst s1;
	(tag) =	ssettag s2;
	_ =	strace s9  }
0x27: {  	s1 =	sld [smem:$0x3F96]  }
0x28: {  	s2 =	sld [smem:$0x3F97]  }
0x29: {  	s4 =	sld [smem:$0x3F99]  }
0x2a: {  	p0 =	seq.s32 s5, $0x0;
	s5 =	sld [smem:$0x3F9A]  }
0x2b: {  	s6 =	sld [smem:$0x3F9B]  }
0x2c: {  	s7 =	sld [smem:$0x3F9C]  }
0x2d: {  	s3 =	simm.s32 $0x108;
	s8 =	sld [smem:$0x3F9D]  }
0x2e: {  	s3 =	simm.s32 @!p0 $0x1082;
	s9 =	sld [smem:$0x3F9E]  }
0x2f: {  	lr =	sadd.s32 s0, s3;
	s0 =	sld [smem:$0x3F95]  }
0x30: {  	s3 =	sld [smem:$0x3F98]  }
0x31: {  	[smem:$0x3FA1] =	sst s10  }
0x32: {  	s10 =	sld [smem:$0x3F9F];
	_ =	sdelay $0x3  }
0x33: {  	p0 =	seq.s32 s10, $0x1;
	s10 =	sld [smem:$0x3FA1];
	_ =	sdelay $0x3  }
0x34: {  	[smem:$0x3FA1] =	sst s10  }
0x35: {  	s10 =	sld [smem:$0x3FA0];
	_ =	sdelay $0x3  }
0x36: {  	p1 =	seq.s32 s10, $0x1;
	s10 =	sld [smem:$0x3FA1];
	_ =	sdelay $0x3  }
0x37: {  	[smem:$0x3FA1] =	sst s10  }
0x38: {  	s10 =	sld [smem:$0x3FA2]  }
0x39: {  	_ = 	snop;
	(pc) =	sbr.ind lr, $3  }
0x3a: {  	_ = 	snop  }
0x3b: {  	_ = 	snop  }
0x3c: {  	p2 =	seq.s32 s10, $0x1;
	s10 =	sld [smem:$0x3FA1]  }
0x3d: {  	_ =	shalt  }
0x3e: {  	_ =	shalt  }
0x3f: {  	_ =	shalt  }
0x40: {  	_ =	shalt  }
0x41: {  	_ =	shalt  }
0x42: {  	_ =	shalt  }
0x43: {  	_ =	shalt  }
0x44: {  	_ =	shalt  }
0x45: {  	_ =	shalt  }
0x46: {  	_ =	shalt  }
0x47: {  	_ =	shalt  }
0x48: {  	_ =	shalt  }
0x49: {  	_ =	shalt  }
0x4a: {  	_ =	shalt  }
0x4b: {  	_ =	shalt  }
0x4c: {  	_ =	shalt  }
0x4d: {  	_ =	shalt  }
0x4e: {  	_ =	shalt  }
0x4f: {  	_ =	shalt  }
0x50: {  	_ =	shalt  }
0x51: {  	_ =	shalt  }
0x52: {  	_ =	shalt  }
0x53: {  	_ =	shalt  }
0x54: {  	_ =	shalt  }
0x55: {  	_ =	shalt  }
0x56: {  	_ =	shalt  }
0x57: {  	_ =	shalt  }
0x58: {  	_ =	shalt  }
0x59: {  	_ =	shalt  }
0x5a: {  	_ =	shalt  }
0x5b: {  	_ =	shalt  }
0x5c: {  	_ =	shalt  }
0x5d: {  	_ =	shalt  }
0x5e: {  	_ =	shalt  }
0x5f: {  	_ =	shalt  }
0x60: {  	_ =	shalt  }
0x61: {  	_ =	shalt  }
0x62: {  	_ =	shalt  }
0x63: {  	_ =	shalt  }
0x64: {  	_ =	shalt  }
0x65: {  	_ =	shalt  }
0x66: {  	_ =	shalt  }
0x67: {  	_ =	shalt  }
0x68: {  	_ =	shalt  }
0x69: {  	_ =	shalt  }
0x6a: {  	_ =	shalt  }
0x6b: {  	_ =	shalt  }
0x6c: {  	_ =	shalt  }
0x6d: {  	_ =	shalt  }
0x6e: {  	_ =	shalt  }
0x6f: {  	_ =	shalt  }
0x70: {  	_ =	shalt  }
0x71: {  	_ =	shalt  }
0x72: {  	_ =	shalt  }
0x73: {  	_ =	shalt  }
0x74: {  	_ =	shalt  }
0x75: {  	_ =	shalt  }
0x76: {  	_ =	shalt  }
0x77: {  	_ =	shalt  }
0x78: {  	_ =	shalt  }
0x79: {  	_ =	shalt  }
0x7a: {  	_ =	shalt  }
0x7b: {  	_ =	shalt  }
0x7c: {  	_ =	shalt  }
0x7d: {  	_ =	shalt  }
0x7e: {  	_ =	shalt  }
0x7f: {  	_ =	shalt  }
0x80: {  	_ =	shalt  }
0x81: {  	_ =	shalt  }
0x82: {  	_ =	shalt  }
0x83: {  	_ =	shalt  }
0x84: {  	_ =	shalt  }
0x85: {  	_ =	shalt  }
0x86: {  	_ =	shalt  }
0x87: {  	_ =	shalt  }
.Lfunc_end0:
.L_simem_size_0:
called_computation.1_lowered:
.L_overlay_start_0:
0x88: {  	s2 =	sld [smem:$0x3FD9]  }
0x89: {  	s3 =	sld [smem:$0x3FFE];
	_ =	sdelay $0x1  }
0x8a: {  	s1 =	srdreg.scid  }
0x8b: {  	s0 =	sand.u32 $0x1, s1  }
0x8c: {  	s16 =	sshll.u32 s0, $0xA;
	s2 =	sadd.s32 s3, s2  }
0x8d: {  	s2 =	sadd.s32 s2, s16  }
0x8e: {  	[smem:$0x3FAD] =	sst s2  }
0x8f: {  	_ = 	snop  }
0x90: {  	(tm) =	ssettm $0x1  }
0x91: {  	s17 =	sld [smem:$0x3FFB];
	_ =	sdelay $0x3  }
0x92: {  	_ =	strace s17  }
0x93: {  	s2 =	sld [smem:$0x3FFC];
	_ =	sdelay $0x3  }
0x94: {  	_ =	strace s2  }
0x95: {  	s2 =	sld [smem:$0x3FFD];
	_ =	sdelay $0x3  }
0x96: {  	_ =	strace s2  }
0x97: {  	_ =	strace $0x8FFFFFFF  }
0x98: {  	s18 =	sld [smem:$0x3FDB];
	_ =	sdelay $0x1  }
0x99: {  	s19 =	simm.s32 $_scs_section_size  }
0x9a: {  	s4 =	simm.s32 $_size__tile_overlayer_lowered;
	s5 =	simm.s32 $_tile_overlayer_lowered  }
0x9b: {  	s22 =	simm.s32 $0x1BFF;
	s21 =	sshll.u32 s5, $0x1;
	s2 =	sadd.s32 s19, s18  }
0x9c: {  	s6 =	simm.s32 $0x0;
	s20 =	sshll.u32 s4, $0x1;
	s4 =	sadd.s32 s21, s2  }
0x9d: {  	[timem:s6], [sflag:s22] =	dma.local [hbm:s4], s20  }
0x9e: {  	_ =	swait.ge [sflag:s22], s20  }
0x9f: {  	s3 =	ssub.s32 $0x0, s20;
	[sflag:s22] =	ssyncset.done $0x0  }
0xa0: {  	[sflag:s22] =	ssyncadd.s32 s3;
	_ =	sdelay $0x1  }
0xa1: {  	s23 =	simm.s32 $0x1B8B  }
0xa2: {  	_ =	swait.ge [sflag:s23], $0x1  }
0xa3: {  	[sflag:s23] =	ssyncset.done $0x0  }
0xa4: {  	s25 =	simm.s32 $0x1B8E;
	s24 =	sld [smem:$0x3FFE];
	[sflag:s23] =	ssyncadd.s32 $0xFFFFFFFF  }
0xa5: {  	s26 =	simm.s32 $execute0_lowered;
	[smem:$0x3FD2] =	sst s25  }
0xa6: {  	s4 =	sshll.u32 s26, $0x1;
	_ =	strace $0x80000049;
	[dreg:$0x1] =	wrdreg $0xFFFFFFFF  }
0xa7: {  	s28 =	simm.s32 $_size_execute0_lowered;
	s2 =	sadd.s32 s2, s4;
	[dreg:$0x0] =	wrdreg $0x0  }
0xa8: {  	s4 =	sshll.u32 s28, $0x1;
	[dreg:$0x2] =	wrdreg s2  }
0xa9: {  	[dreg:$0x3] =	wrdreg s4  }
0xaa: {  	[dreg:$0x4] =	wrdreg $0xC0  }
0xab: {  	_ =	task [dreg:s6], $0x5FFFF  }
0xac: {  	[dreg:$0x1] =	wrdreg $0xFFFFFFFF  }
0xad: {  	[dreg:$0x0] =	wrdreg $0x60  }
0xae: {  	[dreg:$0x2] =	wrdreg s24  }
0xaf: {  	[dreg:$0x3] =	wrdreg $0x0  }
0xb0: {  	[dreg:$0x4] =	wrdreg $0x9  }
0xb1: {  	_ =	task.clear_ibuf [dreg:s6], $0x5FFFF;
	_ =	strace $0x90000049  }
0xb2: {  	s29 =	simm.s32 $0x9;
	_ =	strace $0x8000004B  }
0xb3: {  	_ =	swait.ge [sflag:s29], $0x1  }
0xb4: {  	[sflag:s29] =	ssyncadd.s32 $0xFFFFFFFF  }
0xb5: {  	_ =	strace $0x9000004B  }
0xb6: {  	_ =	sfence  }
0xb7: {  	s30 =	sld [smem:$0x0];
	_ =	sdelay $0x2  }
0xb8: {  	s31 =	sshll.u32 s1, $0xD;
	s1 =	sshrl.u32 s1, $0x2  }
0xb9: {  	s3 =	sand.u32 $0x4000, s31;
	s1 =	sadd.s32 s1, s30  }
0xba: {  	s0 =	sor.u32 s3, s0;
	s1 =	sshll.u32 s1, $0x11  }
0xbb: {  	s0 =	sor.u32 s1, s0  }
0xbc: {  	s0 =	sadd.s32 $0x8F2B, s0  }
0xbd: {  	[sflag:s0] =	ssyncadd.remote.s32 $0x1  }
0xbe: {  	_ =	sfence.sel $0xFFFF  }
0xbf: {  	[dreg:$0x0] =	wrdreg $0xFFFFFFFF;
	(pc) =	sbr.abs _section_cstart, $3  }
0xc0: {  	[dreg:$0x1] =	wrdreg $0xFFFFFFFF  }
0xc1: {  	_ =	task.clear_ibuf [dreg:s6], $0x2FFFF;
	_ =	strace $0x9FFFFFFF  }
0xc2: {  	(tm) =	ssettm $0x7FFFFFFF  }
0xc3: {  	_ =	shalt  }
tec
execute0_lowered:
.L_overlay_start_1:
0x0: {  	(tag) =	ssettag $0x1  }
0x1: {  	s0 =	rddreg [dreg:$0x0]  }
0x2: {  	s1 =	rddreg [dreg:$0x1];
	s2 =	simm.s32 $0x0;
	s3 =	srdreg.scid  }
0x3: {  	s10 =	stileid.u32;
	s21 =	simm.s32 $0x16800;
	s22 =	simm.s32 $0x3  }
0x4: {  	s23 =	simm.s32 $0x1B800;
	s28 =	simm.s32 $0x1B000;
	s29 =	simm.s32 $0x2  }
0x5: {  	s30 =	simm.s32 $0x1;
	s31 =	simm.s32 $0x0;
	[smem:$0x7FF] =	sst s2  }
0x6: {  	s4 =	sadd.s32 $0x65C00, s0;
	s5 =	sadd.s32 $0x17A00, s0;
	s6 =	sand.u32 $0x1, s3  }
0x7: {  	s7 =	sadd.s32 $0xDC00, s0;
	s8 =	sadd.s32 $0x3E00, s0;
	s14 =	smul.u32 $0x16800, s10  }
0x8: {  	s0 =	sadd.s32 $0x91C00, s0;
	_ =	strace $0x8000004A;
	s3 =	ssub.s32 $0x2, s6  }
0x9: {  	s16 =	smul.u32 $0x168000, s6;
	s9 =	sshrl.u32 s3, $0x1;
	s15 =	sadd.s32 $0x4800, s14  }
0xa: {  	s17 =	sadd.s32 $0x9000, s14;
	s18 =	sadd.s32 $0xD800, s14;
	s20 =	sadd.s32 $0x12000, s14  }
0xb: {  	s3 =	ssub.s32 s3, s9;
	s9 =	sshll.u32 s10, $0x1;
	s10 =	sadd.s32 s14, s1  }
0xc: {  	s11 =	sadd.s32 s15, s1;
	s12 =	sadd.s32 s17, s1;
	s13 =	sadd.s32 s18, s1  }
0xd: {  	s19 =	sadd.s32 s14, s16;
	s15 =	sadd.s32 s16, s15;
	s14 =	sadd.s32 s20, s1  }
0xe: {  	s24 =	sadd.s32 s16, s17;
	s25 =	sadd.s32 s16, s18;
	s16 =	sadd.s32 s16, s20  }
0xf: {  	s19 =	sshrl.u32 s19, $0x3;
	s15 =	sshrl.u32 s15, $0x3;
	s17 =	sshrl.u32 s25, $0x3  }
.Ltmp0:
0x10: {  	s26 =	sshrl.u32 s16, $0x3;
	s20 =	smax.u32 s3, $0x1;
	(pc) =	sbr.rel .LBB2_1-.Ltmp0, $4  }
0x11: {  	s25 =	simm.s32 $0x1B880;
	s19 =	sadd.s32 s0, s19;
	s15 =	sadd.s32 s0, s15  }
0x12: {  	v0 =	vimm.f32 $0.0e+00;
	v1 =	vimm.s32 $0x0;
	v2 =	vimm.s32 $0x1;
	s18 =	sadd.s32 s0, s17;
	[dreg:$0x4] =	wrdreg s15;
	s15 =	sshrl.u32 s24, $0x3  }
0x13: {  	v3 =	vimm.s32 $0x2;
	v4 =	vimm.s32 $0x3;
	v5 =	vimm.s32 $0x4;
	[dreg:$0x3] =	wrdreg s19;
	s19 =	sadd.s32 s0, s26;
	s15 =	sadd.s32 s0, s15  }
0x14: {  	v6 =	vimm.s32 $0x5;
	v7 =	vimm.s32 $0x6;
	v8 =	vimm.s32 $0x7;
	s24 =	simm.s32 $0x4;
	s26 =	simm.s32 $0x80;
	[dreg:$0x5] =	wrdreg s15  }
.LBB2_9:
0x15: {  	[bflag:$0x0] =	sbarrier.arrive $0xFFFF  }
0x16: {  	[tilespmem:s21], [sflag:$0x3] =	stream.linear.gather [spmem:s10], $0x4800, $0x38;
	[tilespmem:$0x1B900] =	vst v63  }
0x17: {  	_ =	swait.ge [sflag:s22], $0x4800  }
0x18: {  	[sflag:s22] =	ssyncset.done $0x0  }
0x19: {  	s0 =	rddreg [dreg:$0x3];
	[sflag:s22] =	ssyncadd.s32 $0xFFFFB800  }
0x1a: {  	[hbm4b:s0+s2] =	stream.linear.scatter [tilespmem:s21], [sflag:$0x3], $0x4800, $0x38;
	[tilespmem:$0x1B900] =	vst v63  }
0x1b: {  	_ =	swait.ge [sflag:s22], $0x4800  }
0x1c: {  	[sflag:s22] =	ssyncset.done $0x0  }
0x1d: {  	[sflag:s22] =	ssyncadd.s32 $0xFFFFB800  }
0x1e: {  	[tilespmem:s21], [sflag:$0x3] =	stream.linear.gather [spmem:s11], $0x4800, $0x38;
	[tilespmem:$0x1B900] =	vst v63  }
0x1f: {  	_ =	swait.ge [sflag:s22], $0x4800  }
0x20: {  	[sflag:s22] =	ssyncset.done $0x0  }
0x21: {  	s16 =	rddreg [dreg:$0x4];
	[sflag:s22] =	ssyncadd.s32 $0xFFFFB800  }
0x22: {  	[hbm4b:s16+s2] =	stream.linear.scatter [tilespmem:s21], [sflag:$0x3], $0x4800, $0x38;
	[tilespmem:$0x1B900] =	vst v63  }
0x23: {  	_ =	swait.ge [sflag:s22], $0x4800  }
0x24: {  	[sflag:s22] =	ssyncset.done $0x0  }
0x25: {  	[sflag:s22] =	ssyncadd.s32 $0xFFFFB800  }
0x26: {  	[tilespmem:s21], [sflag:$0x3] =	stream.linear.gather [spmem:s12], $0x4800, $0x38;
	[tilespmem:$0x1B900] =	vst v63  }
0x27: {  	_ =	swait.ge [sflag:s22], $0x4800  }
0x28: {  	[sflag:s22] =	ssyncset.done $0x0  }
0x29: {  	s17 =	rddreg [dreg:$0x5];
	[sflag:s22] =	ssyncadd.s32 $0xFFFFB800  }
0x2a: {  	[hbm4b:s17+s2] =	stream.linear.scatter [tilespmem:s21], [sflag:$0x3], $0x4800, $0x38;
	[tilespmem:$0x1B900] =	vst v63  }
0x2b: {  	_ =	swait.ge [sflag:s22], $0x4800  }
0x2c: {  	[sflag:s22] =	ssyncset.done $0x0  }
0x2d: {  	[sflag:s22] =	ssyncadd.s32 $0xFFFFB800  }
0x2e: {  	[tilespmem:s21], [sflag:$0x3] =	stream.linear.gather [spmem:s13], $0x4800, $0x38;
	[tilespmem:$0x1B900] =	vst v63  }
0x2f: {  	_ =	swait.ge [sflag:s22], $0x4800  }
0x30: {  	[sflag:s22] =	ssyncset.done $0x0  }
0x31: {  	[sflag:s22] =	ssyncadd.s32 $0xFFFFB800  }
0x32: {  	[hbm4b:s18+s2] =	stream.linear.scatter [tilespmem:s21], [sflag:$0x3], $0x4800, $0x38;
	[tilespmem:$0x1B900] =	vst v63  }
0x33: {  	_ =	swait.ge [sflag:s22], $0x4800  }
0x34: {  	[sflag:s22] =	ssyncset.done $0x0  }
0x35: {  	[sflag:s22] =	ssyncadd.s32 $0xFFFFB800  }
0x36: {  	[tilespmem:s21], [sflag:$0x3] =	stream.linear.gather [spmem:s14], $0x4800, $0x38;
	[tilespmem:$0x1B900] =	vst v63  }
0x37: {  	s31 =	sadd.s32 $0x1, s31;
	_ =	swait.ge [sflag:s22], $0x4800  }
0x38: {  	p0 =	sne.s32 s31, s20;
	[sflag:s22] =	ssyncset.done $0x0  }
.Ltmp1:
0x39: {  	[sflag:s22] =	ssyncadd.s32 $0xFFFFB800;
	(pc) =	sbr.rel @!p0 .LBB2_10-.Ltmp1, $4  }
0x3a: {  	[hbm4b:s19+s2] =	stream.linear.scatter [tilespmem:s21], [sflag:$0x3], $0x4800, $0x38;
	[tilespmem:$0x1B900] =	vst v63  }
0x3b: {  	_ =	swait.ge [sflag:s22], $0x4800  }
0x3c: {  	[sflag:s22] =	ssyncset.done $0x0  }
0x3d: {  	[sflag:s22] =	ssyncadd.s32 $0xFFFFB800  }
.LBB2_1:
0x3e: {  	s0 =	simm.s32 $0x0;
	s3 =	simm.s32 $0x240  }
.LBB2_2:
0x3f: {  	p0 =	sne.s32 s3, $0x11DC0;
	[tilespmem:s0+$0x16880] =	vst v0  }
0x40: {  	[tilespmem:s0+$0x16800] =	vst v0  }
0x41: {  	[tilespmem:s0+$0x16810] =	vst v0  }
0x42: {  	[tilespmem:s0+$0x16820] =	vst v0  }
.Ltmp2:
0x43: {  	[tilespmem:s0+$0x16830] =	vst v0;
	(pc) =	sbr.rel @p0 .LBB2_2-.Ltmp2, $4  }
0x44: {  	[tilespmem:s0+$0x16840] =	vst v0  }
0x45: {  	[tilespmem:s0+$0x16850] =	vst v0  }
0x46: {  	[tilespmem:s0+$0x16860] =	vst v0  }
0x47: {  	[tilespmem:s0+$0x16870] =	vst v0;
	s0 =	sshra.s32 s3, $0x2;
	s3 =	sadd.s32 $0x240, s3  }
0x48: {  	[tilespmem:s0+$0x16880] =	vst v0  }
0x49: {  	[tilespmem:s0+$0x16800] =	vst v0  }
0x4a: {  	[tilespmem:s0+$0x16810] =	vst v0  }
0x4b: {  	[tilespmem:s0+$0x16820] =	vst v0  }
0x4c: {  	[tilespmem:s0+$0x16830] =	vst v0  }
0x4d: {  	[tilespmem:s0+$0x16840] =	vst v0  }
0x4e: {  	[tilespmem:s0+$0x16850] =	vst v0  }
0x4f: {  	[tilespmem:s0+$0x16860] =	vst v0  }
0x50: {  	[tilespmem:s0+$0x16870] =	vst v0  }
0x51: {  	[spmem:s10] =	stream.linear.scatter [tilespmem:s21], [sflag:$0x3], $0x4800, $0x38;
	[tilespmem:$0x1B900] =	vst v63  }
0x52: {  	_ =	swait.ge [sflag:s22], $0x4800  }
0x53: {  	[sflag:s22] =	ssyncset.done $0x0  }
0x54: {  	[sflag:s22] =	ssyncadd.s32 $0xFFFFB800  }
0x55: {  	[spmem:s11] =	stream.linear.scatter [tilespmem:s21], [sflag:$0x3], $0x4800, $0x38;
	[tilespmem:$0x1B900] =	vst v63  }
0x56: {  	_ =	swait.ge [sflag:s22], $0x4800  }
0x57: {  	[sflag:s22] =	ssyncset.done $0x0  }
0x58: {  	[sflag:s22] =	ssyncadd.s32 $0xFFFFB800  }
0x59: {  	[spmem:s12] =	stream.linear.scatter [tilespmem:s21], [sflag:$0x3], $0x4800, $0x38;
	[tilespmem:$0x1B900] =	vst v63  }
0x5a: {  	_ =	swait.ge [sflag:s22], $0x4800  }
0x5b: {  	[sflag:s22] =	ssyncset.done $0x0  }
0x5c: {  	[sflag:s22] =	ssyncadd.s32 $0xFFFFB800  }
0x5d: {  	[spmem:s13] =	stream.linear.scatter [tilespmem:s21], [sflag:$0x3], $0x4800, $0x38;
	[tilespmem:$0x1B900] =	vst v63  }
0x5e: {  	_ =	swait.ge [sflag:s22], $0x4800  }
0x5f: {  	[sflag:s22] =	ssyncset.done $0x0  }
0x60: {  	[sflag:s22] =	ssyncadd.s32 $0xFFFFB800  }
0x61: {  	[spmem:s14] =	stream.linear.scatter [tilespmem:s21], [sflag:$0x3], $0x4800, $0x38;
	[tilespmem:$0x1B900] =	vst v63  }
.Ltmp3:
0x62: {  	_ =	swait.ge [sflag:s22], $0x4800;
	(pc) =	sbr.rel .LBB2_4-.Ltmp3, $4  }
0x63: {  	[sflag:s22] =	ssyncset.done $0x0  }
0x64: {  	[sflag:s22] =	ssyncadd.s32 $0xFFFFB800  }
0x65: {  	[bflag:$0x0] =	sbarrier.arrive $0xFFFF  }
0x66: {  	s0 =	simm.s32 $0x0  }
.LBB2_8:
0x67: {  	s0 =	sadd.s32 $0x1, s0  }
0x68: {  	p0 =	sne.s32 s0, $0x4F  }
.Ltmp4:
0x69: {  	_ = 	snop;
	(pc) =	sbr.rel @!p0 .LBB2_9-.Ltmp4, $1  }
0x6a: {  	_ =	sdelay $0x3  }
.LBB2_4:
0x6b: {  	s3 =	sshll.u32 s0, $0x5  }
0x6c: {  	s3 =	sor.u32 s9, s3  }
0x6d: {  	p0 =	sgt.u32 s3, $0x9C3  }
.Ltmp5:
0x6e: {  	_ = 	snop;
	(pc) =	sbr.rel @p0 .LBB2_8-.Ltmp5, $1  }
0x6f: {  	_ =	sdelay $0x3  }
0x70: {  	s3 =	sor.u32 s6, s3  }
0x71: {  	s3 =	sshll.u32 s3, $0x4  }
0x72: {  	s16 =	simm.s32 $0x0;
	s15 =	sadd.s32 s7, s3  }
0x73: {  	[tilespmem:s23], [sflag:$0x4] =	stream.linear.gather [hbm4b:s15+s16], $0x80, $0x38;
	[tilespmem:$0x1B900] =	vst v63  }
0x74: {  	_ =	swait.ge [sflag:s24], $0x80  }
0x75: {  	[sflag:s24] =	ssyncset.done $0x0  }
0x76: {  	s3 =	sadd.s32 s8, s3;
	[sflag:s24] =	ssyncadd.s32 $0xFFFFFF80  }
0x77: {  	[tilespmem:s25], [sflag:$0x4] =	stream.linear.gather [hbm4b:s3+s16], $0x80, $0x38;
	[tilespmem:$0x1B900] =	vst v63  }
0x78: {  	_ =	swait.ge [sflag:s24], $0x80  }
0x79: {  	[sflag:s24] =	ssyncset.done $0x0  }
0x7a: {  	[sflag:s24] =	ssyncadd.s32 $0xFFFFFF80  }
0x7b: {  	[tilespmem:s21], [sflag:$0x1] =	stream.indirect.gather [hbm4b:s4+s26], $0x90, s23, s26, $0xb8;
	[tilespmem:$0x1B900] =	vst v63  }
0x7c: {  	_ = 	snop  }
0x7d: {  	[tilespmem:s28], [sflag:$0x2] =	stream.indirect.gather [hbm4b:s5+s26], $0x10, s25, s26, $0xb8;
	[tilespmem:$0x1B900] =	vst v63  }
0x7e: {  	_ =	swait.ge [sflag:s29], $0x800  }
0x7f: {  	[sflag:s29] =	ssyncset.done $0x0  }
0x80: {  	[sflag:s29] =	ssyncadd.s32 $0xFFFFF800  }
0x81: {  	_ =	swait.ge [sflag:s30], $0x4800  }
0x82: {  	[sflag:s30] =	ssyncset.done $0x0  }
0x83: {  	s3 =	simm.s32 $0x16840;
	[sflag:s30] =	ssyncadd.s32 $0xFFFFB800  }
0x84: {  	s17 =	simm.s32 $0x0;
	s15 =	simm.s32 $0x16840;
	s16 =	simm.s32 $0x40;
	v9 =	vld [tilespmem:s3+$0x40]  }
.LBB2_6:
0x85: {  	p0 =	sne.s32 s16, $0x1FC0;
	v10 =	vld [tilespmem:s17+$0x1B000];
	_ =	sdelay $0x4  }
0x86: {  	v9 =	vadd.f32 v10, v9;
	_ =	sdelay $0x1  }
0x87: {  	v10 =	vmul.f32 $2.000000030e-01, v9  }
0x88: {  	vm0 =	vge.f32 v9, $0.0e+00  }
0x89: {  	v9 =	vsel vm0, v9, v10  }
0x8a: {  	v9 =	vmul.f32 $1.442695020e+00, v9;
	_ =	sdelay $0x1  }
0x8b: {  	(erf) = vpow2.f32 v9;
	_ =	sdelay $0x4  }
0x8c: {  	v9 =	vld [tilespmem:s3+$0x30]  }
0x8d: {  	v10 =	vld [tilespmem:s3+$0x20]  }
0x8e: {  	v11 =	vld [tilespmem:s3+$0x10]  }
0x8f: {  	v12 =	vld [tilespmem:s3+$0x0]  }
0x90: {  	v13 =	vld [tilespmem:s3+$0xFFFFFFF0];
	v14 =	vpop (erf)  }
0x91: {  	[tilespmem:s3+$0x40] =	vst v14;
	v15 =	vld [tilespmem:s3+$0xFFFFFFE0];
	v16 =	vperm.xlane v14, v7;
	v17 =	vperm.xlane v14, v8  }
0x92: {  	v19 =	vperm.xlane v14, v5;
	v20 =	vperm.xlane v14, v6;
	v18 =	vld [tilespmem:s3+$0xFFFFFFD0]  }
0x93: {  	v21 =	vld [tilespmem:s3+$0xFFFFFFC0];
	v10 =	vmul.f32 v10, v16;
	v9 =	vmul.f32 v9, v17  }
0x94: {  	v11 =	vmul.f32 v11, v20;
	v12 =	vmul.f32 v12, v19  }
0x95: {  	v16 =	vperm.xlane v14, v3;
	v17 =	vperm.xlane v14, v4;
	[tilespmem:s3+$0x30] =	vst v9  }
0x96: {  	v9 =	vperm.xlane v14, v1;
	v14 =	vperm.xlane v14, v2;
	[tilespmem:s3+$0x20] =	vst v10  }
0x97: {  	v13 =	vmul.f32 v13, v17;
	v10 =	vmul.f32 v15, v16;
	[tilespmem:s3+$0x10] =	vst v11  }
.Ltmp6:
0x98: {  	v11 =	vmul.f32 v21, v9;
	v9 =	vmul.f32 v18, v14;
	[tilespmem:s3+$0x0] =	vst v12;
	(pc) =	sbr.rel @p0 .LBB2_6-.Ltmp6, $4  }
0x99: {  	[tilespmem:s3+$0xFFFFFFF0] =	vst v13  }
0x9a: {  	[tilespmem:s3+$0xFFFFFFE0] =	vst v10  }
0x9b: {  	s3 =	sadd.s32 $0x90, s3;
	[tilespmem:s15+$0xFFFFFFD0] =	vst v9  }
0x9c: {  	s17 =	sshra.s32 s16, $0x2;
	s16 =	sadd.s32 $0x40, s16;
	v9 =	vld [tilespmem:s3+$0x40];
	[tilespmem:s15+$0xFFFFFFC0] =	vst v11;
	s15 =	smov.u32 s3  }
0x9d: {  	v10 =	vld [tilespmem:s17+$0x1B000];
	_ =	sdelay $0x4  }
0x9e: {  	v9 =	vadd.f32 v10, v9;
	_ =	sdelay $0x1  }
0x9f: {  	v10 =	vmul.f32 $2.000000030e-01, v9  }
0xa0: {  	vm0 =	vge.f32 v9, $0.0e+00  }
0xa1: {  	v9 =	vsel vm0, v9, v10  }
0xa2: {  	v9 =	vmul.f32 $1.442695020e+00, v9;
	_ =	sdelay $0x1  }
0xa3: {  	(erf) = vpow2.f32 v9;
	_ =	sdelay $0x6  }
0xa4: {  	v9 =	vld [tilespmem:s3+$0x30]  }
0xa5: {  	v10 =	vld [tilespmem:s3+$0x20]  }
0xa6: {  	v11 =	vld [tilespmem:s3+$0x10];
	v12 =	vpop (erf)  }
0xa7: {  	v15 =	vld [tilespmem:s3+$0xFFFFFFF0];
	v14 =	vperm.xlane v12, v8  }
0xa8: {  	v13 =	vld [tilespmem:s3+$0x0];
	v16 =	vperm.xlane v12, v7  }
0xa9: {  	v17 =	vld [tilespmem:s3+$0xFFFFFFE0];
	v18 =	vperm.xlane v12, v6;
	v9 =	vmul.f32 v9, v14  }
0xaa: {  	v59 =	vld [tilespmem:s3+$0xFFFFFFD0];
	[tilespmem:s3+$0x40] =	vst v12;
	v61 =	vperm.xlane v12, v4;
	v10 =	vmul.f32 v10, v16  }
0xab: {  	v60 =	vld [tilespmem:s3+$0xFFFFFFC0];
	v19 =	vperm.xlane v12, v5;
	v11 =	vmul.f32 v11, v18;
	[tilespmem:s3+$0x30] =	vst v9  }
0xac: {  	v62 =	vperm.xlane v12, v3;
	v15 =	vmul.f32 v15, v61;
	[tilespmem:s3+$0x20] =	vst v10  }
0xad: {  	v9 =	vmul.f32 v13, v19;
	v10 =	vperm.xlane v12, v2;
	[tilespmem:s3+$0x10] =	vst v11  }
0xae: {  	v63 =	vmul.f32 v17, v62;
	v11 =	vperm.xlane v12, v1;
	[tilespmem:s3+$0xFFFFFFF0] =	vst v15  }
0xaf: {  	[tilespmem:s3+$0x0] =	vst v9;
	v9 =	vmul.f32 v59, v10  }
0xb0: {  	[tilespmem:s3+$0xFFFFFFE0] =	vst v63;
	v10 =	vmul.f32 v60, v11  }
0xb1: {  	[tilespmem:s15+$0xFFFFFFD0] =	vst v9  }
.Ltmp7:
0xb2: {  	[tilespmem:s15+$0xFFFFFFC0] =	vst v10;
	(pc) =	sbr.rel .LBB2_8-.Ltmp7, $4  }
0xb3: {  	[spmem:s1] =	stream.indirect.scatter.add.f32 [tilespmem:s21], [sflag:$0x3], $0x90, s25, s26, $0xb8;
	[tilespmem:$0x1B900] =	vst v63  }
0xb4: {  	_ =	swait.ge [sflag:s22], $0x4800  }
0xb5: {  	[sflag:s22] =	ssyncset.done $0x0  }
0xb6: {  	[sflag:s22] =	ssyncadd.s32 $0xFFFFB800  }
.LBB2_10:
0xb7: {  	_ =	sfence.sel $0x180000  }
0xb8: {  	[bflag:$0x0] =	sbarrier.arrive $0xFFFF  }
0xb9: {  	_ =	strace $0x9000004A  }
0xba: {  	s0 =	stileid.u32;
	[bflag:$0x2] =	sbarrier.arrive $0xFFFF  }
0xbb: {  	p0 =	sne.s32 s0, $0x0;
	s0 =	rddreg [dreg:$0x2]  }
0xbc: {  	s0 =	sadd.s32 @!p0 $0x100000, s0  }
0xbd: {  	[sflag:s0] =	ssyncadd.tile.s32 @!p0 $0x1;
	_ =	shalt  }
.Lfunc_end2:
_tile_overlayer_lowered:
.L_overlay_start_2:
0xbe: {  	(tag) =	ssettag $0x2  }
0xbf: {  	s0 =	rddreg [dreg:$0x0];
	s2 =	stileid.u32  }
0xc0: {  	s1 =	rddreg [dreg:$0x1];
	p0 =	sne.s32 s2, $0x0  }
0xc1: {  	s3 =	rddreg [dreg:$0x2];
	[bflag:$0x3] =	sbarrier.arrive $0xFFFF;
	s2 =	simm.s32 @!p0 $0x1C03  }
0xc2: {  	[timem:s3], [sflag:s2] =	dma.local @!p0 [hbm:s0], s1  }
0xc3: {  	s0 =	simm.s32 @!p0 $0x3  }
0xc4: {  	_ =	swait.ge @!p0 [sflag:s0], s1  }
0xc5: {  	s1 =	ssub.s32 @!p0 $0x0, s1;
	[sflag:s0] =	ssyncset.done @!p0 $0x0  }
0xc6: {  	[sflag:s0] =	ssyncadd.s32 @!p0 s1  }
0xc7: {  	[bflag:$0x3] =	sbarrier.arrive $0xFFFF  }
0xc8: {  	_ =	shalt  }

// kernel: kernel.16.cloned.1.call-start
scs
__scs_entry_jumppad:
0x0: {  	(pc) =	sbr.rel $0x88, $3  }
0x1: {  	(tag) =	ssettag $0x0;
	lr =	simm.s32 $0x1  }
0x2: {  	[smem:$0x3F86] =	sst lr;
	_ =	strace $0xD0000000  }
0x3: {  	_ = 	snop  }
0x4: {  	_ = 	snop  }
0x5: {  	_ = 	snop  }
0x6: {  	_ = 	snop  }
0x7: {  	_ = 	snop  }
__scs_overlays_trampoline_lowered:
0x8: {  	[smem:$0x3F95] =	sst s0  }
0x9: {  	[smem:$0x3F96] =	sst s1  }
0xa: {  	[smem:$0x3F97] =	sst s2  }
0xb: {  	[smem:$0x3F98] =	sst s3  }
0xc: {  	[smem:$0x3F99] =	sst s4  }
0xd: {  	[smem:$0x3F9A] =	sst s5  }
0xe: {  	[smem:$0x3F9B] =	sst s6  }
0xf: {  	[smem:$0x3F9C] =	sst s7  }
0x10: {  	[smem:$0x3F9D] =	sst s8  }
0x11: {  	[smem:$0x3F9E] =	sst s9;
	s0 =	simm.s32 @!p0 $0x0  }
0x12: {  	s1 =	sld [smem:$0x3F84];
	s0 =	simm.s32 @p0 $0x1  }
0x13: {  	[smem:$0x3F9F] =	sst s0;
	s0 =	simm.s32 @!p1 $0x0  }
0x14: {  	s2 =	sld [smem:$0x3F83];
	s0 =	simm.s32 @p1 $0x1  }
0x15: {  	[smem:$0x3FA0] =	sst s0;
	s0 =	simm.s32 @!p2 $0x0  }
0x16: {  	s3 =	sld [smem:$0x3FDB];
	s0 =	simm.s32 @p2 $0x1  }
0x17: {  	s4 =	simm.s32 $0x1BF5;
	[smem:$0x3FA2] =	sst s0  }
0x18: {  	s0 =	sld [smem:$0x3F85];
	_ =	swait.ge [sflag:s4], $0x0  }
0x19: {  	s7 =	sld [smem:$0x3F86]  }
0x1a: {  	s8 =	sadd.s32 $0xFFFFE003, lr  }
0x1b: {  	s9 =	sadd.s32 $0xFFFFFEF7, lr;
	s5 =	simm.s32 $0xFFFFFFFF;
	p2 =	slt.u32 s8, $0xFFFFF086  }
0x1c: {  	p1 =	slt.u32 s9, $0xF7A;
	s5 =	simm.s32 @!p2 $0x0  }
0x1d: {  	s5 =	simm.s32 @p1 $0x1;
	p0 =	seq.s32 s7, s2  }
0x1e: {  	s7 =	smul.u32 @!p0 $0xF7A, s2;
	p2 =	seq.s32 @!p0 s5, $0x0  }
0x1f: {  	s9 =	smul.u32 $0xF7A, s1;
	s8 =	simm.s32 @!p0 $0x1BF5;
	p2 =	por !p2, p0  }
0x20: {  	[sflag:s8] =	ssyncset.s32 @!p0 $0xFFFFF086;
	s6 =	sadd.s32 @!p0 s3, s7;
	s7 =	simm.s32 @!p0 $0x108  }
0x21: {  	s3 =	sadd.s32 s3, s9;
	s6 =	sadd.s32 @!p0 $0x88, s6;
	s7 =	simm.s32 @p2 $0x1082  }
0x22: {  	[simem:s7], [sflag:s8] =	dma.local @!p0 [hbm:s6], $0xF7A  }
0x23: {  	s9 =	sor.u32 $0xD0000000, s2;
	s6 =	simm.s32 $0x108;
	_ =	swait.ge @!p0 [sflag:s8], $0x0  }
0x24: {  	s3 =	sadd.s32 $0x88, s3;
	s6 =	simm.s32 @!p1 $0x1082;
	[sflag:s4] =	ssyncset.s32 $0xFFFFF086  }
0x25: {  	[simem:s6], [sflag:s4] =	dma.local [hbm:s3], $0xF7A  }
0x26: {  	[smem:$0x3F86] =	sst s1;
	(tag) =	ssettag s2;
	_ =	strace s9  }
0x27: {  	s1 =	sld [smem:$0x3F96]  }
0x28: {  	s2 =	sld [smem:$0x3F97]  }
0x29: {  	s4 =	sld [smem:$0x3F99]  }
0x2a: {  	p0 =	seq.s32 s5, $0x0;
	s5 =	sld [smem:$0x3F9A]  }
0x2b: {  	s6 =	sld [smem:$0x3F9B]  }
0x2c: {  	s7 =	sld [smem:$0x3F9C]  }
0x2d: {  	s3 =	simm.s32 $0x108;
	s8 =	sld [smem:$0x3F9D]  }
0x2e: {  	s3 =	simm.s32 @!p0 $0x1082;
	s9 =	sld [smem:$0x3F9E]  }
0x2f: {  	lr =	sadd.s32 s0, s3;
	s0 =	sld [smem:$0x3F95]  }
0x30: {  	s3 =	sld [smem:$0x3F98]  }
0x31: {  	[smem:$0x3FA1] =	sst s10  }
0x32: {  	s10 =	sld [smem:$0x3F9F];
	_ =	sdelay $0x3  }
0x33: {  	p0 =	seq.s32 s10, $0x1;
	s10 =	sld [smem:$0x3FA1];
	_ =	sdelay $0x3  }
0x34: {  	[smem:$0x3FA1] =	sst s10  }
0x35: {  	s10 =	sld [smem:$0x3FA0];
	_ =	sdelay $0x3  }
0x36: {  	p1 =	seq.s32 s10, $0x1;
	s10 =	sld [smem:$0x3FA1];
	_ =	sdelay $0x3  }
0x37: {  	[smem:$0x3FA1] =	sst s10  }
0x38: {  	s10 =	sld [smem:$0x3FA2]  }
0x39: {  	_ = 	snop;
	(pc) =	sbr.ind lr, $3  }
0x3a: {  	_ = 	snop  }
0x3b: {  	_ = 	snop  }
0x3c: {  	p2 =	seq.s32 s10, $0x1;
	s10 =	sld [smem:$0x3FA1]  }
0x3d: {  	_ =	shalt  }
0x3e: {  	_ =	shalt  }
0x3f: {  	_ =	shalt  }
0x40: {  	_ =	shalt  }
0x41: {  	_ =	shalt  }
0x42: {  	_ =	shalt  }
0x43: {  	_ =	shalt  }
0x44: {  	_ =	shalt  }
0x45: {  	_ =	shalt  }
0x46: {  	_ =	shalt  }
0x47: {  	_ =	shalt  }
0x48: {  	_ =	shalt  }
0x49: {  	_ =	shalt  }
0x4a: {  	_ =	shalt  }
0x4b: {  	_ =	shalt  }
0x4c: {  	_ =	shalt  }
0x4d: {  	_ =	shalt  }
0x4e: {  	_ =	shalt  }
0x4f: {  	_ =	shalt  }
0x50: {  	_ =	shalt  }
0x51: {  	_ =	shalt  }
0x52: {  	_ =	shalt  }
0x53: {  	_ =	shalt  }
0x54: {  	_ =	shalt  }
0x55: {  	_ =	shalt  }
0x56: {  	_ =	shalt  }
0x57: {  	_ =	shalt  }
0x58: {  	_ =	shalt  }
0x59: {  	_ =	shalt  }
0x5a: {  	_ =	shalt  }
0x5b: {  	_ =	shalt  }
0x5c: {  	_ =	shalt  }
0x5d: {  	_ =	shalt  }
0x5e: {  	_ =	shalt  }
0x5f: {  	_ =	shalt  }
0x60: {  	_ =	shalt  }
0x61: {  	_ =	shalt  }
0x62: {  	_ =	shalt  }
0x63: {  	_ =	shalt  }
0x64: {  	_ =	shalt  }
0x65: {  	_ =	shalt  }
0x66: {  	_ =	shalt  }
0x67: {  	_ =	shalt  }
0x68: {  	_ =	shalt  }
0x69: {  	_ =	shalt  }
0x6a: {  	_ =	shalt  }
0x6b: {  	_ =	shalt  }
0x6c: {  	_ =	shalt  }
0x6d: {  	_ =	shalt  }
0x6e: {  	_ =	shalt  }
0x6f: {  	_ =	shalt  }
0x70: {  	_ =	shalt  }
0x71: {  	_ =	shalt  }
0x72: {  	_ =	shalt  }
0x73: {  	_ =	shalt  }
0x74: {  	_ =	shalt  }
0x75: {  	_ =	shalt  }
0x76: {  	_ =	shalt  }
0x77: {  	_ =	shalt  }
0x78: {  	_ =	shalt  }
0x79: {  	_ =	shalt  }
0x7a: {  	_ =	shalt  }
0x7b: {  	_ =	shalt  }
0x7c: {  	_ =	shalt  }
0x7d: {  	_ =	shalt  }
0x7e: {  	_ =	shalt  }
0x7f: {  	_ =	shalt  }
0x80: {  	_ =	shalt  }
0x81: {  	_ =	shalt  }
0x82: {  	_ =	shalt  }
0x83: {  	_ =	shalt  }
0x84: {  	_ =	shalt  }
0x85: {  	_ =	shalt  }
0x86: {  	_ =	shalt  }
0x87: {  	_ =	shalt  }
.Lfunc_end0:
.L_simem_size_0:
called_computation.2_lowered:
.L_overlay_start_0:
0x88: {  	s2 =	sld [smem:$0x3FD9]  }
0x89: {  	s3 =	sld [smem:$0x3FFE];
	_ =	sdelay $0x1  }
0x8a: {  	s1 =	srdreg.scid  }
0x8b: {  	s0 =	sand.u32 $0x1, s1  }
0x8c: {  	s16 =	sshll.u32 s0, $0xA;
	s2 =	sadd.s32 s3, s2  }
0x8d: {  	s2 =	sadd.s32 s2, s16  }
0x8e: {  	[smem:$0x3FAD] =	sst s2  }
0x8f: {  	_ = 	snop  }
0x90: {  	(tm) =	ssettm $0x1  }
0x91: {  	s17 =	sld [smem:$0x3FFB];
	_ =	sdelay $0x3  }
0x92: {  	_ =	strace s17  }
0x93: {  	s2 =	sld [smem:$0x3FFC];
	_ =	sdelay $0x3  }
0x94: {  	_ =	strace s2  }
0x95: {  	s2 =	sld [smem:$0x3FFD];
	_ =	sdelay $0x3  }
0x96: {  	_ =	strace s2  }
0x97: {  	_ =	strace $0x8FFFFFFF  }
0x98: {  	s18 =	sld [smem:$0x3FDB];
	_ =	sdelay $0x1  }
0x99: {  	s19 =	simm.s32 $_scs_section_size  }
0x9a: {  	s4 =	simm.s32 $_size__tile_overlayer_lowered;
	s5 =	simm.s32 $_tile_overlayer_lowered  }
0x9b: {  	s22 =	simm.s32 $0x1BFF;
	s21 =	sshll.u32 s5, $0x1;
	s2 =	sadd.s32 s19, s18  }
0x9c: {  	s6 =	simm.s32 $0x0;
	s20 =	sshll.u32 s4, $0x1;
	s4 =	sadd.s32 s21, s2  }
0x9d: {  	[timem:s6], [sflag:s22] =	dma.local [hbm:s4], s20  }
0x9e: {  	_ =	swait.ge [sflag:s22], s20  }
0x9f: {  	s3 =	ssub.s32 $0x0, s20;
	[sflag:s22] =	ssyncset.done $0x0  }
0xa0: {  	[sflag:s22] =	ssyncadd.s32 s3;
	_ =	sdelay $0x1  }
0xa1: {  	s23 =	simm.s32 $0x1B8B  }
0xa2: {  	_ =	swait.ge [sflag:s23], $0x1  }
0xa3: {  	[sflag:s23] =	ssyncset.done $0x0  }
0xa4: {  	s25 =	simm.s32 $0x1B8E;
	s24 =	sld [smem:$0x3FFE];
	[sflag:s23] =	ssyncadd.s32 $0xFFFFFFFF  }
0xa5: {  	s26 =	simm.s32 $execute0_lowered;
	[smem:$0x3FD2] =	sst s25  }
0xa6: {  	s4 =	sshll.u32 s26, $0x1;
	_ =	strace $0x8000004C;
	[dreg:$0x1] =	wrdreg $0xFFFFFFFF  }
0xa7: {  	s28 =	simm.s32 $_size_execute0_lowered;
	s2 =	sadd.s32 s2, s4;
	[dreg:$0x0] =	wrdreg $0x0  }
0xa8: {  	s4 =	sshll.u32 s28, $0x1;
	[dreg:$0x2] =	wrdreg s2  }
0xa9: {  	[dreg:$0x3] =	wrdreg s4  }
0xaa: {  	[dreg:$0x4] =	wrdreg $0xC0  }
0xab: {  	_ =	task [dreg:s6], $0x5FFFF  }
0xac: {  	[dreg:$0x1] =	wrdreg $0xFFFFFFFF  }
0xad: {  	[dreg:$0x0] =	wrdreg $0x60  }
0xae: {  	[dreg:$0x2] =	wrdreg s24  }
0xaf: {  	[dreg:$0x3] =	wrdreg $0x0  }
0xb0: {  	[dreg:$0x4] =	wrdreg $0x9  }
0xb1: {  	_ =	task.clear_ibuf [dreg:s6], $0x5FFFF;
	_ =	strace $0x9000004C  }
0xb2: {  	s29 =	simm.s32 $0x9;
	_ =	strace $0x8000004E  }
0xb3: {  	_ =	swait.ge [sflag:s29], $0x1  }
0xb4: {  	[sflag:s29] =	ssyncadd.s32 $0xFFFFFFFF  }
0xb5: {  	_ =	strace $0x9000004E  }
0xb6: {  	_ =	sfence  }
0xb7: {  	s30 =	sld [smem:$0x0];
	_ =	sdelay $0x2  }
0xb8: {  	s31 =	sshll.u32 s1, $0xD;
	s1 =	sshrl.u32 s1, $0x2  }
0xb9: {  	s3 =	sand.u32 $0x4000, s31;
	s1 =	sadd.s32 s1, s30  }
0xba: {  	s0 =	sor.u32 s3, s0;
	s1 =	sshll.u32 s1, $0x11  }
0xbb: {  	s0 =	sor.u32 s1, s0  }
0xbc: {  	s0 =	sadd.s32 $0x8F2B, s0  }
0xbd: {  	[sflag:s0] =	ssyncadd.remote.s32 $0x1  }
0xbe: {  	_ =	sfence.sel $0xFFFF  }
0xbf: {  	[dreg:$0x0] =	wrdreg $0xFFFFFFFF;
	(pc) =	sbr.abs _section_cstart, $3  }
0xc0: {  	[dreg:$0x1] =	wrdreg $0xFFFFFFFF  }
0xc1: {  	_ =	task.clear_ibuf [dreg:s6], $0x2FFFF;
	_ =	strace $0x9FFFFFFF  }
0xc2: {  	(tm) =	ssettm $0x7FFFFFFF  }
0xc3: {  	_ =	shalt  }
tec
execute0_lowered:
.L_overlay_start_1:
0x0: {  	(tag) =	ssettag $0x1  }
0x1: {  	s0 =	rddreg [dreg:$0x0]  }
0x2: {  	s1 =	rddreg [dreg:$0x1];
	s2 =	simm.s32 $0x0;
	s3 =	srdreg.scid  }
0x3: {  	s10 =	stileid.u32;
	s21 =	simm.s32 $0x16800;
	s22 =	simm.s32 $0x3  }
0x4: {  	s23 =	simm.s32 $0x1B800;
	s28 =	simm.s32 $0x1B000;
	s29 =	simm.s32 $0x2  }
0x5: {  	s30 =	simm.s32 $0x1;
	s31 =	simm.s32 $0x0;
	[smem:$0x7FF] =	sst s2  }
0x6: {  	s4 =	sadd.s32 $0x65C00, s0;
	s5 =	sadd.s32 $0x17A00, s0;
	s6 =	sand.u32 $0x1, s3  }
0x7: {  	s7 =	sadd.s32 $0xDC00, s0;
	s8 =	sadd.s32 $0x3E00, s0;
	s14 =	smul.u32 $0x16800, s10  }
0x8: {  	s0 =	sadd.s32 $0x91C00, s0;
	_ =	strace $0x8000004D;
	s3 =	ssub.s32 $0x2, s6  }
0x9: {  	s16 =	smul.u32 $0x168000, s6;
	s9 =	sshrl.u32 s3, $0x1;
	s15 =	sadd.s32 $0x4800, s14  }
0xa: {  	s17 =	sadd.s32 $0x9000, s14;
	s18 =	sadd.s32 $0xD800, s14;
	s20 =	sadd.s32 $0x12000, s14  }
0xb: {  	s3 =	ssub.s32 s3, s9;
	s9 =	sshll.u32 s10, $0x1;
	s10 =	sadd.s32 s14, s1  }
0xc: {  	s11 =	sadd.s32 s15, s1;
	s12 =	sadd.s32 s17, s1;
	s13 =	sadd.s32 s18, s1  }
0xd: {  	s19 =	sadd.s32 s14, s16;
	s15 =	sadd.s32 s16, s15;
	s14 =	sadd.s32 s20, s1  }
0xe: {  	s24 =	sadd.s32 s16, s17;
	s25 =	sadd.s32 s16, s18;
	s16 =	sadd.s32 s16, s20  }
0xf: {  	s19 =	sshrl.u32 s19, $0x3;
	s15 =	sshrl.u32 s15, $0x3;
	s17 =	sshrl.u32 s25, $0x3  }
.Ltmp0:
0x10: {  	s26 =	sshrl.u32 s16, $0x3;
	s20 =	smax.u32 s3, $0x1;
	(pc) =	sbr.rel .LBB2_1-.Ltmp0, $4  }
0x11: {  	s25 =	simm.s32 $0x1B880;
	s19 =	sadd.s32 s0, s19;
	s15 =	sadd.s32 s0, s15  }
0x12: {  	v0 =	vimm.f32 $0.0e+00;
	v1 =	vimm.s32 $0x0;
	v2 =	vimm.s32 $0x1;
	s18 =	sadd.s32 s0, s17;
	[dreg:$0x4] =	wrdreg s15;
	s15 =	sshrl.u32 s24, $0x3  }
0x13: {  	v3 =	vimm.s32 $0x2;
	v4 =	vimm.s32 $0x3;
	v5 =	vimm.s32 $0x4;
	[dreg:$0x3] =	wrdreg s19;
	s19 =	sadd.s32 s0, s26;
	s15 =	sadd.s32 s0, s15  }
0x14: {  	v6 =	vimm.s32 $0x5;
	v7 =	vimm.s32 $0x6;
	v8 =	vimm.s32 $0x7;
	s24 =	simm.s32 $0x4;
	s26 =	simm.s32 $0x80;
	[dreg:$0x5] =	wrdreg s15  }
.LBB2_9:
0x15: {  	[bflag:$0x0] =	sbarrier.arrive $0xFFFF  }
0x16: {  	[tilespmem:s21], [sflag:$0x3] =	stream.linear.gather [spmem:s10], $0x4800, $0x38;
	[tilespmem:$0x1B900] =	vst v63  }
0x17: {  	_ =	swait.ge [sflag:s22], $0x4800  }
0x18: {  	[sflag:s22] =	ssyncset.done $0x0  }
0x19: {  	s0 =	rddreg [dreg:$0x3];
	[sflag:s22] =	ssyncadd.s32 $0xFFFFB800  }
0x1a: {  	[hbm4b:s0+s2] =	stream.linear.scatter [tilespmem:s21], [sflag:$0x3], $0x4800, $0x38;
	[tilespmem:$0x1B900] =	vst v63  }
0x1b: {  	_ =	swait.ge [sflag:s22], $0x4800  }
0x1c: {  	[sflag:s22] =	ssyncset.done $0x0  }
0x1d: {  	[sflag:s22] =	ssyncadd.s32 $0xFFFFB800  }
0x1e: {  	[tilespmem:s21], [sflag:$0x3] =	stream.linear.gather [spmem:s11], $0x4800, $0x38;
	[tilespmem:$0x1B900] =	vst v63  }
0x1f: {  	_ =	swait.ge [sflag:s22], $0x4800  }
0x20: {  	[sflag:s22] =	ssyncset.done $0x0  }
0x21: {  	s16 =	rddreg [dreg:$0x4];
	[sflag:s22] =	ssyncadd.s32 $0xFFFFB800  }
0x22: {  	[hbm4b:s16+s2] =	stream.linear.scatter [tilespmem:s21], [sflag:$0x3], $0x4800, $0x38;
	[tilespmem:$0x1B900] =	vst v63  }
0x23: {  	_ =	swait.ge [sflag:s22], $0x4800  }
0x24: {  	[sflag:s22] =	ssyncset.done $0x0  }
0x25: {  	[sflag:s22] =	ssyncadd.s32 $0xFFFFB800  }
0x26: {  	[tilespmem:s21], [sflag:$0x3] =	stream.linear.gather [spmem:s12], $0x4800, $0x38;
	[tilespmem:$0x1B900] =	vst v63  }
0x27: {  	_ =	swait.ge [sflag:s22], $0x4800  }
0x28: {  	[sflag:s22] =	ssyncset.done $0x0  }
0x29: {  	s17 =	rddreg [dreg:$0x5];
	[sflag:s22] =	ssyncadd.s32 $0xFFFFB800  }
0x2a: {  	[hbm4b:s17+s2] =	stream.linear.scatter [tilespmem:s21], [sflag:$0x3], $0x4800, $0x38;
	[tilespmem:$0x1B900] =	vst v63  }
0x2b: {  	_ =	swait.ge [sflag:s22], $0x4800  }
0x2c: {  	[sflag:s22] =	ssyncset.done $0x0  }
0x2d: {  	[sflag:s22] =	ssyncadd.s32 $0xFFFFB800  }
0x2e: {  	[tilespmem:s21], [sflag:$0x3] =	stream.linear.gather [spmem:s13], $0x4800, $0x38;
	[tilespmem:$0x1B900] =	vst v63  }
0x2f: {  	_ =	swait.ge [sflag:s22], $0x4800  }
0x30: {  	[sflag:s22] =	ssyncset.done $0x0  }
0x31: {  	[sflag:s22] =	ssyncadd.s32 $0xFFFFB800  }
0x32: {  	[hbm4b:s18+s2] =	stream.linear.scatter [tilespmem:s21], [sflag:$0x3], $0x4800, $0x38;
	[tilespmem:$0x1B900] =	vst v63  }
0x33: {  	_ =	swait.ge [sflag:s22], $0x4800  }
0x34: {  	[sflag:s22] =	ssyncset.done $0x0  }
0x35: {  	[sflag:s22] =	ssyncadd.s32 $0xFFFFB800  }
0x36: {  	[tilespmem:s21], [sflag:$0x3] =	stream.linear.gather [spmem:s14], $0x4800, $0x38;
	[tilespmem:$0x1B900] =	vst v63  }
0x37: {  	s31 =	sadd.s32 $0x1, s31;
	_ =	swait.ge [sflag:s22], $0x4800  }
0x38: {  	p0 =	sne.s32 s31, s20;
	[sflag:s22] =	ssyncset.done $0x0  }
.Ltmp1:
0x39: {  	[sflag:s22] =	ssyncadd.s32 $0xFFFFB800;
	(pc) =	sbr.rel @!p0 .LBB2_10-.Ltmp1, $4  }
0x3a: {  	[hbm4b:s19+s2] =	stream.linear.scatter [tilespmem:s21], [sflag:$0x3], $0x4800, $0x38;
	[tilespmem:$0x1B900] =	vst v63  }
0x3b: {  	_ =	swait.ge [sflag:s22], $0x4800  }
0x3c: {  	[sflag:s22] =	ssyncset.done $0x0  }
0x3d: {  	[sflag:s22] =	ssyncadd.s32 $0xFFFFB800  }
.LBB2_1:
0x3e: {  	s0 =	simm.s32 $0x0;
	s3 =	simm.s32 $0x240  }
.LBB2_2:
0x3f: {  	p0 =	sne.s32 s3, $0x11DC0;
	[tilespmem:s0+$0x16880] =	vst v0  }
0x40: {  	[tilespmem:s0+$0x16800] =	vst v0  }
0x41: {  	[tilespmem:s0+$0x16810] =	vst v0  }
0x42: {  	[tilespmem:s0+$0x16820] =	vst v0  }
.Ltmp2:
0x43: {  	[tilespmem:s0+$0x16830] =	vst v0;
	(pc) =	sbr.rel @p0 .LBB2_2-.Ltmp2, $4  }
0x44: {  	[tilespmem:s0+$0x16840] =	vst v0  }
0x45: {  	[tilespmem:s0+$0x16850] =	vst v0  }
0x46: {  	[tilespmem:s0+$0x16860] =	vst v0  }
0x47: {  	[tilespmem:s0+$0x16870] =	vst v0;
	s0 =	sshra.s32 s3, $0x2;
	s3 =	sadd.s32 $0x240, s3  }
0x48: {  	[tilespmem:s0+$0x16880] =	vst v0  }
0x49: {  	[tilespmem:s0+$0x16800] =	vst v0  }
0x4a: {  	[tilespmem:s0+$0x16810] =	vst v0  }
0x4b: {  	[tilespmem:s0+$0x16820] =	vst v0  }
0x4c: {  	[tilespmem:s0+$0x16830] =	vst v0  }
0x4d: {  	[tilespmem:s0+$0x16840] =	vst v0  }
0x4e: {  	[tilespmem:s0+$0x16850] =	vst v0  }
0x4f: {  	[tilespmem:s0+$0x16860] =	vst v0  }
0x50: {  	[tilespmem:s0+$0x16870] =	vst v0  }
0x51: {  	[spmem:s10] =	stream.linear.scatter [tilespmem:s21], [sflag:$0x3], $0x4800, $0x38;
	[tilespmem:$0x1B900] =	vst v63  }
0x52: {  	_ =	swait.ge [sflag:s22], $0x4800  }
0x53: {  	[sflag:s22] =	ssyncset.done $0x0  }
0x54: {  	[sflag:s22] =	ssyncadd.s32 $0xFFFFB800  }
0x55: {  	[spmem:s11] =	stream.linear.scatter [tilespmem:s21], [sflag:$0x3], $0x4800, $0x38;
	[tilespmem:$0x1B900] =	vst v63  }
0x56: {  	_ =	swait.ge [sflag:s22], $0x4800  }
0x57: {  	[sflag:s22] =	ssyncset.done $0x0  }
0x58: {  	[sflag:s22] =	ssyncadd.s32 $0xFFFFB800  }
0x59: {  	[spmem:s12] =	stream.linear.scatter [tilespmem:s21], [sflag:$0x3], $0x4800, $0x38;
	[tilespmem:$0x1B900] =	vst v63  }
0x5a: {  	_ =	swait.ge [sflag:s22], $0x4800  }
0x5b: {  	[sflag:s22] =	ssyncset.done $0x0  }
0x5c: {  	[sflag:s22] =	ssyncadd.s32 $0xFFFFB800  }
0x5d: {  	[spmem:s13] =	stream.linear.scatter [tilespmem:s21], [sflag:$0x3], $0x4800, $0x38;
	[tilespmem:$0x1B900] =	vst v63  }
0x5e: {  	_ =	swait.ge [sflag:s22], $0x4800  }
0x5f: {  	[sflag:s22] =	ssyncset.done $0x0  }
0x60: {  	[sflag:s22] =	ssyncadd.s32 $0xFFFFB800  }
0x61: {  	[spmem:s14] =	stream.linear.scatter [tilespmem:s21], [sflag:$0x3], $0x4800, $0x38;
	[tilespmem:$0x1B900] =	vst v63  }
.Ltmp3:
0x62: {  	_ =	swait.ge [sflag:s22], $0x4800;
	(pc) =	sbr.rel .LBB2_4-.Ltmp3, $4  }
0x63: {  	[sflag:s22] =	ssyncset.done $0x0  }
0x64: {  	[sflag:s22] =	ssyncadd.s32 $0xFFFFB800  }
0x65: {  	[bflag:$0x0] =	sbarrier.arrive $0xFFFF  }
0x66: {  	s0 =	simm.s32 $0x0  }
.LBB2_8:
0x67: {  	s0 =	sadd.s32 $0x1, s0  }
0x68: {  	p0 =	sne.s32 s0, $0x4F  }
.Ltmp4:
0x69: {  	_ = 	snop;
	(pc) =	sbr.rel @!p0 .LBB2_9-.Ltmp4, $1  }
0x6a: {  	_ =	sdelay $0x3  }
.LBB2_4:
0x6b: {  	s3 =	sshll.u32 s0, $0x5  }
0x6c: {  	s3 =	sor.u32 s9, s3  }
0x6d: {  	p0 =	sgt.u32 s3, $0x9C3  }
.Ltmp5:
0x6e: {  	_ = 	snop;
	(pc) =	sbr.rel @p0 .LBB2_8-.Ltmp5, $1  }
0x6f: {  	_ =	sdelay $0x3  }
0x70: {  	s3 =	sor.u32 s6, s3  }
0x71: {  	s3 =	sshll.u32 s3, $0x4  }
0x72: {  	s16 =	simm.s32 $0x0;
	s15 =	sadd.s32 s7, s3  }
0x73: {  	[tilespmem:s23], [sflag:$0x4] =	stream.linear.gather [hbm4b:s15+s16], $0x80, $0x38;
	[tilespmem:$0x1B900] =	vst v63  }
0x74: {  	_ =	swait.ge [sflag:s24], $0x80  }
0x75: {  	[sflag:s24] =	ssyncset.done $0x0  }
0x76: {  	s3 =	sadd.s32 s8, s3;
	[sflag:s24] =	ssyncadd.s32 $0xFFFFFF80  }
0x77: {  	[tilespmem:s25], [sflag:$0x4] =	stream.linear.gather [hbm4b:s3+s16], $0x80, $0x38;
	[tilespmem:$0x1B900] =	vst v63  }
0x78: {  	_ =	swait.ge [sflag:s24], $0x80  }
0x79: {  	[sflag:s24] =	ssyncset.done $0x0  }
0x7a: {  	[sflag:s24] =	ssyncadd.s32 $0xFFFFFF80  }
0x7b: {  	[tilespmem:s21], [sflag:$0x1] =	stream.indirect.gather [hbm4b:s4+s26], $0x90, s23, s26, $0xb8;
	[tilespmem:$0x1B900] =	vst v63  }
0x7c: {  	_ = 	snop  }
0x7d: {  	[tilespmem:s28], [sflag:$0x2] =	stream.indirect.gather [hbm4b:s5+s26], $0x10, s25, s26, $0xb8;
	[tilespmem:$0x1B900] =	vst v63  }
0x7e: {  	_ =	swait.ge [sflag:s29], $0x800  }
0x7f: {  	[sflag:s29] =	ssyncset.done $0x0  }
0x80: {  	[sflag:s29] =	ssyncadd.s32 $0xFFFFF800  }
0x81: {  	_ =	swait.ge [sflag:s30], $0x4800  }
0x82: {  	[sflag:s30] =	ssyncset.done $0x0  }
0x83: {  	s3 =	simm.s32 $0x16840;
	[sflag:s30] =	ssyncadd.s32 $0xFFFFB800  }
0x84: {  	s17 =	simm.s32 $0x0;
	s15 =	simm.s32 $0x16840;
	s16 =	simm.s32 $0x40;
	v9 =	vld [tilespmem:s3+$0x40]  }
.LBB2_6:
0x85: {  	p0 =	sne.s32 s16, $0x1FC0;
	v10 =	vld [tilespmem:s17+$0x1B000];
	_ =	sdelay $0x4  }
0x86: {  	v9 =	vadd.f32 v10, v9;
	_ =	sdelay $0x1  }
0x87: {  	v10 =	vmul.f32 $2.000000030e-01, v9  }
0x88: {  	vm0 =	vge.f32 v9, $0.0e+00  }
0x89: {  	v9 =	vsel vm0, v9, v10  }
0x8a: {  	v9 =	vmul.f32 $1.442695020e+00, v9;
	_ =	sdelay $0x1  }
0x8b: {  	(erf) = vpow2.f32 v9;
	_ =	sdelay $0x4  }
0x8c: {  	v9 =	vld [tilespmem:s3+$0x30]  }
0x8d: {  	v10 =	vld [tilespmem:s3+$0x20]  }
0x8e: {  	v11 =	vld [tilespmem:s3+$0x10]  }
0x8f: {  	v12 =	vld [tilespmem:s3+$0x0]  }
0x90: {  	v13 =	vld [tilespmem:s3+$0xFFFFFFF0];
	v14 =	vpop (erf)  }
0x91: {  	[tilespmem:s3+$0x40] =	vst v14;
	v15 =	vld [tilespmem:s3+$0xFFFFFFE0];
	v16 =	vperm.xlane v14, v7;
	v17 =	vperm.xlane v14, v8  }
0x92: {  	v19 =	vperm.xlane v14, v5;
	v20 =	vperm.xlane v14, v6;
	v18 =	vld [tilespmem:s3+$0xFFFFFFD0]  }
0x93: {  	v21 =	vld [tilespmem:s3+$0xFFFFFFC0];
	v10 =	vmul.f32 v10, v16;
	v9 =	vmul.f32 v9, v17  }
0x94: {  	v11 =	vmul.f32 v11, v20;
	v12 =	vmul.f32 v12, v19  }
0x95: {  	v16 =	vperm.xlane v14, v3;
	v17 =	vperm.xlane v14, v4;
	[tilespmem:s3+$0x30] =	vst v9  }
0x96: {  	v9 =	vperm.xlane v14, v1;
	v14 =	vperm.xlane v14, v2;
	[tilespmem:s3+$0x20] =	vst v10  }
0x97: {  	v13 =	vmul.f32 v13, v17;
	v10 =	vmul.f32 v15, v16;
	[tilespmem:s3+$0x10] =	vst v11  }
.Ltmp6:
0x98: {  	v11 =	vmul.f32 v21, v9;
	v9 =	vmul.f32 v18, v14;
	[tilespmem:s3+$0x0] =	vst v12;
	(pc) =	sbr.rel @p0 .LBB2_6-.Ltmp6, $4  }
0x99: {  	[tilespmem:s3+$0xFFFFFFF0] =	vst v13  }
0x9a: {  	[tilespmem:s3+$0xFFFFFFE0] =	vst v10  }
0x9b: {  	s3 =	sadd.s32 $0x90, s3;
	[tilespmem:s15+$0xFFFFFFD0] =	vst v9  }
0x9c: {  	s17 =	sshra.s32 s16, $0x2;
	s16 =	sadd.s32 $0x40, s16;
	v9 =	vld [tilespmem:s3+$0x40];
	[tilespmem:s15+$0xFFFFFFC0] =	vst v11;
	s15 =	smov.u32 s3  }
0x9d: {  	v10 =	vld [tilespmem:s17+$0x1B000];
	_ =	sdelay $0x4  }
0x9e: {  	v9 =	vadd.f32 v10, v9;
	_ =	sdelay $0x1  }
0x9f: {  	v10 =	vmul.f32 $2.000000030e-01, v9  }
0xa0: {  	vm0 =	vge.f32 v9, $0.0e+00  }
0xa1: {  	v9 =	vsel vm0, v9, v10  }
0xa2: {  	v9 =	vmul.f32 $1.442695020e+00, v9;
	_ =	sdelay $0x1  }
0xa3: {  	(erf) = vpow2.f32 v9;
	_ =	sdelay $0x6  }
0xa4: {  	v9 =	vld [tilespmem:s3+$0x30]  }
0xa5: {  	v10 =	vld [tilespmem:s3+$0x20]  }
0xa6: {  	v11 =	vld [tilespmem:s3+$0x10];
	v12 =	vpop (erf)  }
0xa7: {  	v15 =	vld [tilespmem:s3+$0xFFFFFFF0];
	v14 =	vperm.xlane v12, v8  }
0xa8: {  	v13 =	vld [tilespmem:s3+$0x0];
	v16 =	vperm.xlane v12, v7  }
0xa9: {  	v17 =	vld [tilespmem:s3+$0xFFFFFFE0];
	v18 =	vperm.xlane v12, v6;
	v9 =	vmul.f32 v9, v14  }
0xaa: {  	v59 =	vld [tilespmem:s3+$0xFFFFFFD0];
	[tilespmem:s3+$0x40] =	vst v12;
	v61 =	vperm.xlane v12, v4;
	v10 =	vmul.f32 v10, v16  }
0xab: {  	v60 =	vld [tilespmem:s3+$0xFFFFFFC0];
	v19 =	vperm.xlane v12, v5;
	v11 =	vmul.f32 v11, v18;
	[tilespmem:s3+$0x30] =	vst v9  }
0xac: {  	v62 =	vperm.xlane v12, v3;
	v15 =	vmul.f32 v15, v61;
	[tilespmem:s3+$0x20] =	vst v10  }
0xad: {  	v9 =	vmul.f32 v13, v19;
	v10 =	vperm.xlane v12, v2;
	[tilespmem:s3+$0x10] =	vst v11  }
0xae: {  	v63 =	vmul.f32 v17, v62;
	v11 =	vperm.xlane v12, v1;
	[tilespmem:s3+$0xFFFFFFF0] =	vst v15  }
0xaf: {  	[tilespmem:s3+$0x0] =	vst v9;
	v9 =	vmul.f32 v59, v10  }
0xb0: {  	[tilespmem:s3+$0xFFFFFFE0] =	vst v63;
	v10 =	vmul.f32 v60, v11  }
0xb1: {  	[tilespmem:s15+$0xFFFFFFD0] =	vst v9  }
.Ltmp7:
0xb2: {  	[tilespmem:s15+$0xFFFFFFC0] =	vst v10;
	(pc) =	sbr.rel .LBB2_8-.Ltmp7, $4  }
0xb3: {  	[spmem:s1] =	stream.indirect.scatter.add.f32 [tilespmem:s21], [sflag:$0x3], $0x90, s25, s26, $0xb8;
	[tilespmem:$0x1B900] =	vst v63  }
0xb4: {  	_ =	swait.ge [sflag:s22], $0x4800  }
0xb5: {  	[sflag:s22] =	ssyncset.done $0x0  }
0xb6: {  	[sflag:s22] =	ssyncadd.s32 $0xFFFFB800  }
.LBB2_10:
0xb7: {  	_ =	sfence.sel $0x180000  }
0xb8: {  	[bflag:$0x0] =	sbarrier.arrive $0xFFFF  }
0xb9: {  	_ =	strace $0x9000004D  }
0xba: {  	s0 =	stileid.u32;
	[bflag:$0x2] =	sbarrier.arrive $0xFFFF  }
0xbb: {  	p0 =	sne.s32 s0, $0x0;
	s0 =	rddreg [dreg:$0x2]  }
0xbc: {  	s0 =	sadd.s32 @!p0 $0x100000, s0  }
0xbd: {  	[sflag:s0] =	ssyncadd.tile.s32 @!p0 $0x1;
	_ =	shalt  }
.Lfunc_end2:
_tile_overlayer_lowered:
.L_overlay_start_2:
0xbe: {  	(tag) =	ssettag $0x2  }
0xbf: {  	s0 =	rddreg [dreg:$0x0];
	s2 =	stileid.u32  }
0xc0: {  	s1 =	rddreg [dreg:$0x1];
	p0 =	sne.s32 s2, $0x0  }
0xc1: {  	s3 =	rddreg [dreg:$0x2];
	[bflag:$0x3] =	sbarrier.arrive $0xFFFF;
	s2 =	simm.s32 @!p0 $0x1C03  }
0xc2: {  	[timem:s3], [sflag:s2] =	dma.local @!p0 [hbm:s0], s1  }
0xc3: {  	s0 =	simm.s32 @!p0 $0x3  }
0xc4: {  	_ =	swait.ge @!p0 [sflag:s0], s1  }
0xc5: {  	s1 =	ssub.s32 @!p0 $0x0, s1;
	[sflag:s0] =	ssyncset.done @!p0 $0x0  }
0xc6: {  	[sflag:s0] =	ssyncadd.s32 @!p0 s1  }
0xc7: {  	[bflag:$0x3] =	sbarrier.arrive $0xFFFF  }
0xc8: {  	_ =	shalt  }

</sc_bundles>
